<compile_context>
chip_gen: v7x
topology: tpu7x:2x2x1
jax: 0.10.2.dev20260603
libtpu: 0.0.44.dev20260713+nightly
codegen_flags: <defaults>
</compile_context>

<pallas_src>
import functools

import jax
import jax.numpy as jnp
from jax import lax
from jax.experimental import pallas as pl
from jax.experimental.pallas import tpu as pltpu
from jax.experimental.pallas import tpu_sc as plsc

N = 10000
NPAD = 10240
E = 320000
ROW = 128
EROWS = 2560
NC, NS = 2, 16
NW = NC * NS
ROWS_PER_W = EROWS // NW
RPT = NPAD // NS


def _sc_mesh():
    return plsc.VectorSubcoreMesh(core_axis_name="c", subcore_axis_name="s")


_SC_PARAMS = pltpu.CompilerParams(use_tc_tiling_on_sc=False)


def _edge_pass(d):

    NBUF = 2
    NITER = ROWS_PER_W // NBUF
    ZR = RPT // 4

    @functools.partial(
        pl.kernel,
        out_type=jax.ShapeDtypeStruct((NC, NPAD, d), jnp.float32),
        mesh=_sc_mesh(),
        compiler_params=_SC_PARAMS,
        scratch_types=[
            pltpu.VMEM((ROWS_PER_W, ROW), jnp.int32),
            pltpu.VMEM((ROWS_PER_W, ROW), jnp.int32),
            pltpu.VMEM((NBUF, ROW, d), jnp.float32),
            pltpu.VMEM((ZR, d), jnp.float32),
            pltpu.VMEM_SHARED((NPAD, d), jnp.float32),
            pltpu.VMEM_SHARED((NPAD, d), jnp.float32),
            [pltpu.SemaphoreType.DMA] * NBUF,
            [pltpu.SemaphoreType.DMA] * NBUF,
        ],
    )
    def kern(g_hbm, src_hbm, dst_hbm, out_hbm, src_v, dst_v, gbuf, zbuf, gtab,
             acc, gsems, ssems):
        c = lax.axis_index("c")
        s = lax.axis_index("s")
        wid = s * NC + c

        pltpu.sync_copy(g_hbm.at[pl.ds(s * RPT, RPT)],
                        gtab.at[pl.ds(s * RPT, RPT)])

        @pl.loop(0, ZR)
        def _(i):
            @pl.loop(0, d, step=16)
            def _(j):
                zbuf[i, pl.ds(j, 16)] = jnp.zeros((16,), jnp.float32)

        @pl.loop(0, RPT // ZR)
        def _(k):
            pltpu.sync_copy(zbuf, acc.at[pl.ds(s * RPT + k * ZR, ZR)])

        rb = wid * ROWS_PER_W
        pltpu.sync_copy(src_hbm.at[pl.ds(rb, ROWS_PER_W)], src_v)
        pltpu.sync_copy(dst_hbm.at[pl.ds(rb, ROWS_PER_W)], dst_v)
        plsc.subcore_barrier()

        for b in range(NBUF):
            pltpu.async_copy(gtab.at[src_v.at[b]], gbuf.at[b], gsems[b])

        @pl.loop(0, NITER)
        def _(it):
            j0 = it * NBUF
            for b in range(NBUF):
                j = j0 + b
                pltpu.make_async_copy(gtab.at[src_v.at[j]], gbuf.at[b],
                                      gsems[b]).wait()
                pltpu.async_copy(gbuf.at[b], acc.at[dst_v.at[j]], ssems[b],
                                 add=True)
            for b in range(NBUF):
                j = j0 + b
                pltpu.make_async_copy(gbuf.at[b], acc.at[dst_v.at[j]],
                                      ssems[b]).wait()

                @pl.when(j + NBUF < ROWS_PER_W)
                def _():
                    pltpu.async_copy(gtab.at[src_v.at[j + NBUF]], gbuf.at[b],
                                     gsems[b])

        plsc.subcore_barrier()
        pltpu.sync_copy(acc.at[pl.ds(s * RPT, RPT)],
                        out_hbm.at[c, pl.ds(s * RPT, RPT)])

    return kern


DEGW = 16


@functools.partial(
    pl.kernel,
    out_type=jax.ShapeDtypeStruct((NC, NPAD, DEGW), jnp.float32),
    mesh=_sc_mesh(),
    compiler_params=_SC_PARAMS,
    scratch_types=[
        pltpu.VMEM((ROWS_PER_W, ROW), jnp.int32),
        pltpu.VMEM((ROW, DEGW), jnp.float32),
        pltpu.VMEM((RPT, DEGW), jnp.float32),
        pltpu.VMEM_SHARED((NPAD, DEGW), jnp.float32),
        [pltpu.SemaphoreType.DMA] * 4,
    ],
)
def _deg_pass(dst_hbm, out_hbm, dst_v, ones_v, zbuf, acc, ssems):
    c = lax.axis_index("c")
    s = lax.axis_index("s")
    wid = s * NC + c

    @pl.loop(0, RPT)
    def _(i):
        zbuf[i, pl.ds(0, 16)] = jnp.zeros((16,), jnp.float32)

    @pl.loop(0, ROW)
    def _(i):
        ones_v[i, pl.ds(0, 16)] = jnp.ones((16,), jnp.float32)

    pltpu.sync_copy(zbuf, acc.at[pl.ds(s * RPT, RPT)])
    pltpu.sync_copy(dst_hbm.at[pl.ds(wid * ROWS_PER_W, ROWS_PER_W)], dst_v)
    plsc.subcore_barrier()

    @pl.loop(0, ROWS_PER_W // 4)
    def _(it):
        for b in range(4):
            j = it * 4 + b

            @pl.when(it > 0)
            def _():
                pltpu.make_async_copy(ones_v, acc.at[dst_v.at[j]],
                                      ssems[b]).wait()

            pltpu.async_copy(ones_v, acc.at[dst_v.at[j]], ssems[b], add=True)

    for b in range(4):
        pltpu.make_async_copy(ones_v, acc.at[dst_v.at[b]], ssems[b]).wait()

    plsc.subcore_barrier()
    pltpu.sync_copy(acc.at[pl.ds(s * RPT, RPT)],
                    out_hbm.at[c, pl.ds(s * RPT, RPT)])



TCB = 1280
_G = NPAD // TCB


def _rows(block_cols):
    return pl.BlockSpec((TCB, block_cols), lambda i: (i, 0))


def _full(shape):
    return pl.BlockSpec(shape, lambda i: tuple(0 for _ in shape))


def _pair(d):
    return pl.BlockSpec((NC, TCB, d), lambda i: (0, i, 0))


def _tc(body, in_specs, out_shapes, out_specs):
    return pl.pallas_call(
        body,
        grid=(_G,),
        in_specs=in_specs,
        out_specs=out_specs,
        out_shape=out_shapes,
    )


def _mm_body(x_ref, w_ref, o_ref):
    o_ref[...] = jnp.dot(x_ref[...], w_ref[...],
                         preferred_element_type=jnp.float32)


def _dinv(cnt_ref):
    return lax.rsqrt(1.0 + cnt_ref[0, :, 0:1] + cnt_ref[1, :, 0:1])


def _stageA2_body(h_ref, cnt_ref, g_ref):
    g_ref[...] = _dinv(cnt_ref) * h_ref[...]


def _stageB_body(es_ref, g_ref, cnt_ref, b_ref, w_ref, o_ref):
    dinv = _dinv(cnt_ref)
    z1 = jnp.maximum(
        dinv * (es_ref[0] + es_ref[1] + g_ref[...]) + b_ref[...], 0.0)
    o_ref[...] = dinv * jnp.dot(z1, w_ref[...],
                                preferred_element_type=jnp.float32)


def _stageC_body(es_ref, g_ref, cnt_ref, b_ref, z_ref, g3_ref):
    dinv = _dinv(cnt_ref)
    z = dinv * (es_ref[0] + es_ref[1] + g_ref[...]) + b_ref[...]
    z_ref[...] = z
    g3_ref[...] = dinv * z


def _stageD_body(es_ref, g_ref, cnt_ref, w_ref, b_ref, o_ref):
    dinv = _dinv(cnt_ref)
    pz = dinv * (es_ref[0] + es_ref[1] + g_ref[...])
    r3 = jnp.maximum(
        jnp.dot(pz, w_ref[...], preferred_element_type=jnp.float32)
        + b_ref[...], 0.0)
    o_ref[...] = dinv * r3


def _stageE_body(es_ref, g_ref, cnt_ref, w_ref, b_ref, o_ref):
    pr = _dinv(cnt_ref) * (es_ref[0] + es_ref[1] + g_ref[...])
    o_ref[...] = jnp.dot(pr, w_ref[...],
                         preferred_element_type=jnp.float32) + b_ref[...]


def kernel(x, edge_index, W1, b1, W2, b2, W3, b3, W4, b4):
    f32 = jnp.float32
    src = edge_index[0].astype(jnp.int32)
    dst = edge_index[1].astype(jnp.int32)
    npad_e = EROWS * ROW - E
    src2d = jnp.concatenate(
        [src, jnp.full((npad_e,), N, jnp.int32)]).reshape(EROWS, ROW)
    dst2d = jnp.concatenate(
        [dst, jnp.full((npad_e,), N, jnp.int32)]).reshape(EROWS, ROW)
    x_p = jnp.zeros((NPAD, 128), f32).at[:N].set(x)
    b1r, b2r = b1.reshape(1, 64), b2.reshape(1, 32)
    b3r, b4r = b3.reshape(1, 64), b4.reshape(1, 128)

    cnt = _deg_pass(dst2d)
    h1 = _tc(_mm_body, [_rows(128), _full((128, 64))],
             jax.ShapeDtypeStruct((NPAD, 64), f32), _rows(64))(x_p, W1)

    g1 = _tc(
        _stageA2_body, [_rows(64), _pair(DEGW)],
        jax.ShapeDtypeStruct((NPAD, 64), f32),
        _rows(64))(h1, cnt)

    es1 = _edge_pass(64)(g1, src2d, dst2d)
    g2 = _tc(
        _stageB_body,
        [_pair(64), _rows(64), _pair(DEGW), _full((1, 64)), _full((64, 32))],
        jax.ShapeDtypeStruct((NPAD, 32), f32),
        _rows(32))(es1, g1, cnt, b1r, W2)

    es2 = _edge_pass(32)(g2, src2d, dst2d)
    z_p, g3 = _tc(
        _stageC_body,
        [_pair(32), _rows(32), _pair(DEGW), _full((1, 32))],
        (jax.ShapeDtypeStruct((NPAD, 32), f32),
         jax.ShapeDtypeStruct((NPAD, 32), f32)),
        (_rows(32), _rows(32)))(es2, g2, cnt, b2r)

    es3 = _edge_pass(32)(g3, src2d, dst2d)
    g4 = _tc(
        _stageD_body,
        [_pair(32), _rows(32), _pair(DEGW), _full((32, 64)), _full((1, 64))],
        jax.ShapeDtypeStruct((NPAD, 64), f32),
        _rows(64))(es3, g3, cnt, W3, b3r)

    es4 = _edge_pass(64)(g4, src2d, dst2d)
    x_hat_p = _tc(
        _stageE_body,
        [_pair(64), _rows(64), _pair(DEGW), _full((64, 128)), _full((1, 128))],
        jax.ShapeDtypeStruct((NPAD, 128), f32),
        _rows(128))(es4, g4, cnt, W4, b4r)

    return (x_hat_p[:N], z_p[:N])

# --- scband reference (transcript-rebuilt; emitter-appended) ---
"""Pipeline reference for scband-gnnauto-encoder-35880156790969 (READ-ONLY COPY).

The authoritative reference and input builder live on the scoring server;
editing this copy changes nothing except your own understanding.
"""

import jax, jax.numpy as jnp
import numpy as np

N_NODES = 10000
N_EDGES = 320000
D_FEAT = 128
HIDDEN = 64
LATENT = 32


def _glorot(key, shape):
    fan_in, fan_out = shape[0], shape[1]
    limit = (6.0 / (fan_in + fan_out)) ** 0.5
    return jax.random.uniform(key, shape, dtype=jnp.float32, minval=-limit, maxval=limit)


def setup_inputs(seed: int = 0) -> dict:
    key = jax.random.key(seed)
    ks = jax.random.split(key, 10)
    x = jax.random.normal(ks[0], (N_NODES, D_FEAT), dtype=jnp.float32)
    edge_index = jax.random.randint(ks[1], (2, N_EDGES), 0, N_NODES, dtype=jnp.int64)
    W1 = _glorot(ks[2], (D_FEAT, HIDDEN))
    b1 = jnp.zeros((HIDDEN,), dtype=jnp.float32)
    W2 = _glorot(ks[3], (HIDDEN, LATENT))
    b2 = jnp.zeros((LATENT,), dtype=jnp.float32)
    W3 = _glorot(ks[4], (LATENT, HIDDEN))
    b3 = jnp.zeros((HIDDEN,), dtype=jnp.float32)
    W4 = _glorot(ks[5], (HIDDEN, D_FEAT))
    b4 = jnp.zeros((D_FEAT,), dtype=jnp.float32)
    return {"x": x, "edge_index": edge_index, "W1": W1, "b1": b1, "W2": W2, "b2": b2, "W3": W3, "b3": b3, "W4": W4, "b4": b4}


def gcn_conv(x, edge_index, W, b):
    # Faithful GCNConv: x' = D^{-1/2} (A + I) D^{-1/2} (x W) + b
    n = x.shape[0]
    h = x @ W
    loop = jnp.arange(n, dtype=edge_index.dtype)
    src = jnp.concatenate([edge_index[0], loop])
    dst = jnp.concatenate([edge_index[1], loop])
    deg = jax.ops.segment_sum(jnp.ones_like(dst, dtype=h.dtype), dst, num_segments=n)
    deg_inv_sqrt = jnp.where(deg > 0, deg ** -0.5, 0.0)
    norm = deg_inv_sqrt[src] * deg_inv_sqrt[dst]
    msg = h[src] * norm[:, None]
    out = jax.ops.segment_sum(msg, dst, num_segments=n)
    return out + b


def reference(x, edge_index, W1, b1, W2, b2, W3, b3, W4, b4):
    z = gcn_conv(x, edge_index, W1, b1)
    z = jax.nn.relu(z)
    z = gcn_conv(z, edge_index, W2, b2)
    x_hat = gcn_conv(z, edge_index, W3, b3)
    x_hat = jax.nn.relu(x_hat)
    x_hat = gcn_conv(x_hat, edge_index, W4, b4)
    return (x_hat, z)

if __name__ == "__main__":
    import jax
    _d = setup_inputs()
    print(jax.jit(kernel)(*tuple(_d.values())))

</pallas_src>

<mosaic_0001>
#map = affine_map<(d0, d1) -> (0, 0)>
#map1 = affine_map<(d0, d1) -> (0, 0, 0)>
module attributes {stable_mosaic.version = 14 : i64} {
  func.func @kern(%arg0: i32, %arg1: i32, %arg2: memref<10240x64xf32, #tpu.memory_space<hbm>>, %arg3: memref<2560x128xi32, #tpu.memory_space<hbm>>, %arg4: memref<2560x128xi32, #tpu.memory_space<hbm>>, %arg5: memref<2x10240x64xf32, #tpu.memory_space<hbm>>, %arg6: memref<80x128xi32, #tpu.memory_space<vmem>>, %arg7: memref<80x128xi32, #tpu.memory_space<vmem>>, %arg8: memref<2x128x64xf32, #tpu.memory_space<vmem>>, %arg9: memref<160x64xf32, #tpu.memory_space<vmem>>, %arg10: memref<10240x64xf32, #tpu.memory_space<vmem_shared>>, %arg11: memref<10240x64xf32, #tpu.memory_space<vmem_shared>>, %arg12: memref<!tpu.dma_semaphore, #tpu.memory_space<semaphore_mem>>, %arg13: memref<!tpu.dma_semaphore, #tpu.memory_space<semaphore_mem>>, %arg14: memref<!tpu.dma_semaphore, #tpu.memory_space<semaphore_mem>>, %arg15: memref<!tpu.dma_semaphore, #tpu.memory_space<semaphore_mem>>) attributes {dimension_semantics = [#tpu.dimension_semantics<core_parallel>, #tpu.dimension_semantics<subcore_parallel>], iteration_bounds = array<i64: 2, 16>, scalar_prefetch = 0 : i64, scratch_operands = 10 : i64, tpu.core_type = #tpu.core_type<sc_vector_subcore>, window_params = [{transform_indices = #map}, {transform_indices = #map}, {transform_indices = #map}, {transform_indices = #map1}]} {
    %mul3A = arith.constant 2 : i32
    %mul3A_0 = arith.muli %arg1, %mul3A : i32
    %add3A = arith.addi %mul3A_0, %arg0 : i32
    %mul3A_1 = arith.constant 640 : i32
    %mul3A_2 = arith.muli %arg1, %mul3A_1 : i32
    %mul3A_3 = arith.constant 640 : i32
    %mul3A_4 = arith.muli %arg1, %mul3A_3 : i32
    "tpu.region"() ({
      %run_scoped3A = tpu.sem_alloc : memref<!tpu.dma_semaphore, #tpu.memory_space<semaphore_mem>>
      %dma_start3A_49 = arith.constant 0 : i32
      %dma_start3A_50 = tpu.memref_slice %arg10[%mul3A_4, %dma_start3A_49] : memref<10240x64xf32, #tpu.memory_space<vmem_shared>> -> memref<640x64xf32, #tpu.memory_space<vmem_shared>>
      %dma_start3A_51 = arith.constant 0 : i32
      %dma_start3A_52 = tpu.memref_slice %arg2[%mul3A_2, %dma_start3A_51] : memref<10240x64xf32, #tpu.memory_space<hbm>> -> memref<640x64xf32, #tpu.memory_space<hbm>>
      tpu.enqueue_dma source(%dma_start3A_52 : memref<640x64xf32, #tpu.memory_space<hbm>>) target(%dma_start3A_50 : memref<640x64xf32, #tpu.memory_space<vmem_shared>>) target_semaphore(%run_scoped3A : memref<!tpu.dma_semaphore, #tpu.memory_space<semaphore_mem>>)
      %dma_wait3A = arith.constant 0 : i32
      %dma_wait3A_53 = tpu.memref_slice %arg10[%mul3A_4, %dma_wait3A] : memref<10240x64xf32, #tpu.memory_space<vmem_shared>> -> memref<640x64xf32, #tpu.memory_space<vmem_shared>>
      %dma_wait3A_54 = arith.constant 0 : i32
      %dma_wait3A_55 = tpu.memref_slice %arg2[%mul3A_2, %dma_wait3A_54] : memref<10240x64xf32, #tpu.memory_space<hbm>> -> memref<640x64xf32, #tpu.memory_space<hbm>>
      tpu.wait_dma2 semaphore(%run_scoped3A : memref<!tpu.dma_semaphore, #tpu.memory_space<semaphore_mem>>) src(%dma_wait3A_55 : memref<640x64xf32, #tpu.memory_space<hbm>>) dst(%dma_wait3A_53 : memref<640x64xf32, #tpu.memory_space<vmem_shared>>)
      tpu.yield
    }) : () -> ()
    %scan3A = arith.constant 0 : i32
    %scan3A_5 = arith.constant 160 : i32
    %scan3A_6 = arith.addi %scan3A, %scan3A_5 : i32
    %scan3A_7 = arith.constant 1 : i32
    scf.for %scan3A_49 = %scan3A to %scan3A_6 step %scan3A_7  : i32 {
      %mul3A_50 = arith.constant 1 : i32
      %mul3A_51 = arith.muli %scan3A_49, %mul3A_50 : i32
      %add3A_52 = arith.constant 0 : i32
      %add3A_53 = arith.addi %add3A_52, %mul3A_51 : i32
      %scan3A_54 = arith.constant 0 : i32
      %scan3A_55 = arith.constant 4 : i32
      %scan3A_56 = arith.addi %scan3A_54, %scan3A_55 : i32
      %scan3A_57 = arith.constant 1 : i32
      scf.for %scan3A_59 = %scan3A_54 to %scan3A_56 step %scan3A_57  : i32 {
        %mul3A_60 = arith.constant 16 : i32
        %mul3A_61 = arith.muli %scan3A_59, %mul3A_60 : i32
        %add3A_62 = arith.constant 0 : i32
        %add3A_63 = arith.addi %add3A_62, %mul3A_61 : i32
        %broadcast_in_dim3A = arith.constant 0.000000e+00 : f32
        %broadcast_in_dim3A_64 = vector.broadcast %broadcast_in_dim3A : f32 to vector<16xf32>
        %swap3A = arith.index_cast %add3A_53 : i32 to index
        %swap3A_65 = arith.index_cast %add3A_63 : i32 to index
        %swap3A_66 = tpu.vector_load %arg9[%swap3A, %swap3A_65] {strides = array<i32>} : memref<160x64xf32, #tpu.memory_space<vmem>>, vector<1x16xf32>,
        %swap3A_67 = vector.shape_cast %swap3A_66 : vector<1x16xf32> to vector<16xf32>
        %swap3A_68 = vector.shape_cast %broadcast_in_dim3A_64 : vector<16xf32> to vector<1x16xf32>
        tpu.vector_store %arg9[%swap3A, %swap3A_65], %swap3A_68 {strides = array<i32>} : memref<160x64xf32, #tpu.memory_space<vmem>>, vector<1x16xf32>,
      }
      %scan3A_58 = arith.constant 4 : i32
    }
    %scan3A_8 = arith.constant 160 : i32
    %scan3A_9 = arith.constant 0 : i32
    %scan3A_10 = arith.constant 4 : i32
    %scan3A_11 = arith.addi %scan3A_9, %scan3A_10 : i32
    %scan3A_12 = arith.constant 1 : i32
    scf.for %scan3A_49 = %scan3A_9 to %scan3A_11 step %scan3A_12  : i32 {
      %mul3A_50 = arith.constant 1 : i32
      %mul3A_51 = arith.muli %scan3A_49, %mul3A_50 : i32
      %add3A_52 = arith.constant 0 : i32
      %add3A_53 = arith.addi %add3A_52, %mul3A_51 : i32
      %mul3A_54 = arith.constant 640 : i32
      %mul3A_55 = arith.muli %arg1, %mul3A_54 : i32
      %mul3A_56 = arith.constant 160 : i32
      %mul3A_57 = arith.muli %add3A_53, %mul3A_56 : i32
      %add3A_58 = arith.addi %mul3A_55, %mul3A_57 : i32
      "tpu.region"() ({
        %run_scoped3A = tpu.sem_alloc : memref<!tpu.dma_semaphore, #tpu.memory_space<semaphore_mem>>
        %dma_start3A_59 = arith.constant 0 : i32
        %dma_start3A_60 = tpu.memref_slice %arg11[%add3A_58, %dma_start3A_59] : memref<10240x64xf32, #tpu.memory_space<vmem_shared>> -> memref<160x64xf32, #tpu.memory_space<vmem_shared>>
        %dma_start3A_61 = arith.constant 0 : i32
        %dma_start3A_62 = tpu.memref_slice %arg11[%add3A_58, %dma_start3A_61] : memref<10240x64xf32, #tpu.memory_space<vmem_shared>> -> memref<160x64xf32, #tpu.memory_space<vmem_shared>>
        tpu.enqueue_dma source(%arg9 : memref<160x64xf32, #tpu.memory_space<vmem>>) target(%dma_start3A_62 : memref<160x64xf32, #tpu.memory_space<vmem_shared>>) target_semaphore(%run_scoped3A : memref<!tpu.dma_semaphore, #tpu.memory_space<semaphore_mem>>)
        %dma_wait3A = arith.constant 0 : i32
        %dma_wait3A_63 = tpu.memref_slice %arg11[%add3A_58, %dma_wait3A] : memref<10240x64xf32, #tpu.memory_space<vmem_shared>> -> memref<160x64xf32, #tpu.memory_space<vmem_shared>>
        %dma_wait3A_64 = arith.constant 0 : i32
        %dma_wait3A_65 = tpu.memref_slice %arg11[%add3A_58, %dma_wait3A_64] : memref<10240x64xf32, #tpu.memory_space<vmem_shared>> -> memref<160x64xf32, #tpu.memory_space<vmem_shared>>
        tpu.wait_dma2 semaphore(%run_scoped3A : memref<!tpu.dma_semaphore, #tpu.memory_space<semaphore_mem>>) src(%arg9 : memref<160x64xf32, #tpu.memory_space<vmem>>) dst(%dma_wait3A_65 : memref<160x64xf32, #tpu.memory_space<vmem_shared>>)
        tpu.yield
      }) : () -> ()
    }
    %scan3A_13 = arith.constant 4 : i32
    %mul3A_14 = arith.constant 80 : i32
    %mul3A_15 = arith.muli %add3A, %mul3A_14 : i32
    "tpu.region"() ({
      %run_scoped3A = tpu.sem_alloc : memref<!tpu.dma_semaphore, #tpu.memory_space<semaphore_mem>>
      %dma_start3A_49 = arith.constant 0 : i32
      %dma_start3A_50 = tpu.memref_slice %arg3[%mul3A_15, %dma_start3A_49] : memref<2560x128xi32, #tpu.memory_space<hbm>> -> memref<80x128xi32, #tpu.memory_space<hbm>>
      %dma_start3A_51 = arith.constant 0 : i32
      %dma_start3A_52 = tpu.memref_slice %arg3[%mul3A_15, %dma_start3A_51] : memref<2560x128xi32, #tpu.memory_space<hbm>> -> memref<80x128xi32, #tpu.memory_space<hbm>>
      tpu.enqueue_dma source(%dma_start3A_52 : memref<80x128xi32, #tpu.memory_space<hbm>>) target(%arg6 : memref<80x128xi32, #tpu.memory_space<vmem>>) target_semaphore(%run_scoped3A : memref<!tpu.dma_semaphore, #tpu.memory_space<semaphore_mem>>)
      %dma_wait3A = arith.constant 0 : i32
      %dma_wait3A_53 = tpu.memref_slice %arg3[%mul3A_15, %dma_wait3A] : memref<2560x128xi32, #tpu.memory_space<hbm>> -> memref<80x128xi32, #tpu.memory_space<hbm>>
      %dma_wait3A_54 = arith.constant 0 : i32
      %dma_wait3A_55 = tpu.memref_slice %arg3[%mul3A_15, %dma_wait3A_54] : memref<2560x128xi32, #tpu.memory_space<hbm>> -> memref<80x128xi32, #tpu.memory_space<hbm>>
      tpu.wait_dma2 semaphore(%run_scoped3A : memref<!tpu.dma_semaphore, #tpu.memory_space<semaphore_mem>>) src(%dma_wait3A_55 : memref<80x128xi32, #tpu.memory_space<hbm>>) dst(%arg6 : memref<80x128xi32, #tpu.memory_space<vmem>>)
      tpu.yield
    }) : () -> ()
    "tpu.region"() ({
      %run_scoped3A = tpu.sem_alloc : memref<!tpu.dma_semaphore, #tpu.memory_space<semaphore_mem>>
      %dma_start3A_49 = arith.constant 0 : i32
      %dma_start3A_50 = tpu.memref_slice %arg4[%mul3A_15, %dma_start3A_49] : memref<2560x128xi32, #tpu.memory_space<hbm>> -> memref<80x128xi32, #tpu.memory_space<hbm>>
      %dma_start3A_51 = arith.constant 0 : i32
      %dma_start3A_52 = tpu.memref_slice %arg4[%mul3A_15, %dma_start3A_51] : memref<2560x128xi32, #tpu.memory_space<hbm>> -> memref<80x128xi32, #tpu.memory_space<hbm>>
      tpu.enqueue_dma source(%dma_start3A_52 : memref<80x128xi32, #tpu.memory_space<hbm>>) target(%arg7 : memref<80x128xi32, #tpu.memory_space<vmem>>) target_semaphore(%run_scoped3A : memref<!tpu.dma_semaphore, #tpu.memory_space<semaphore_mem>>)
      %dma_wait3A = arith.constant 0 : i32
      %dma_wait3A_53 = tpu.memref_slice %arg4[%mul3A_15, %dma_wait3A] : memref<2560x128xi32, #tpu.memory_space<hbm>> -> memref<80x128xi32, #tpu.memory_space<hbm>>
      %dma_wait3A_54 = arith.constant 0 : i32
      %dma_wait3A_55 = tpu.memref_slice %arg4[%mul3A_15, %dma_wait3A_54] : memref<2560x128xi32, #tpu.memory_space<hbm>> -> memref<80x128xi32, #tpu.memory_space<hbm>>
      tpu.wait_dma2 semaphore(%run_scoped3A : memref<!tpu.dma_semaphore, #tpu.memory_space<semaphore_mem>>) src(%dma_wait3A_55 : memref<80x128xi32, #tpu.memory_space<hbm>>) dst(%arg7 : memref<80x128xi32, #tpu.memory_space<vmem>>)
      tpu.yield
    }) : () -> ()
    %barrier3A = arith.constant 0 : index
    tpu.barrier barrier_id(%barrier3A)
    %dma_start3A = arith.constant 0 : i32
    %dma_start3A_16 = arith.constant 0 : i32
    %dma_start3A_17 = arith.constant 0 : i32
    %dma_start3A_18 = arith.constant 0 : i32
    %dma_start3A_19 = tpu.memref_slice %arg8[%dma_start3A_16, %dma_start3A_17, %dma_start3A_18] : memref<2x128x64xf32, #tpu.memory_space<vmem>> -> memref<1x128x64xf32, #tpu.memory_space<vmem>>
    %dma_start3A_20 = tpu.memref_squeeze %dma_start3A_19 : memref<1x128x64xf32, #tpu.memory_space<vmem>> -> memref<128x64xf32, #tpu.memory_space<vmem>>
    %dma_start3A_21 = arith.constant 0 : i32
    %dma_start3A_22 = tpu.memref_slice %arg6[%dma_start3A, %dma_start3A_21] : memref<80x128xi32, #tpu.memory_space<vmem>> -> memref<1x128xi32, #tpu.memory_space<vmem>>
    %dma_start3A_23 = tpu.memref_squeeze %dma_start3A_22 : memref<1x128xi32, #tpu.memory_space<vmem>> -> memref<128xi32, #tpu.memory_space<vmem>>
    %dma_start3A_24 = arith.constant 0 : i32
    %dma_start3A_25 = arith.constant 0 : i32
    %dma_start3A_26 = tpu.memref_slice %arg10[%dma_start3A_24, %dma_start3A_25] : memref<10240x64xf32, #tpu.memory_space<vmem_shared>> -> memref<10240x64xf32, #tpu.memory_space<vmem_shared>>
    tpu.enqueue_indirect_dma source(%dma_start3A_26 : memref<10240x64xf32, #tpu.memory_space<vmem_shared>>) target(%dma_start3A_20 : memref<128x64xf32, #tpu.memory_space<vmem>>) offsets(%dma_start3A_23 : memref<128xi32, #tpu.memory_space<vmem>>) semaphore(%arg12 : memref<!tpu.dma_semaphore, #tpu.memory_space<semaphore_mem>>)
    %dma_start3A_27 = arith.constant 1 : i32
    %dma_start3A_28 = arith.constant 1 : i32
    %dma_start3A_29 = arith.constant 0 : i32
    %dma_start3A_30 = arith.constant 0 : i32
    %dma_start3A_31 = tpu.memref_slice %arg8[%dma_start3A_28, %dma_start3A_29, %dma_start3A_30] : memref<2x128x64xf32, #tpu.memory_space<vmem>> -> memref<1x128x64xf32, #tpu.memory_space<vmem>>
    %dma_start3A_32 = tpu.memref_squeeze %dma_start3A_31 : memref<1x128x64xf32, #tpu.memory_space<vmem>> -> memref<128x64xf32, #tpu.memory_space<vmem>>
    %dma_start3A_33 = arith.constant 0 : i32
    %dma_start3A_34 = tpu.memref_slice %arg6[%dma_start3A_27, %dma_start3A_33] : memref<80x128xi32, #tpu.memory_space<vmem>> -> memref<1x128xi32, #tpu.memory_space<vmem>>
    %dma_start3A_35 = tpu.memref_squeeze %dma_start3A_34 : memref<1x128xi32, #tpu.memory_space<vmem>> -> memref<128xi32, #tpu.memory_space<vmem>>
    %dma_start3A_36 = arith.constant 0 : i32
    %dma_start3A_37 = arith.constant 0 : i32
    %dma_start3A_38 = tpu.memref_slice %arg10[%dma_start3A_36, %dma_start3A_37] : memref<10240x64xf32, #tpu.memory_space<vmem_shared>> -> memref<10240x64xf32, #tpu.memory_space<vmem_shared>>
    tpu.enqueue_indirect_dma source(%dma_start3A_38 : memref<10240x64xf32, #tpu.memory_space<vmem_shared>>) target(%dma_start3A_32 : memref<128x64xf32, #tpu.memory_space<vmem>>) offsets(%dma_start3A_35 : memref<128xi32, #tpu.memory_space<vmem>>) semaphore(%arg13 : memref<!tpu.dma_semaphore, #tpu.memory_space<semaphore_mem>>)
    %scan3A_39 = arith.constant 0 : i32
    %scan3A_40 = arith.constant 40 : i32
    %scan3A_41 = arith.addi %scan3A_39, %scan3A_40 : i32
    %scan3A_42 = arith.constant 1 : i32
    scf.for %scan3A_49 = %scan3A_39 to %scan3A_41 step %scan3A_42  : i32 {
      %mul3A_50 = arith.constant 1 : i32
      %mul3A_51 = arith.muli %scan3A_49, %mul3A_50 : i32
      %add3A_52 = arith.constant 0 : i32
      %add3A_53 = arith.addi %add3A_52, %mul3A_51 : i32
      %mul3A_54 = arith.constant 2 : i32
      %mul3A_55 = arith.muli %add3A_53, %mul3A_54 : i32
      %add3A_56 = arith.constant 0 : i32
      %add3A_57 = arith.addi %mul3A_55, %add3A_56 : i32
      %dma_wait3A = arith.constant 0 : i32
      %dma_wait3A_58 = arith.constant 0 : i32
      %dma_wait3A_59 = arith.constant 0 : i32
      %dma_wait3A_60 = tpu.memref_slice %arg8[%dma_wait3A, %dma_wait3A_58, %dma_wait3A_59] : memref<2x128x64xf32, #tpu.memory_space<vmem>> -> memref<1x128x64xf32, #tpu.memory_space<vmem>>
      %dma_wait3A_61 = tpu.memref_squeeze %dma_wait3A_60 : memref<1x128x64xf32, #tpu.memory_space<vmem>> -> memref<128x64xf32, #tpu.memory_space<vmem>>
      %dma_wait3A_62 = arith.constant 0 : i32
      %dma_wait3A_63 = tpu.memref_slice %arg6[%add3A_57, %dma_wait3A_62] : memref<80x128xi32, #tpu.memory_space<vmem>> -> memref<1x128xi32, #tpu.memory_space<vmem>>
      %dma_wait3A_64 = tpu.memref_squeeze %dma_wait3A_63 : memref<1x128xi32, #tpu.memory_space<vmem>> -> memref<128xi32, #tpu.memory_space<vmem>>
      %dma_wait3A_65 = arith.constant 0 : i32
      %dma_wait3A_66 = arith.constant 0 : i32
      %dma_wait3A_67 = tpu.memref_slice %arg10[%dma_wait3A_65, %dma_wait3A_66] : memref<10240x64xf32, #tpu.memory_space<vmem_shared>> -> memref<10240x64xf32, #tpu.memory_space<vmem_shared>>
      tpu.wait_indirect_dma semaphore(%arg12 : memref<!tpu.dma_semaphore, #tpu.memory_space<semaphore_mem>>) src(%dma_wait3A_67 : memref<10240x64xf32, #tpu.memory_space<vmem_shared>>) dst(%dma_wait3A_61 : memref<128x64xf32, #tpu.memory_space<vmem>>)
      %dma_start3A_68 = arith.constant 0 : i32
      %dma_start3A_69 = arith.constant 0 : i32
      %dma_start3A_70 = arith.constant 0 : i32
      %dma_start3A_71 = tpu.memref_slice %arg8[%dma_start3A_68, %dma_start3A_69, %dma_start3A_70] : memref<2x128x64xf32, #tpu.memory_space<vmem>> -> memref<1x128x64xf32, #tpu.memory_space<vmem>>
      %dma_start3A_72 = tpu.memref_squeeze %dma_start3A_71 : memref<1x128x64xf32, #tpu.memory_space<vmem>> -> memref<128x64xf32, #tpu.memory_space<vmem>>
      %dma_start3A_73 = arith.constant 0 : i32
      %dma_start3A_74 = tpu.memref_slice %arg7[%add3A_57, %dma_start3A_73] : memref<80x128xi32, #tpu.memory_space<vmem>> -> memref<1x128xi32, #tpu.memory_space<vmem>>
      %dma_start3A_75 = tpu.memref_squeeze %dma_start3A_74 : memref<1x128xi32, #tpu.memory_space<vmem>> -> memref<128xi32, #tpu.memory_space<vmem>>
      %dma_start3A_76 = arith.constant 0 : i32
      %dma_start3A_77 = arith.constant 0 : i32
      %dma_start3A_78 = tpu.memref_slice %arg11[%dma_start3A_76, %dma_start3A_77] : memref<10240x64xf32, #tpu.memory_space<vmem_shared>> -> memref<10240x64xf32, #tpu.memory_space<vmem_shared>>
      tpu.enqueue_indirect_dma source(%dma_start3A_72 : memref<128x64xf32, #tpu.memory_space<vmem>>) target(%dma_start3A_78 : memref<10240x64xf32, #tpu.memory_space<vmem_shared>>) offsets(%dma_start3A_75 : memref<128xi32, #tpu.memory_space<vmem>>) semaphore(%arg14 : memref<!tpu.dma_semaphore, #tpu.memory_space<semaphore_mem>>) {add = true}
      %add3A_79 = arith.constant 1 : i32
      %add3A_80 = arith.addi %mul3A_55, %add3A_79 : i32
      %dma_wait3A_81 = arith.constant 1 : i32
      %dma_wait3A_82 = arith.constant 0 : i32
      %dma_wait3A_83 = arith.constant 0 : i32
      %dma_wait3A_84 = tpu.memref_slice %arg8[%dma_wait3A_81, %dma_wait3A_82, %dma_wait3A_83] : memref<2x128x64xf32, #tpu.memory_space<vmem>> -> memref<1x128x64xf32, #tpu.memory_space<vmem>>
      %dma_wait3A_85 = tpu.memref_squeeze %dma_wait3A_84 : memref<1x128x64xf32, #tpu.memory_space<vmem>> -> memref<128x64xf32, #tpu.memory_space<vmem>>
      %dma_wait3A_86 = arith.constant 0 : i32
      %dma_wait3A_87 = tpu.memref_slice %arg6[%add3A_80, %dma_wait3A_86] : memref<80x128xi32, #tpu.memory_space<vmem>> -> memref<1x128xi32, #tpu.memory_space<vmem>>
      %dma_wait3A_88 = tpu.memref_squeeze %dma_wait3A_87 : memref<1x128xi32, #tpu.memory_space<vmem>> -> memref<128xi32, #tpu.memory_space<vmem>>
      %dma_wait3A_89 = arith.constant 0 : i32
      %dma_wait3A_90 = arith.constant 0 : i32
      %dma_wait3A_91 = tpu.memref_slice %arg10[%dma_wait3A_89, %dma_wait3A_90] : memref<10240x64xf32, #tpu.memory_space<vmem_shared>> -> memref<10240x64xf32, #tpu.memory_space<vmem_shared>>
      tpu.wait_indirect_dma semaphore(%arg13 : memref<!tpu.dma_semaphore, #tpu.memory_space<semaphore_mem>>) src(%dma_wait3A_91 : memref<10240x64xf32, #tpu.memory_space<vmem_shared>>) dst(%dma_wait3A_85 : memref<128x64xf32, #tpu.memory_space<vmem>>)
      %dma_start3A_92 = arith.constant 1 : i32
      %dma_start3A_93 = arith.constant 0 : i32
      %dma_start3A_94 = arith.constant 0 : i32
      %dma_start3A_95 = tpu.memref_slice %arg8[%dma_start3A_92, %dma_start3A_93, %dma_start3A_94] : memref<2x128x64xf32, #tpu.memory_space<vmem>> -> memref<1x128x64xf32, #tpu.memory_space<vmem>>
      %dma_start3A_96 = tpu.memref_squeeze %dma_start3A_95 : memref<1x128x64xf32, #tpu.memory_space<vmem>> -> memref<128x64xf32, #tpu.memory_space<vmem>>
      %dma_start3A_97 = arith.constant 0 : i32
      %dma_start3A_98 = tpu.memref_slice %arg7[%add3A_80, %dma_start3A_97] : memref<80x128xi32, #tpu.memory_space<vmem>> -> memref<1x128xi32, #tpu.memory_space<vmem>>
      %dma_start3A_99 = tpu.memref_squeeze %dma_start3A_98 : memref<1x128xi32, #tpu.memory_space<vmem>> -> memref<128xi32, #tpu.memory_space<vmem>>
      %dma_start3A_100 = arith.constant 0 : i32
      %dma_start3A_101 = arith.constant 0 : i32
      %dma_start3A_102 = tpu.memref_slice %arg11[%dma_start3A_100, %dma_start3A_101] : memref<10240x64xf32, #tpu.memory_space<vmem_shared>> -> memref<10240x64xf32, #tpu.memory_space<vmem_shared>>
      tpu.enqueue_indirect_dma source(%dma_start3A_96 : memref<128x64xf32, #tpu.memory_space<vmem>>) target(%dma_start3A_102 : memref<10240x64xf32, #tpu.memory_space<vmem_shared>>) offsets(%dma_start3A_99 : memref<128xi32, #tpu.memory_space<vmem>>) semaphore(%arg15 : memref<!tpu.dma_semaphore, #tpu.memory_space<semaphore_mem>>) {add = true}
      %add3A_103 = arith.constant 0 : i32
      %add3A_104 = arith.addi %mul3A_55, %add3A_103 : i32
      %dma_wait3A_105 = arith.constant 0 : i32
      %dma_wait3A_106 = arith.constant 0 : i32
      %dma_wait3A_107 = arith.constant 0 : i32
      %dma_wait3A_108 = tpu.memref_slice %arg8[%dma_wait3A_105, %dma_wait3A_106, %dma_wait3A_107] : memref<2x128x64xf32, #tpu.memory_space<vmem>> -> memref<1x128x64xf32, #tpu.memory_space<vmem>>
      %dma_wait3A_109 = tpu.memref_squeeze %dma_wait3A_108 : memref<1x128x64xf32, #tpu.memory_space<vmem>> -> memref<128x64xf32, #tpu.memory_space<vmem>>
      %dma_wait3A_110 = arith.constant 0 : i32
      %dma_wait3A_111 = tpu.memref_slice %arg7[%add3A_104, %dma_wait3A_110] : memref<80x128xi32, #tpu.memory_space<vmem>> -> memref<1x128xi32, #tpu.memory_space<vmem>>
      %dma_wait3A_112 = tpu.memref_squeeze %dma_wait3A_111 : memref<1x128xi32, #tpu.memory_space<vmem>> -> memref<128xi32, #tpu.memory_space<vmem>>
      %dma_wait3A_113 = arith.constant 0 : i32
      %dma_wait3A_114 = arith.constant 0 : i32
      %dma_wait3A_115 = tpu.memref_slice %arg11[%dma_wait3A_113, %dma_wait3A_114] : memref<10240x64xf32, #tpu.memory_space<vmem_shared>> -> memref<10240x64xf32, #tpu.memory_space<vmem_shared>>
      tpu.wait_indirect_dma semaphore(%arg14 : memref<!tpu.dma_semaphore, #tpu.memory_space<semaphore_mem>>) src(%dma_wait3A_109 : memref<128x64xf32, #tpu.memory_space<vmem>>) dst(%dma_wait3A_115 : memref<10240x64xf32, #tpu.memory_space<vmem_shared>>)
      %add3A_116 = arith.constant 2 : i32
      %add3A_117 = arith.addi %add3A_104, %add3A_116 : i32
      %lt3A = arith.constant 80 : i32
      %lt3A_118 = arith.cmpi slt, %add3A_117, %lt3A : i32
      %convert_element_type3A = arith.extui %lt3A_118 : i1 to i32
      %cond3A = arith.constant 0 : i32
      %cond3A_119 = arith.cmpi ne, %convert_element_type3A, %cond3A : i32
      scf.if %cond3A_119 {
        %add3A_140 = arith.constant 2 : i32
        %add3A_141 = arith.addi %add3A_104, %add3A_140 : i32
        %dma_start3A_142 = arith.constant 0 : i32
        %dma_start3A_143 = arith.constant 0 : i32
        %dma_start3A_144 = arith.constant 0 : i32
        %dma_start3A_145 = tpu.memref_slice %arg8[%dma_start3A_142, %dma_start3A_143, %dma_start3A_144] : memref<2x128x64xf32, #tpu.memory_space<vmem>> -> memref<1x128x64xf32, #tpu.memory_space<vmem>>
        %dma_start3A_146 = tpu.memref_squeeze %dma_start3A_145 : memref<1x128x64xf32, #tpu.memory_space<vmem>> -> memref<128x64xf32, #tpu.memory_space<vmem>>
        %dma_start3A_147 = arith.constant 0 : i32
        %dma_start3A_148 = tpu.memref_slice %arg6[%add3A_141, %dma_start3A_147] : memref<80x128xi32, #tpu.memory_space<vmem>> -> memref<1x128xi32, #tpu.memory_space<vmem>>
        %dma_start3A_149 = tpu.memref_squeeze %dma_start3A_148 : memref<1x128xi32, #tpu.memory_space<vmem>> -> memref<128xi32, #tpu.memory_space<vmem>>
        %dma_start3A_150 = arith.constant 0 : i32
        %dma_start3A_151 = arith.constant 0 : i32
        %dma_start3A_152 = tpu.memref_slice %arg10[%dma_start3A_150, %dma_start3A_151] : memref<10240x64xf32, #tpu.memory_space<vmem_shared>> -> memref<10240x64xf32, #tpu.memory_space<vmem_shared>>
        tpu.enqueue_indirect_dma source(%dma_start3A_152 : memref<10240x64xf32, #tpu.memory_space<vmem_shared>>) target(%dma_start3A_146 : memref<128x64xf32, #tpu.memory_space<vmem>>) offsets(%dma_start3A_149 : memref<128xi32, #tpu.memory_space<vmem>>) semaphore(%arg12 : memref<!tpu.dma_semaphore, #tpu.memory_space<semaphore_mem>>)
      } else {
      }
      %add3A_120 = arith.constant 1 : i32
      %add3A_121 = arith.addi %mul3A_55, %add3A_120 : i32
      %dma_wait3A_122 = arith.constant 1 : i32
      %dma_wait3A_123 = arith.constant 0 : i32
      %dma_wait3A_124 = arith.constant 0 : i32
      %dma_wait3A_125 = tpu.memref_slice %arg8[%dma_wait3A_122, %dma_wait3A_123, %dma_wait3A_124] : memref<2x128x64xf32, #tpu.memory_space<vmem>> -> memref<1x128x64xf32, #tpu.memory_space<vmem>>
      %dma_wait3A_126 = tpu.memref_squeeze %dma_wait3A_125 : memref<1x128x64xf32, #tpu.memory_space<vmem>> -> memref<128x64xf32, #tpu.memory_space<vmem>>
      %dma_wait3A_127 = arith.constant 0 : i32
      %dma_wait3A_128 = tpu.memref_slice %arg7[%add3A_121, %dma_wait3A_127] : memref<80x128xi32, #tpu.memory_space<vmem>> -> memref<1x128xi32, #tpu.memory_space<vmem>>
      %dma_wait3A_129 = tpu.memref_squeeze %dma_wait3A_128 : memref<1x128xi32, #tpu.memory_space<vmem>> -> memref<128xi32, #tpu.memory_space<vmem>>
      %dma_wait3A_130 = arith.constant 0 : i32
      %dma_wait3A_131 = arith.constant 0 : i32
      %dma_wait3A_132 = tpu.memref_slice %arg11[%dma_wait3A_130, %dma_wait3A_131] : memref<10240x64xf32, #tpu.memory_space<vmem_shared>> -> memref<10240x64xf32, #tpu.memory_space<vmem_shared>>
      tpu.wait_indirect_dma semaphore(%arg15 : memref<!tpu.dma_semaphore, #tpu.memory_space<semaphore_mem>>) src(%dma_wait3A_126 : memref<128x64xf32, #tpu.memory_space<vmem>>) dst(%dma_wait3A_132 : memref<10240x64xf32, #tpu.memory_space<vmem_shared>>)
      %add3A_133 = arith.constant 2 : i32
      %add3A_134 = arith.addi %add3A_121, %add3A_133 : i32
      %lt3A_135 = arith.constant 80 : i32
      %lt3A_136 = arith.cmpi slt, %add3A_134, %lt3A_135 : i32
      %convert_element_type3A_137 = arith.extui %lt3A_136 : i1 to i32
      %cond3A_138 = arith.constant 0 : i32
      %cond3A_139 = arith.cmpi ne, %convert_element_type3A_137, %cond3A_138 : i32
      scf.if %cond3A_139 {
        %add3A_140 = arith.constant 2 : i32
        %add3A_141 = arith.addi %add3A_121, %add3A_140 : i32
        %dma_start3A_142 = arith.constant 1 : i32
        %dma_start3A_143 = arith.constant 0 : i32
        %dma_start3A_144 = arith.constant 0 : i32
        %dma_start3A_145 = tpu.memref_slice %arg8[%dma_start3A_142, %dma_start3A_143, %dma_start3A_144] : memref<2x128x64xf32, #tpu.memory_space<vmem>> -> memref<1x128x64xf32, #tpu.memory_space<vmem>>
        %dma_start3A_146 = tpu.memref_squeeze %dma_start3A_145 : memref<1x128x64xf32, #tpu.memory_space<vmem>> -> memref<128x64xf32, #tpu.memory_space<vmem>>
        %dma_start3A_147 = arith.constant 0 : i32
        %dma_start3A_148 = tpu.memref_slice %arg6[%add3A_141, %dma_start3A_147] : memref<80x128xi32, #tpu.memory_space<vmem>> -> memref<1x128xi32, #tpu.memory_space<vmem>>
        %dma_start3A_149 = tpu.memref_squeeze %dma_start3A_148 : memref<1x128xi32, #tpu.memory_space<vmem>> -> memref<128xi32, #tpu.memory_space<vmem>>
        %dma_start3A_150 = arith.constant 0 : i32
        %dma_start3A_151 = arith.constant 0 : i32
        %dma_start3A_152 = tpu.memref_slice %arg10[%dma_start3A_150, %dma_start3A_151] : memref<10240x64xf32, #tpu.memory_space<vmem_shared>> -> memref<10240x64xf32, #tpu.memory_space<vmem_shared>>
        tpu.enqueue_indirect_dma source(%dma_start3A_152 : memref<10240x64xf32, #tpu.memory_space<vmem_shared>>) target(%dma_start3A_146 : memref<128x64xf32, #tpu.memory_space<vmem>>) offsets(%dma_start3A_149 : memref<128xi32, #tpu.memory_space<vmem>>) semaphore(%arg13 : memref<!tpu.dma_semaphore, #tpu.memory_space<semaphore_mem>>)
      } else {
      }
    }
    %scan3A_43 = arith.constant 40 : i32
    %barrier3A_44 = arith.constant 0 : index
    tpu.barrier barrier_id(%barrier3A_44)
    %mul3A_45 = arith.constant 640 : i32
    %mul3A_46 = arith.muli %arg1, %mul3A_45 : i32
    %mul3A_47 = arith.constant 640 : i32
    %mul3A_48 = arith.muli %arg1, %mul3A_47 : i32
    "tpu.region"() ({
      %run_scoped3A = tpu.sem_alloc : memref<!tpu.dma_semaphore, #tpu.memory_space<semaphore_mem>>
      %dma_start3A_49 = arith.constant 0 : i32
      %dma_start3A_50 = tpu.memref_slice %arg5[%arg0, %mul3A_48, %dma_start3A_49] : memref<2x10240x64xf32, #tpu.memory_space<hbm>> -> memref<1x640x64xf32, #tpu.memory_space<hbm>>
      %dma_start3A_51 = tpu.memref_squeeze %dma_start3A_50 : memref<1x640x64xf32, #tpu.memory_space<hbm>> -> memref<640x64xf32, #tpu.memory_space<hbm>>
      %dma_start3A_52 = arith.constant 0 : i32
      %dma_start3A_53 = tpu.memref_slice %arg11[%mul3A_46, %dma_start3A_52] : memref<10240x64xf32, #tpu.memory_space<vmem_shared>> -> memref<640x64xf32, #tpu.memory_space<vmem_shared>>
      tpu.enqueue_dma source(%dma_start3A_53 : memref<640x64xf32, #tpu.memory_space<vmem_shared>>) target(%dma_start3A_51 : memref<640x64xf32, #tpu.memory_space<hbm>>) target_semaphore(%run_scoped3A : memref<!tpu.dma_semaphore, #tpu.memory_space<semaphore_mem>>)
      %dma_wait3A = arith.constant 0 : i32
      %dma_wait3A_54 = tpu.memref_slice %arg5[%arg0, %mul3A_48, %dma_wait3A] : memref<2x10240x64xf32, #tpu.memory_space<hbm>> -> memref<1x640x64xf32, #tpu.memory_space<hbm>>
      %dma_wait3A_55 = tpu.memref_squeeze %dma_wait3A_54 : memref<1x640x64xf32, #tpu.memory_space<hbm>> -> memref<640x64xf32, #tpu.memory_space<hbm>>
      %dma_wait3A_56 = arith.constant 0 : i32
      %dma_wait3A_57 = tpu.memref_slice %arg11[%mul3A_46, %dma_wait3A_56] : memref<10240x64xf32, #tpu.memory_space<vmem_shared>> -> memref<640x64xf32, #tpu.memory_space<vmem_shared>>
      tpu.wait_dma2 semaphore(%run_scoped3A : memref<!tpu.dma_semaphore, #tpu.memory_space<semaphore_mem>>) src(%dma_wait3A_57 : memref<640x64xf32, #tpu.memory_space<vmem_shared>>) dst(%dma_wait3A_55 : memref<640x64xf32, #tpu.memory_space<hbm>>)
      tpu.yield
    }) : () -> ()
    return
  }
}

#map = affine_map<(d0, d1) -> (0, 0)>
#map1 = affine_map<(d0, d1) -> (0, 0, 0)>
module attributes {stable_mosaic.version = 14 : i64} {
  func.func @_deg_pass(%arg0: i32, %arg1: i32, %arg2: memref<2560x128xi32, #tpu.memory_space<hbm>>, %arg3: memref<2x10240x16xf32, #tpu.memory_space<hbm>>, %arg4: memref<80x128xi32, #tpu.memory_space<vmem>>, %arg5: memref<128x16xf32, #tpu.memory_space<vmem>>, %arg6: memref<640x16xf32, #tpu.memory_space<vmem>>, %arg7: memref<10240x16xf32, #tpu.memory_space<vmem_shared>>, %arg8: memref<!tpu.dma_semaphore, #tpu.memory_space<semaphore_mem>>, %arg9: memref<!tpu.dma_semaphore, #tpu.memory_space<semaphore_mem>>, %arg10: memref<!tpu.dma_semaphore, #tpu.memory_space<semaphore_mem>>, %arg11: memref<!tpu.dma_semaphore, #tpu.memory_space<semaphore_mem>>) attributes {dimension_semantics = [#tpu.dimension_semantics<core_parallel>, #tpu.dimension_semantics<subcore_parallel>], iteration_bounds = array<i64: 2, 16>, scalar_prefetch = 0 : i64, scratch_operands = 8 : i64, tpu.core_type = #tpu.core_type<sc_vector_subcore>, window_params = [{transform_indices = #map}, {transform_indices = #map1}]} {
    %mul3A = arith.constant 2 : i32
    %mul3A_0 = arith.muli %arg1, %mul3A : i32
    %add3A = arith.addi %mul3A_0, %arg0 : i32
    %scan3A = arith.constant 0 : i32
    %scan3A_1 = arith.constant 640 : i32
    %scan3A_2 = arith.addi %scan3A, %scan3A_1 : i32
    %scan3A_3 = arith.constant 1 : i32
    scf.for %scan3A_51 = %scan3A to %scan3A_2 step %scan3A_3  : i32 {
      %mul3A_52 = arith.constant 1 : i32
      %mul3A_53 = arith.muli %scan3A_51, %mul3A_52 : i32
      %add3A_54 = arith.constant 0 : i32
      %add3A_55 = arith.addi %add3A_54, %mul3A_53 : i32
      %broadcast_in_dim3A = arith.constant 0.000000e+00 : f32
      %broadcast_in_dim3A_56 = vector.broadcast %broadcast_in_dim3A : f32 to vector<16xf32>
      %swap3A = arith.index_cast %add3A_55 : i32 to index
      %swap3A_57 = arith.constant 0 : index
      %swap3A_58 = tpu.vector_load %arg6[%swap3A, %swap3A_57] {strides = array<i32>} : memref<640x16xf32, #tpu.memory_space<vmem>>, vector<1x16xf32>,
      %swap3A_59 = vector.shape_cast %swap3A_58 : vector<1x16xf32> to vector<16xf32>
      %swap3A_60 = vector.shape_cast %broadcast_in_dim3A_56 : vector<16xf32> to vector<1x16xf32>
      tpu.vector_store %arg6[%swap3A, %swap3A_57], %swap3A_60 {strides = array<i32>} : memref<640x16xf32, #tpu.memory_space<vmem>>, vector<1x16xf32>,
    }
    %scan3A_4 = arith.constant 640 : i32
    %scan3A_5 = arith.constant 0 : i32
    %scan3A_6 = arith.constant 128 : i32
    %scan3A_7 = arith.addi %scan3A_5, %scan3A_6 : i32
    %scan3A_8 = arith.constant 1 : i32
    scf.for %scan3A_51 = %scan3A_5 to %scan3A_7 step %scan3A_8  : i32 {
      %mul3A_52 = arith.constant 1 : i32
      %mul3A_53 = arith.muli %scan3A_51, %mul3A_52 : i32
      %add3A_54 = arith.constant 0 : i32
      %add3A_55 = arith.addi %add3A_54, %mul3A_53 : i32
      %broadcast_in_dim3A = arith.constant 1.000000e+00 : f32
      %broadcast_in_dim3A_56 = vector.broadcast %broadcast_in_dim3A : f32 to vector<16xf32>
      %swap3A = arith.index_cast %add3A_55 : i32 to index
      %swap3A_57 = arith.constant 0 : index
      %swap3A_58 = tpu.vector_load %arg5[%swap3A, %swap3A_57] {strides = array<i32>} : memref<128x16xf32, #tpu.memory_space<vmem>>, vector<1x16xf32>,
      %swap3A_59 = vector.shape_cast %swap3A_58 : vector<1x16xf32> to vector<16xf32>
      %swap3A_60 = vector.shape_cast %broadcast_in_dim3A_56 : vector<16xf32> to vector<1x16xf32>
      tpu.vector_store %arg5[%swap3A, %swap3A_57], %swap3A_60 {strides = array<i32>} : memref<128x16xf32, #tpu.memory_space<vmem>>, vector<1x16xf32>,
    }
    %scan3A_9 = arith.constant 128 : i32
    %mul3A_10 = arith.constant 640 : i32
    %mul3A_11 = arith.muli %arg1, %mul3A_10 : i32
    "tpu.region"() ({
      %run_scoped3A = tpu.sem_alloc : memref<!tpu.dma_semaphore, #tpu.memory_space<semaphore_mem>>
      %dma_start3A = arith.constant 0 : i32
      %dma_start3A_51 = tpu.memref_slice %arg7[%mul3A_11, %dma_start3A] : memref<10240x16xf32, #tpu.memory_space<vmem_shared>> -> memref<640x16xf32, #tpu.memory_space<vmem_shared>>
      %dma_start3A_52 = arith.constant 0 : i32
      %dma_start3A_53 = tpu.memref_slice %arg7[%mul3A_11, %dma_start3A_52] : memref<10240x16xf32, #tpu.memory_space<vmem_shared>> -> memref<640x16xf32, #tpu.memory_space<vmem_shared>>
      tpu.enqueue_dma source(%arg6 : memref<640x16xf32, #tpu.memory_space<vmem>>) target(%dma_start3A_53 : memref<640x16xf32, #tpu.memory_space<vmem_shared>>) target_semaphore(%run_scoped3A : memref<!tpu.dma_semaphore, #tpu.memory_space<semaphore_mem>>)
      %dma_wait3A_54 = arith.constant 0 : i32
      %dma_wait3A_55 = tpu.memref_slice %arg7[%mul3A_11, %dma_wait3A_54] : memref<10240x16xf32, #tpu.memory_space<vmem_shared>> -> memref<640x16xf32, #tpu.memory_space<vmem_shared>>
      %dma_wait3A_56 = arith.constant 0 : i32
      %dma_wait3A_57 = tpu.memref_slice %arg7[%mul3A_11, %dma_wait3A_56] : memref<10240x16xf32, #tpu.memory_space<vmem_shared>> -> memref<640x16xf32, #tpu.memory_space<vmem_shared>>
      tpu.wait_dma2 semaphore(%run_scoped3A : memref<!tpu.dma_semaphore, #tpu.memory_space<semaphore_mem>>) src(%arg6 : memref<640x16xf32, #tpu.memory_space<vmem>>) dst(%dma_wait3A_57 : memref<640x16xf32, #tpu.memory_space<vmem_shared>>)
      tpu.yield
    }) : () -> ()
    %mul3A_12 = arith.constant 80 : i32
    %mul3A_13 = arith.muli %add3A, %mul3A_12 : i32
    "tpu.region"() ({
      %run_scoped3A = tpu.sem_alloc : memref<!tpu.dma_semaphore, #tpu.memory_space<semaphore_mem>>
      %dma_start3A = arith.constant 0 : i32
      %dma_start3A_51 = tpu.memref_slice %arg2[%mul3A_13, %dma_start3A] : memref<2560x128xi32, #tpu.memory_space<hbm>> -> memref<80x128xi32, #tpu.memory_space<hbm>>
      %dma_start3A_52 = arith.constant 0 : i32
      %dma_start3A_53 = tpu.memref_slice %arg2[%mul3A_13, %dma_start3A_52] : memref<2560x128xi32, #tpu.memory_space<hbm>> -> memref<80x128xi32, #tpu.memory_space<hbm>>
      tpu.enqueue_dma source(%dma_start3A_53 : memref<80x128xi32, #tpu.memory_space<hbm>>) target(%arg4 : memref<80x128xi32, #tpu.memory_space<vmem>>) target_semaphore(%run_scoped3A : memref<!tpu.dma_semaphore, #tpu.memory_space<semaphore_mem>>)
      %dma_wait3A_54 = arith.constant 0 : i32
      %dma_wait3A_55 = tpu.memref_slice %arg2[%mul3A_13, %dma_wait3A_54] : memref<2560x128xi32, #tpu.memory_space<hbm>> -> memref<80x128xi32, #tpu.memory_space<hbm>>
      %dma_wait3A_56 = arith.constant 0 : i32
      %dma_wait3A_57 = tpu.memref_slice %arg2[%mul3A_13, %dma_wait3A_56] : memref<2560x128xi32, #tpu.memory_space<hbm>> -> memref<80x128xi32, #tpu.memory_space<hbm>>
      tpu.wait_dma2 semaphore(%run_scoped3A : memref<!tpu.dma_semaphore, #tpu.memory_space<semaphore_mem>>) src(%dma_wait3A_57 : memref<80x128xi32, #tpu.memory_space<hbm>>) dst(%arg4 : memref<80x128xi32, #tpu.memory_space<vmem>>)
      tpu.yield
    }) : () -> ()
    %barrier3A = arith.constant 0 : index
    tpu.barrier barrier_id(%barrier3A)
    %scan3A_14 = arith.constant 0 : i32
    %scan3A_15 = arith.constant 20 : i32
    %scan3A_16 = arith.addi %scan3A_14, %scan3A_15 : i32
    %scan3A_17 = arith.constant 1 : i32
    scf.for %scan3A_51 = %scan3A_14 to %scan3A_16 step %scan3A_17  : i32 {
      %mul3A_52 = arith.constant 1 : i32
      %mul3A_53 = arith.muli %scan3A_51, %mul3A_52 : i32
      %add3A_54 = arith.constant 0 : i32
      %add3A_55 = arith.addi %add3A_54, %mul3A_53 : i32
      %mul3A_56 = arith.constant 4 : i32
      %mul3A_57 = arith.muli %add3A_55, %mul3A_56 : i32
      %add3A_58 = arith.constant 0 : i32
      %add3A_59 = arith.addi %mul3A_57, %add3A_58 : i32
      %gt3A = arith.constant 0 : i32
      %gt3A_60 = arith.cmpi sgt, %add3A_55, %gt3A : i32
      %convert_element_type3A = arith.extui %gt3A_60 : i1 to i32
      %cond3A = arith.constant 0 : i32
      %cond3A_61 = arith.cmpi ne, %convert_element_type3A, %cond3A : i32
      scf.if %cond3A_61 {
        %dma_wait3A_112 = arith.constant 0 : i32
        %dma_wait3A_113 = tpu.memref_slice %arg4[%add3A_59, %dma_wait3A_112] : memref<80x128xi32, #tpu.memory_space<vmem>> -> memref<1x128xi32, #tpu.memory_space<vmem>>
        %dma_wait3A_114 = tpu.memref_squeeze %dma_wait3A_113 : memref<1x128xi32, #tpu.memory_space<vmem>> -> memref<128xi32, #tpu.memory_space<vmem>>
        %dma_wait3A_115 = arith.constant 0 : i32
        %dma_wait3A_116 = arith.constant 0 : i32
        %dma_wait3A_117 = tpu.memref_slice %arg7[%dma_wait3A_115, %dma_wait3A_116] : memref<10240x16xf32, #tpu.memory_space<vmem_shared>> -> memref<10240x16xf32, #tpu.memory_space<vmem_shared>>
        tpu.wait_indirect_dma semaphore(%arg8 : memref<!tpu.dma_semaphore, #tpu.memory_space<semaphore_mem>>) src(%arg5 : memref<128x16xf32, #tpu.memory_space<vmem>>) dst(%dma_wait3A_117 : memref<10240x16xf32, #tpu.memory_space<vmem_shared>>)
      } else {
      }
      %dma_start3A = arith.constant 0 : i32
      %dma_start3A_62 = tpu.memref_slice %arg4[%add3A_59, %dma_start3A] : memref<80x128xi32, #tpu.memory_space<vmem>> -> memref<1x128xi32, #tpu.memory_space<vmem>>
      %dma_start3A_63 = tpu.memref_squeeze %dma_start3A_62 : memref<1x128xi32, #tpu.memory_space<vmem>> -> memref<128xi32, #tpu.memory_space<vmem>>
      %dma_start3A_64 = arith.constant 0 : i32
      %dma_start3A_65 = arith.constant 0 : i32
      %dma_start3A_66 = tpu.memref_slice %arg7[%dma_start3A_64, %dma_start3A_65] : memref<10240x16xf32, #tpu.memory_space<vmem_shared>> -> memref<10240x16xf32, #tpu.memory_space<vmem_shared>>
      tpu.enqueue_indirect_dma source(%arg5 : memref<128x16xf32, #tpu.memory_space<vmem>>) target(%dma_start3A_66 : memref<10240x16xf32, #tpu.memory_space<vmem_shared>>) offsets(%dma_start3A_63 : memref<128xi32, #tpu.memory_space<vmem>>) semaphore(%arg8 : memref<!tpu.dma_semaphore, #tpu.memory_space<semaphore_mem>>) {add = true}
      %mul3A_67 = arith.constant 4 : i32
      %mul3A_68 = arith.muli %add3A_55, %mul3A_67 : i32
      %add3A_69 = arith.constant 1 : i32
      %add3A_70 = arith.addi %mul3A_68, %add3A_69 : i32
      %gt3A_71 = arith.constant 0 : i32
      %gt3A_72 = arith.cmpi sgt, %add3A_55, %gt3A_71 : i32
      %convert_element_type3A_73 = arith.extui %gt3A_72 : i1 to i32
      %cond3A_74 = arith.constant 0 : i32
      %cond3A_75 = arith.cmpi ne, %convert_element_type3A_73, %cond3A_74 : i32
      scf.if %cond3A_75 {
        %dma_wait3A_112 = arith.constant 0 : i32
        %dma_wait3A_113 = tpu.memref_slice %arg4[%add3A_70, %dma_wait3A_112] : memref<80x128xi32, #tpu.memory_space<vmem>> -> memref<1x128xi32, #tpu.memory_space<vmem>>
        %dma_wait3A_114 = tpu.memref_squeeze %dma_wait3A_113 : memref<1x128xi32, #tpu.memory_space<vmem>> -> memref<128xi32, #tpu.memory_space<vmem>>
        %dma_wait3A_115 = arith.constant 0 : i32
        %dma_wait3A_116 = arith.constant 0 : i32
        %dma_wait3A_117 = tpu.memref_slice %arg7[%dma_wait3A_115, %dma_wait3A_116] : memref<10240x16xf32, #tpu.memory_space<vmem_shared>> -> memref<10240x16xf32, #tpu.memory_space<vmem_shared>>
        tpu.wait_indirect_dma semaphore(%arg9 : memref<!tpu.dma_semaphore, #tpu.memory_space<semaphore_mem>>) src(%arg5 : memref<128x16xf32, #tpu.memory_space<vmem>>) dst(%dma_wait3A_117 : memref<10240x16xf32, #tpu.memory_space<vmem_shared>>)
      } else {
      }
      %dma_start3A_76 = arith.constant 0 : i32
      %dma_start3A_77 = tpu.memref_slice %arg4[%add3A_70, %dma_start3A_76] : memref<80x128xi32, #tpu.memory_space<vmem>> -> memref<1x128xi32, #tpu.memory_space<vmem>>
      %dma_start3A_78 = tpu.memref_squeeze %dma_start3A_77 : memref<1x128xi32, #tpu.memory_space<vmem>> -> memref<128xi32, #tpu.memory_space<vmem>>
      %dma_start3A_79 = arith.constant 0 : i32
      %dma_start3A_80 = arith.constant 0 : i32
      %dma_start3A_81 = tpu.memref_slice %arg7[%dma_start3A_79, %dma_start3A_80] : memref<10240x16xf32, #tpu.memory_space<vmem_shared>> -> memref<10240x16xf32, #tpu.memory_space<vmem_shared>>
      tpu.enqueue_indirect_dma source(%arg5 : memref<128x16xf32, #tpu.memory_space<vmem>>) target(%dma_start3A_81 : memref<10240x16xf32, #tpu.memory_space<vmem_shared>>) offsets(%dma_start3A_78 : memref<128xi32, #tpu.memory_space<vmem>>) semaphore(%arg9 : memref<!tpu.dma_semaphore, #tpu.memory_space<semaphore_mem>>) {add = true}
      %mul3A_82 = arith.constant 4 : i32
      %mul3A_83 = arith.muli %add3A_55, %mul3A_82 : i32
      %add3A_84 = arith.constant 2 : i32
      %add3A_85 = arith.addi %mul3A_83, %add3A_84 : i32
      %gt3A_86 = arith.constant 0 : i32
      %gt3A_87 = arith.cmpi sgt, %add3A_55, %gt3A_86 : i32
      %convert_element_type3A_88 = arith.extui %gt3A_87 : i1 to i32
      %cond3A_89 = arith.constant 0 : i32
      %cond3A_90 = arith.cmpi ne, %convert_element_type3A_88, %cond3A_89 : i32
      scf.if %cond3A_90 {
        %dma_wait3A_112 = arith.constant 0 : i32
        %dma_wait3A_113 = tpu.memref_slice %arg4[%add3A_85, %dma_wait3A_112] : memref<80x128xi32, #tpu.memory_space<vmem>> -> memref<1x128xi32, #tpu.memory_space<vmem>>
        %dma_wait3A_114 = tpu.memref_squeeze %dma_wait3A_113 : memref<1x128xi32, #tpu.memory_space<vmem>> -> memref<128xi32, #tpu.memory_space<vmem>>
        %dma_wait3A_115 = arith.constant 0 : i32
        %dma_wait3A_116 = arith.constant 0 : i32
        %dma_wait3A_117 = tpu.memref_slice %arg7[%dma_wait3A_115, %dma_wait3A_116] : memref<10240x16xf32, #tpu.memory_space<vmem_shared>> -> memref<10240x16xf32, #tpu.memory_space<vmem_shared>>
        tpu.wait_indirect_dma semaphore(%arg10 : memref<!tpu.dma_semaphore, #tpu.memory_space<semaphore_mem>>) src(%arg5 : memref<128x16xf32, #tpu.memory_space<vmem>>) dst(%dma_wait3A_117 : memref<10240x16xf32, #tpu.memory_space<vmem_shared>>)
      } else {
      }
      %dma_start3A_91 = arith.constant 0 : i32
      %dma_start3A_92 = tpu.memref_slice %arg4[%add3A_85, %dma_start3A_91] : memref<80x128xi32, #tpu.memory_space<vmem>> -> memref<1x128xi32, #tpu.memory_space<vmem>>
      %dma_start3A_93 = tpu.memref_squeeze %dma_start3A_92 : memref<1x128xi32, #tpu.memory_space<vmem>> -> memref<128xi32, #tpu.memory_space<vmem>>
      %dma_start3A_94 = arith.constant 0 : i32
      %dma_start3A_95 = arith.constant 0 : i32
      %dma_start3A_96 = tpu.memref_slice %arg7[%dma_start3A_94, %dma_start3A_95] : memref<10240x16xf32, #tpu.memory_space<vmem_shared>> -> memref<10240x16xf32, #tpu.memory_space<vmem_shared>>
      tpu.enqueue_indirect_dma source(%arg5 : memref<128x16xf32, #tpu.memory_space<vmem>>) target(%dma_start3A_96 : memref<10240x16xf32, #tpu.memory_space<vmem_shared>>) offsets(%dma_start3A_93 : memref<128xi32, #tpu.memory_space<vmem>>) semaphore(%arg10 : memref<!tpu.dma_semaphore, #tpu.memory_space<semaphore_mem>>) {add = true}
      %mul3A_97 = arith.constant 4 : i32
      %mul3A_98 = arith.muli %add3A_55, %mul3A_97 : i32
      %add3A_99 = arith.constant 3 : i32
      %add3A_100 = arith.addi %mul3A_98, %add3A_99 : i32
      %gt3A_101 = arith.constant 0 : i32
      %gt3A_102 = arith.cmpi sgt, %add3A_55, %gt3A_101 : i32
      %convert_element_type3A_103 = arith.extui %gt3A_102 : i1 to i32
      %cond3A_104 = arith.constant 0 : i32
      %cond3A_105 = arith.cmpi ne, %convert_element_type3A_103, %cond3A_104 : i32
      scf.if %cond3A_105 {
        %dma_wait3A_112 = arith.constant 0 : i32
        %dma_wait3A_113 = tpu.memref_slice %arg4[%add3A_100, %dma_wait3A_112] : memref<80x128xi32, #tpu.memory_space<vmem>> -> memref<1x128xi32, #tpu.memory_space<vmem>>
        %dma_wait3A_114 = tpu.memref_squeeze %dma_wait3A_113 : memref<1x128xi32, #tpu.memory_space<vmem>> -> memref<128xi32, #tpu.memory_space<vmem>>
        %dma_wait3A_115 = arith.constant 0 : i32
        %dma_wait3A_116 = arith.constant 0 : i32
        %dma_wait3A_117 = tpu.memref_slice %arg7[%dma_wait3A_115, %dma_wait3A_116] : memref<10240x16xf32, #tpu.memory_space<vmem_shared>> -> memref<10240x16xf32, #tpu.memory_space<vmem_shared>>
        tpu.wait_indirect_dma semaphore(%arg11 : memref<!tpu.dma_semaphore, #tpu.memory_space<semaphore_mem>>) src(%arg5 : memref<128x16xf32, #tpu.memory_space<vmem>>) dst(%dma_wait3A_117 : memref<10240x16xf32, #tpu.memory_space<vmem_shared>>)
      } else {
      }
      %dma_start3A_106 = arith.constant 0 : i32
      %dma_start3A_107 = tpu.memref_slice %arg4[%add3A_100, %dma_start3A_106] : memref<80x128xi32, #tpu.memory_space<vmem>> -> memref<1x128xi32, #tpu.memory_space<vmem>>
      %dma_start3A_108 = tpu.memref_squeeze %dma_start3A_107 : memref<1x128xi32, #tpu.memory_space<vmem>> -> memref<128xi32, #tpu.memory_space<vmem>>
      %dma_start3A_109 = arith.constant 0 : i32
      %dma_start3A_110 = arith.constant 0 : i32
      %dma_start3A_111 = tpu.memref_slice %arg7[%dma_start3A_109, %dma_start3A_110] : memref<10240x16xf32, #tpu.memory_space<vmem_shared>> -> memref<10240x16xf32, #tpu.memory_space<vmem_shared>>
      tpu.enqueue_indirect_dma source(%arg5 : memref<128x16xf32, #tpu.memory_space<vmem>>) target(%dma_start3A_111 : memref<10240x16xf32, #tpu.memory_space<vmem_shared>>) offsets(%dma_start3A_108 : memref<128xi32, #tpu.memory_space<vmem>>) semaphore(%arg11 : memref<!tpu.dma_semaphore, #tpu.memory_space<semaphore_mem>>) {add = true}
    }
    %scan3A_18 = arith.constant 20 : i32
    %dma_wait3A = arith.constant 0 : i32
    %dma_wait3A_19 = arith.constant 0 : i32
    %dma_wait3A_20 = tpu.memref_slice %arg4[%dma_wait3A, %dma_wait3A_19] : memref<80x128xi32, #tpu.memory_space<vmem>> -> memref<1x128xi32, #tpu.memory_space<vmem>>
    %dma_wait3A_21 = tpu.memref_squeeze %dma_wait3A_20 : memref<1x128xi32, #tpu.memory_space<vmem>> -> memref<128xi32, #tpu.memory_space<vmem>>
    %dma_wait3A_22 = arith.constant 0 : i32
    %dma_wait3A_23 = arith.constant 0 : i32
    %dma_wait3A_24 = tpu.memref_slice %arg7[%dma_wait3A_22, %dma_wait3A_23] : memref<10240x16xf32, #tpu.memory_space<vmem_shared>> -> memref<10240x16xf32, #tpu.memory_space<vmem_shared>>
    tpu.wait_indirect_dma semaphore(%arg8 : memref<!tpu.dma_semaphore, #tpu.memory_space<semaphore_mem>>) src(%arg5 : memref<128x16xf32, #tpu.memory_space<vmem>>) dst(%dma_wait3A_24 : memref<10240x16xf32, #tpu.memory_space<vmem_shared>>)
    %dma_wait3A_25 = arith.constant 1 : i32
    %dma_wait3A_26 = arith.constant 0 : i32
    %dma_wait3A_27 = tpu.memref_slice %arg4[%dma_wait3A_25, %dma_wait3A_26] : memref<80x128xi32, #tpu.memory_space<vmem>> -> memref<1x128xi32, #tpu.memory_space<vmem>>
    %dma_wait3A_28 = tpu.memref_squeeze %dma_wait3A_27 : memref<1x128xi32, #tpu.memory_space<vmem>> -> memref<128xi32, #tpu.memory_space<vmem>>
    %dma_wait3A_29 = arith.constant 0 : i32
    %dma_wait3A_30 = arith.constant 0 : i32
    %dma_wait3A_31 = tpu.memref_slice %arg7[%dma_wait3A_29, %dma_wait3A_30] : memref<10240x16xf32, #tpu.memory_space<vmem_shared>> -> memref<10240x16xf32, #tpu.memory_space<vmem_shared>>
    tpu.wait_indirect_dma semaphore(%arg9 : memref<!tpu.dma_semaphore, #tpu.memory_space<semaphore_mem>>) src(%arg5 : memref<128x16xf32, #tpu.memory_space<vmem>>) dst(%dma_wait3A_31 : memref<10240x16xf32, #tpu.memory_space<vmem_shared>>)
    %dma_wait3A_32 = arith.constant 2 : i32
    %dma_wait3A_33 = arith.constant 0 : i32
    %dma_wait3A_34 = tpu.memref_slice %arg4[%dma_wait3A_32, %dma_wait3A_33] : memref<80x128xi32, #tpu.memory_space<vmem>> -> memref<1x128xi32, #tpu.memory_space<vmem>>
    %dma_wait3A_35 = tpu.memref_squeeze %dma_wait3A_34 : memref<1x128xi32, #tpu.memory_space<vmem>> -> memref<128xi32, #tpu.memory_space<vmem>>
    %dma_wait3A_36 = arith.constant 0 : i32
    %dma_wait3A_37 = arith.constant 0 : i32
    %dma_wait3A_38 = tpu.memref_slice %arg7[%dma_wait3A_36, %dma_wait3A_37] : memref<10240x16xf32, #tpu.memory_space<vmem_shared>> -> memref<10240x16xf32, #tpu.memory_space<vmem_shared>>
    tpu.wait_indirect_dma semaphore(%arg10 : memref<!tpu.dma_semaphore, #tpu.memory_space<semaphore_mem>>) src(%arg5 : memref<128x16xf32, #tpu.memory_space<vmem>>) dst(%dma_wait3A_38 : memref<10240x16xf32, #tpu.memory_space<vmem_shared>>)
    %dma_wait3A_39 = arith.constant 3 : i32
    %dma_wait3A_40 = arith.constant 0 : i32
    %dma_wait3A_41 = tpu.memref_slice %arg4[%dma_wait3A_39, %dma_wait3A_40] : memref<80x128xi32, #tpu.memory_space<vmem>> -> memref<1x128xi32, #tpu.memory_space<vmem>>
    %dma_wait3A_42 = tpu.memref_squeeze %dma_wait3A_41 : memref<1x128xi32, #tpu.memory_space<vmem>> -> memref<128xi32, #tpu.memory_space<vmem>>
    %dma_wait3A_43 = arith.constant 0 : i32
    %dma_wait3A_44 = arith.constant 0 : i32
    %dma_wait3A_45 = tpu.memref_slice %arg7[%dma_wait3A_43, %dma_wait3A_44] : memref<10240x16xf32, #tpu.memory_space<vmem_shared>> -> memref<10240x16xf32, #tpu.memory_space<vmem_shared>>
    tpu.wait_indirect_dma semaphore(%arg11 : memref<!tpu.dma_semaphore, #tpu.memory_space<semaphore_mem>>) src(%arg5 : memref<128x16xf32, #tpu.memory_space<vmem>>) dst(%dma_wait3A_45 : memref<10240x16xf32, #tpu.memory_space<vmem_shared>>)
    %barrier3A_46 = arith.constant 0 : index
    tpu.barrier barrier_id(%barrier3A_46)
    %mul3A_47 = arith.constant 640 : i32
    %mul3A_48 = arith.muli %arg1, %mul3A_47 : i32
    %mul3A_49 = arith.constant 640 : i32
    %mul3A_50 = arith.muli %arg1, %mul3A_49 : i32
    "tpu.region"() ({
      %run_scoped3A = tpu.sem_alloc : memref<!tpu.dma_semaphore, #tpu.memory_space<semaphore_mem>>
      %dma_start3A = arith.constant 0 : i32
      %dma_start3A_51 = tpu.memref_slice %arg3[%arg0, %mul3A_50, %dma_start3A] : memref<2x10240x16xf32, #tpu.memory_space<hbm>> -> memref<1x640x16xf32, #tpu.memory_space<hbm>>
      %dma_start3A_52 = tpu.memref_squeeze %dma_start3A_51 : memref<1x640x16xf32, #tpu.memory_space<hbm>> -> memref<640x16xf32, #tpu.memory_space<hbm>>
      %dma_start3A_53 = arith.constant 0 : i32
      %dma_start3A_54 = tpu.memref_slice %arg7[%mul3A_48, %dma_start3A_53] : memref<10240x16xf32, #tpu.memory_space<vmem_shared>> -> memref<640x16xf32, #tpu.memory_space<vmem_shared>>
      tpu.enqueue_dma source(%dma_start3A_54 : memref<640x16xf32, #tpu.memory_space<vmem_shared>>) target(%dma_start3A_52 : memref<640x16xf32, #tpu.memory_space<hbm>>) target_semaphore(%run_scoped3A : memref<!tpu.dma_semaphore, #tpu.memory_space<semaphore_mem>>)
      %dma_wait3A_55 = arith.constant 0 : i32
      %dma_wait3A_56 = tpu.memref_slice %arg3[%arg0, %mul3A_50, %dma_wait3A_55] : memref<2x10240x16xf32, #tpu.memory_space<hbm>> -> memref<1x640x16xf32, #tpu.memory_space<hbm>>
      %dma_wait3A_57 = tpu.memref_squeeze %dma_wait3A_56 : memref<1x640x16xf32, #tpu.memory_space<hbm>> -> memref<640x16xf32, #tpu.memory_space<hbm>>
      %dma_wait3A_58 = arith.constant 0 : i32
      %dma_wait3A_59 = tpu.memref_slice %arg7[%mul3A_48, %dma_wait3A_58] : memref<10240x16xf32, #tpu.memory_space<vmem_shared>> -> memref<640x16xf32, #tpu.memory_space<vmem_shared>>
      tpu.wait_dma2 semaphore(%run_scoped3A : memref<!tpu.dma_semaphore, #tpu.memory_space<semaphore_mem>>) src(%dma_wait3A_59 : memref<640x16xf32, #tpu.memory_space<vmem_shared>>) dst(%dma_wait3A_57 : memref<640x16xf32, #tpu.memory_space<hbm>>)
      tpu.yield
    }) : () -> ()
    return
  }
}

#map = affine_map<(d0, d1) -> (0, 0)>
#map1 = affine_map<(d0, d1) -> (0, 0, 0)>
module attributes {stable_mosaic.version = 14 : i64} {
  func.func @kern(%arg0: i32, %arg1: i32, %arg2: memref<10240x32xf32, #tpu.memory_space<hbm>>, %arg3: memref<2560x128xi32, #tpu.memory_space<hbm>>, %arg4: memref<2560x128xi32, #tpu.memory_space<hbm>>, %arg5: memref<2x10240x32xf32, #tpu.memory_space<hbm>>, %arg6: memref<80x128xi32, #tpu.memory_space<vmem>>, %arg7: memref<80x128xi32, #tpu.memory_space<vmem>>, %arg8: memref<2x128x32xf32, #tpu.memory_space<vmem>>, %arg9: memref<160x32xf32, #tpu.memory_space<vmem>>, %arg10: memref<10240x32xf32, #tpu.memory_space<vmem_shared>>, %arg11: memref<10240x32xf32, #tpu.memory_space<vmem_shared>>, %arg12: memref<!tpu.dma_semaphore, #tpu.memory_space<semaphore_mem>>, %arg13: memref<!tpu.dma_semaphore, #tpu.memory_space<semaphore_mem>>, %arg14: memref<!tpu.dma_semaphore, #tpu.memory_space<semaphore_mem>>, %arg15: memref<!tpu.dma_semaphore, #tpu.memory_space<semaphore_mem>>) attributes {dimension_semantics = [#tpu.dimension_semantics<core_parallel>, #tpu.dimension_semantics<subcore_parallel>], iteration_bounds = array<i64: 2, 16>, scalar_prefetch = 0 : i64, scratch_operands = 10 : i64, tpu.core_type = #tpu.core_type<sc_vector_subcore>, window_params = [{transform_indices = #map}, {transform_indices = #map}, {transform_indices = #map}, {transform_indices = #map1}]} {
    %mul3A = arith.constant 2 : i32
    %mul3A_0 = arith.muli %arg1, %mul3A : i32
    %add3A = arith.addi %mul3A_0, %arg0 : i32
    %mul3A_1 = arith.constant 640 : i32
    %mul3A_2 = arith.muli %arg1, %mul3A_1 : i32
    %mul3A_3 = arith.constant 640 : i32
    %mul3A_4 = arith.muli %arg1, %mul3A_3 : i32
    "tpu.region"() ({
      %run_scoped3A = tpu.sem_alloc : memref<!tpu.dma_semaphore, #tpu.memory_space<semaphore_mem>>
      %dma_start3A_49 = arith.constant 0 : i32
      %dma_start3A_50 = tpu.memref_slice %arg10[%mul3A_4, %dma_start3A_49] : memref<10240x32xf32, #tpu.memory_space<vmem_shared>> -> memref<640x32xf32, #tpu.memory_space<vmem_shared>>
      %dma_start3A_51 = arith.constant 0 : i32
      %dma_start3A_52 = tpu.memref_slice %arg2[%mul3A_2, %dma_start3A_51] : memref<10240x32xf32, #tpu.memory_space<hbm>> -> memref<640x32xf32, #tpu.memory_space<hbm>>
      tpu.enqueue_dma source(%dma_start3A_52 : memref<640x32xf32, #tpu.memory_space<hbm>>) target(%dma_start3A_50 : memref<640x32xf32, #tpu.memory_space<vmem_shared>>) target_semaphore(%run_scoped3A : memref<!tpu.dma_semaphore, #tpu.memory_space<semaphore_mem>>)
      %dma_wait3A = arith.constant 0 : i32
      %dma_wait3A_53 = tpu.memref_slice %arg10[%mul3A_4, %dma_wait3A] : memref<10240x32xf32, #tpu.memory_space<vmem_shared>> -> memref<640x32xf32, #tpu.memory_space<vmem_shared>>
      %dma_wait3A_54 = arith.constant 0 : i32
      %dma_wait3A_55 = tpu.memref_slice %arg2[%mul3A_2, %dma_wait3A_54] : memref<10240x32xf32, #tpu.memory_space<hbm>> -> memref<640x32xf32, #tpu.memory_space<hbm>>
      tpu.wait_dma2 semaphore(%run_scoped3A : memref<!tpu.dma_semaphore, #tpu.memory_space<semaphore_mem>>) src(%dma_wait3A_55 : memref<640x32xf32, #tpu.memory_space<hbm>>) dst(%dma_wait3A_53 : memref<640x32xf32, #tpu.memory_space<vmem_shared>>)
      tpu.yield
    }) : () -> ()
    %scan3A = arith.constant 0 : i32
    %scan3A_5 = arith.constant 160 : i32
    %scan3A_6 = arith.addi %scan3A, %scan3A_5 : i32
    %scan3A_7 = arith.constant 1 : i32
    scf.for %scan3A_49 = %scan3A to %scan3A_6 step %scan3A_7  : i32 {
      %mul3A_50 = arith.constant 1 : i32
      %mul3A_51 = arith.muli %scan3A_49, %mul3A_50 : i32
      %add3A_52 = arith.constant 0 : i32
      %add3A_53 = arith.addi %add3A_52, %mul3A_51 : i32
      %scan3A_54 = arith.constant 0 : i32
      %scan3A_55 = arith.constant 2 : i32
      %scan3A_56 = arith.addi %scan3A_54, %scan3A_55 : i32
      %scan3A_57 = arith.constant 1 : i32
      scf.for %scan3A_59 = %scan3A_54 to %scan3A_56 step %scan3A_57  : i32 {
        %mul3A_60 = arith.constant 16 : i32
        %mul3A_61 = arith.muli %scan3A_59, %mul3A_60 : i32
        %add3A_62 = arith.constant 0 : i32
        %add3A_63 = arith.addi %add3A_62, %mul3A_61 : i32
        %broadcast_in_dim3A = arith.constant 0.000000e+00 : f32
        %broadcast_in_dim3A_64 = vector.broadcast %broadcast_in_dim3A : f32 to vector<16xf32>
        %swap3A = arith.index_cast %add3A_53 : i32 to index
        %swap3A_65 = arith.index_cast %add3A_63 : i32 to index
        %swap3A_66 = tpu.vector_load %arg9[%swap3A, %swap3A_65] {strides = array<i32>} : memref<160x32xf32, #tpu.memory_space<vmem>>, vector<1x16xf32>,
        %swap3A_67 = vector.shape_cast %swap3A_66 : vector<1x16xf32> to vector<16xf32>
        %swap3A_68 = vector.shape_cast %broadcast_in_dim3A_64 : vector<16xf32> to vector<1x16xf32>
        tpu.vector_store %arg9[%swap3A, %swap3A_65], %swap3A_68 {strides = array<i32>} : memref<160x32xf32, #tpu.memory_space<vmem>>, vector<1x16xf32>,
      }
      %scan3A_58 = arith.constant 2 : i32
    }
    %scan3A_8 = arith.constant 160 : i32
    %scan3A_9 = arith.constant 0 : i32
    %scan3A_10 = arith.constant 4 : i32
    %scan3A_11 = arith.addi %scan3A_9, %scan3A_10 : i32
    %scan3A_12 = arith.constant 1 : i32
    scf.for %scan3A_49 = %scan3A_9 to %scan3A_11 step %scan3A_12  : i32 {
      %mul3A_50 = arith.constant 1 : i32
      %mul3A_51 = arith.muli %scan3A_49, %mul3A_50 : i32
      %add3A_52 = arith.constant 0 : i32
      %add3A_53 = arith.addi %add3A_52, %mul3A_51 : i32
      %mul3A_54 = arith.constant 640 : i32
      %mul3A_55 = arith.muli %arg1, %mul3A_54 : i32
      %mul3A_56 = arith.constant 160 : i32
      %mul3A_57 = arith.muli %add3A_53, %mul3A_56 : i32
      %add3A_58 = arith.addi %mul3A_55, %mul3A_57 : i32
      "tpu.region"() ({
        %run_scoped3A = tpu.sem_alloc : memref<!tpu.dma_semaphore, #tpu.memory_space<semaphore_mem>>
        %dma_start3A_59 = arith.constant 0 : i32
        %dma_start3A_60 = tpu.memref_slice %arg11[%add3A_58, %dma_start3A_59] : memref<10240x32xf32, #tpu.memory_space<vmem_shared>> -> memref<160x32xf32, #tpu.memory_space<vmem_shared>>
        %dma_start3A_61 = arith.constant 0 : i32
        %dma_start3A_62 = tpu.memref_slice %arg11[%add3A_58, %dma_start3A_61] : memref<10240x32xf32, #tpu.memory_space<vmem_shared>> -> memref<160x32xf32, #tpu.memory_space<vmem_shared>>
        tpu.enqueue_dma source(%arg9 : memref<160x32xf32, #tpu.memory_space<vmem>>) target(%dma_start3A_62 : memref<160x32xf32, #tpu.memory_space<vmem_shared>>) target_semaphore(%run_scoped3A : memref<!tpu.dma_semaphore, #tpu.memory_space<semaphore_mem>>)
        %dma_wait3A = arith.constant 0 : i32
        %dma_wait3A_63 = tpu.memref_slice %arg11[%add3A_58, %dma_wait3A] : memref<10240x32xf32, #tpu.memory_space<vmem_shared>> -> memref<160x32xf32, #tpu.memory_space<vmem_shared>>
        %dma_wait3A_64 = arith.constant 0 : i32
        %dma_wait3A_65 = tpu.memref_slice %arg11[%add3A_58, %dma_wait3A_64] : memref<10240x32xf32, #tpu.memory_space<vmem_shared>> -> memref<160x32xf32, #tpu.memory_space<vmem_shared>>
        tpu.wait_dma2 semaphore(%run_scoped3A : memref<!tpu.dma_semaphore, #tpu.memory_space<semaphore_mem>>) src(%arg9 : memref<160x32xf32, #tpu.memory_space<vmem>>) dst(%dma_wait3A_65 : memref<160x32xf32, #tpu.memory_space<vmem_shared>>)
        tpu.yield
      }) : () -> ()
    }
    %scan3A_13 = arith.constant 4 : i32
    %mul3A_14 = arith.constant 80 : i32
    %mul3A_15 = arith.muli %add3A, %mul3A_14 : i32
    "tpu.region"() ({
      %run_scoped3A = tpu.sem_alloc : memref<!tpu.dma_semaphore, #tpu.memory_space<semaphore_mem>>
      %dma_start3A_49 = arith.constant 0 : i32
      %dma_start3A_50 = tpu.memref_slice %arg3[%mul3A_15, %dma_start3A_49] : memref<2560x128xi32, #tpu.memory_space<hbm>> -> memref<80x128xi32, #tpu.memory_space<hbm>>
      %dma_start3A_51 = arith.constant 0 : i32
      %dma_start3A_52 = tpu.memref_slice %arg3[%mul3A_15, %dma_start3A_51] : memref<2560x128xi32, #tpu.memory_space<hbm>> -> memref<80x128xi32, #tpu.memory_space<hbm>>
      tpu.enqueue_dma source(%dma_start3A_52 : memref<80x128xi32, #tpu.memory_space<hbm>>) target(%arg6 : memref<80x128xi32, #tpu.memory_space<vmem>>) target_semaphore(%run_scoped3A : memref<!tpu.dma_semaphore, #tpu.memory_space<semaphore_mem>>)
      %dma_wait3A = arith.constant 0 : i32
      %dma_wait3A_53 = tpu.memref_slice %arg3[%mul3A_15, %dma_wait3A] : memref<2560x128xi32, #tpu.memory_space<hbm>> -> memref<80x128xi32, #tpu.memory_space<hbm>>
      %dma_wait3A_54 = arith.constant 0 : i32
      %dma_wait3A_55 = tpu.memref_slice %arg3[%mul3A_15, %dma_wait3A_54] : memref<2560x128xi32, #tpu.memory_space<hbm>> -> memref<80x128xi32, #tpu.memory_space<hbm>>
      tpu.wait_dma2 semaphore(%run_scoped3A : memref<!tpu.dma_semaphore, #tpu.memory_space<semaphore_mem>>) src(%dma_wait3A_55 : memref<80x128xi32, #tpu.memory_space<hbm>>) dst(%arg6 : memref<80x128xi32, #tpu.memory_space<vmem>>)
      tpu.yield
    }) : () -> ()
    "tpu.region"() ({
      %run_scoped3A = tpu.sem_alloc : memref<!tpu.dma_semaphore, #tpu.memory_space<semaphore_mem>>
      %dma_start3A_49 = arith.constant 0 : i32
      %dma_start3A_50 = tpu.memref_slice %arg4[%mul3A_15, %dma_start3A_49] : memref<2560x128xi32, #tpu.memory_space<hbm>> -> memref<80x128xi32, #tpu.memory_space<hbm>>
      %dma_start3A_51 = arith.constant 0 : i32
      %dma_start3A_52 = tpu.memref_slice %arg4[%mul3A_15, %dma_start3A_51] : memref<2560x128xi32, #tpu.memory_space<hbm>> -> memref<80x128xi32, #tpu.memory_space<hbm>>
      tpu.enqueue_dma source(%dma_start3A_52 : memref<80x128xi32, #tpu.memory_space<hbm>>) target(%arg7 : memref<80x128xi32, #tpu.memory_space<vmem>>) target_semaphore(%run_scoped3A : memref<!tpu.dma_semaphore, #tpu.memory_space<semaphore_mem>>)
      %dma_wait3A = arith.constant 0 : i32
      %dma_wait3A_53 = tpu.memref_slice %arg4[%mul3A_15, %dma_wait3A] : memref<2560x128xi32, #tpu.memory_space<hbm>> -> memref<80x128xi32, #tpu.memory_space<hbm>>
      %dma_wait3A_54 = arith.constant 0 : i32
      %dma_wait3A_55 = tpu.memref_slice %arg4[%mul3A_15, %dma_wait3A_54] : memref<2560x128xi32, #tpu.memory_space<hbm>> -> memref<80x128xi32, #tpu.memory_space<hbm>>
      tpu.wait_dma2 semaphore(%run_scoped3A : memref<!tpu.dma_semaphore, #tpu.memory_space<semaphore_mem>>) src(%dma_wait3A_55 : memref<80x128xi32, #tpu.memory_space<hbm>>) dst(%arg7 : memref<80x128xi32, #tpu.memory_space<vmem>>)
      tpu.yield
    }) : () -> ()
    %barrier3A = arith.constant 0 : index
    tpu.barrier barrier_id(%barrier3A)
    %dma_start3A = arith.constant 0 : i32
    %dma_start3A_16 = arith.constant 0 : i32
    %dma_start3A_17 = arith.constant 0 : i32
    %dma_start3A_18 = arith.constant 0 : i32
    %dma_start3A_19 = tpu.memref_slice %arg8[%dma_start3A_16, %dma_start3A_17, %dma_start3A_18] : memref<2x128x32xf32, #tpu.memory_space<vmem>> -> memref<1x128x32xf32, #tpu.memory_space<vmem>>
    %dma_start3A_20 = tpu.memref_squeeze %dma_start3A_19 : memref<1x128x32xf32, #tpu.memory_space<vmem>> -> memref<128x32xf32, #tpu.memory_space<vmem>>
    %dma_start3A_21 = arith.constant 0 : i32
    %dma_start3A_22 = tpu.memref_slice %arg6[%dma_start3A, %dma_start3A_21] : memref<80x128xi32, #tpu.memory_space<vmem>> -> memref<1x128xi32, #tpu.memory_space<vmem>>
    %dma_start3A_23 = tpu.memref_squeeze %dma_start3A_22 : memref<1x128xi32, #tpu.memory_space<vmem>> -> memref<128xi32, #tpu.memory_space<vmem>>
    %dma_start3A_24 = arith.constant 0 : i32
    %dma_start3A_25 = arith.constant 0 : i32
    %dma_start3A_26 = tpu.memref_slice %arg10[%dma_start3A_24, %dma_start3A_25] : memref<10240x32xf32, #tpu.memory_space<vmem_shared>> -> memref<10240x32xf32, #tpu.memory_space<vmem_shared>>
    tpu.enqueue_indirect_dma source(%dma_start3A_26 : memref<10240x32xf32, #tpu.memory_space<vmem_shared>>) target(%dma_start3A_20 : memref<128x32xf32, #tpu.memory_space<vmem>>) offsets(%dma_start3A_23 : memref<128xi32, #tpu.memory_space<vmem>>) semaphore(%arg12 : memref<!tpu.dma_semaphore, #tpu.memory_space<semaphore_mem>>)
    %dma_start3A_27 = arith.constant 1 : i32
    %dma_start3A_28 = arith.constant 1 : i32
    %dma_start3A_29 = arith.constant 0 : i32
    %dma_start3A_30 = arith.constant 0 : i32
    %dma_start3A_31 = tpu.memref_slice %arg8[%dma_start3A_28, %dma_start3A_29, %dma_start3A_30] : memref<2x128x32xf32, #tpu.memory_space<vmem>> -> memref<1x128x32xf32, #tpu.memory_space<vmem>>
    %dma_start3A_32 = tpu.memref_squeeze %dma_start3A_31 : memref<1x128x32xf32, #tpu.memory_space<vmem>> -> memref<128x32xf32, #tpu.memory_space<vmem>>
    %dma_start3A_33 = arith.constant 0 : i32
    %dma_start3A_34 = tpu.memref_slice %arg6[%dma_start3A_27, %dma_start3A_33] : memref<80x128xi32, #tpu.memory_space<vmem>> -> memref<1x128xi32, #tpu.memory_space<vmem>>
    %dma_start3A_35 = tpu.memref_squeeze %dma_start3A_34 : memref<1x128xi32, #tpu.memory_space<vmem>> -> memref<128xi32, #tpu.memory_space<vmem>>
    %dma_start3A_36 = arith.constant 0 : i32
    %dma_start3A_37 = arith.constant 0 : i32
    %dma_start3A_38 = tpu.memref_slice %arg10[%dma_start3A_36, %dma_start3A_37] : memref<10240x32xf32, #tpu.memory_space<vmem_shared>> -> memref<10240x32xf32, #tpu.memory_space<vmem_shared>>
    tpu.enqueue_indirect_dma source(%dma_start3A_38 : memref<10240x32xf32, #tpu.memory_space<vmem_shared>>) target(%dma_start3A_32 : memref<128x32xf32, #tpu.memory_space<vmem>>) offsets(%dma_start3A_35 : memref<128xi32, #tpu.memory_space<vmem>>) semaphore(%arg13 : memref<!tpu.dma_semaphore, #tpu.memory_space<semaphore_mem>>)
    %scan3A_39 = arith.constant 0 : i32
    %scan3A_40 = arith.constant 40 : i32
    %scan3A_41 = arith.addi %scan3A_39, %scan3A_40 : i32
    %scan3A_42 = arith.constant 1 : i32
    scf.for %scan3A_49 = %scan3A_39 to %scan3A_41 step %scan3A_42  : i32 {
      %mul3A_50 = arith.constant 1 : i32
      %mul3A_51 = arith.muli %scan3A_49, %mul3A_50 : i32
      %add3A_52 = arith.constant 0 : i32
      %add3A_53 = arith.addi %add3A_52, %mul3A_51 : i32
      %mul3A_54 = arith.constant 2 : i32
      %mul3A_55 = arith.muli %add3A_53, %mul3A_54 : i32
      %add3A_56 = arith.constant 0 : i32
      %add3A_57 = arith.addi %mul3A_55, %add3A_56 : i32
      %dma_wait3A = arith.constant 0 : i32
      %dma_wait3A_58 = arith.constant 0 : i32
      %dma_wait3A_59 = arith.constant 0 : i32
      %dma_wait3A_60 = tpu.memref_slice %arg8[%dma_wait3A, %dma_wait3A_58, %dma_wait3A_59] : memref<2x128x32xf32, #tpu.memory_space<vmem>> -> memref<1x128x32xf32, #tpu.memory_space<vmem>>
      %dma_wait3A_61 = tpu.memref_squeeze %dma_wait3A_60 : memref<1x128x32xf32, #tpu.memory_space<vmem>> -> memref<128x32xf32, #tpu.memory_space<vmem>>
      %dma_wait3A_62 = arith.constant 0 : i32
      %dma_wait3A_63 = tpu.memref_slice %arg6[%add3A_57, %dma_wait3A_62] : memref<80x128xi32, #tpu.memory_space<vmem>> -> memref<1x128xi32, #tpu.memory_space<vmem>>
      %dma_wait3A_64 = tpu.memref_squeeze %dma_wait3A_63 : memref<1x128xi32, #tpu.memory_space<vmem>> -> memref<128xi32, #tpu.memory_space<vmem>>
      %dma_wait3A_65 = arith.constant 0 : i32
      %dma_wait3A_66 = arith.constant 0 : i32
      %dma_wait3A_67 = tpu.memref_slice %arg10[%dma_wait3A_65, %dma_wait3A_66] : memref<10240x32xf32, #tpu.memory_space<vmem_shared>> -> memref<10240x32xf32, #tpu.memory_space<vmem_shared>>
      tpu.wait_indirect_dma semaphore(%arg12 : memref<!tpu.dma_semaphore, #tpu.memory_space<semaphore_mem>>) src(%dma_wait3A_67 : memref<10240x32xf32, #tpu.memory_space<vmem_shared>>) dst(%dma_wait3A_61 : memref<128x32xf32, #tpu.memory_space<vmem>>)
      %dma_start3A_68 = arith.constant 0 : i32
      %dma_start3A_69 = arith.constant 0 : i32
      %dma_start3A_70 = arith.constant 0 : i32
      %dma_start3A_71 = tpu.memref_slice %arg8[%dma_start3A_68, %dma_start3A_69, %dma_start3A_70] : memref<2x128x32xf32, #tpu.memory_space<vmem>> -> memref<1x128x32xf32, #tpu.memory_space<vmem>>
      %dma_start3A_72 = tpu.memref_squeeze %dma_start3A_71 : memref<1x128x32xf32, #tpu.memory_space<vmem>> -> memref<128x32xf32, #tpu.memory_space<vmem>>
      %dma_start3A_73 = arith.constant 0 : i32
      %dma_start3A_74 = tpu.memref_slice %arg7[%add3A_57, %dma_start3A_73] : memref<80x128xi32, #tpu.memory_space<vmem>> -> memref<1x128xi32, #tpu.memory_space<vmem>>
      %dma_start3A_75 = tpu.memref_squeeze %dma_start3A_74 : memref<1x128xi32, #tpu.memory_space<vmem>> -> memref<128xi32, #tpu.memory_space<vmem>>
      %dma_start3A_76 = arith.constant 0 : i32
      %dma_start3A_77 = arith.constant 0 : i32
      %dma_start3A_78 = tpu.memref_slice %arg11[%dma_start3A_76, %dma_start3A_77] : memref<10240x32xf32, #tpu.memory_space<vmem_shared>> -> memref<10240x32xf32, #tpu.memory_space<vmem_shared>>
      tpu.enqueue_indirect_dma source(%dma_start3A_72 : memref<128x32xf32, #tpu.memory_space<vmem>>) target(%dma_start3A_78 : memref<10240x32xf32, #tpu.memory_space<vmem_shared>>) offsets(%dma_start3A_75 : memref<128xi32, #tpu.memory_space<vmem>>) semaphore(%arg14 : memref<!tpu.dma_semaphore, #tpu.memory_space<semaphore_mem>>) {add = true}
      %add3A_79 = arith.constant 1 : i32
      %add3A_80 = arith.addi %mul3A_55, %add3A_79 : i32
      %dma_wait3A_81 = arith.constant 1 : i32
      %dma_wait3A_82 = arith.constant 0 : i32
      %dma_wait3A_83 = arith.constant 0 : i32
      %dma_wait3A_84 = tpu.memref_slice %arg8[%dma_wait3A_81, %dma_wait3A_82, %dma_wait3A_83] : memref<2x128x32xf32, #tpu.memory_space<vmem>> -> memref<1x128x32xf32, #tpu.memory_space<vmem>>
      %dma_wait3A_85 = tpu.memref_squeeze %dma_wait3A_84 : memref<1x128x32xf32, #tpu.memory_space<vmem>> -> memref<128x32xf32, #tpu.memory_space<vmem>>
      %dma_wait3A_86 = arith.constant 0 : i32
      %dma_wait3A_87 = tpu.memref_slice %arg6[%add3A_80, %dma_wait3A_86] : memref<80x128xi32, #tpu.memory_space<vmem>> -> memref<1x128xi32, #tpu.memory_space<vmem>>
      %dma_wait3A_88 = tpu.memref_squeeze %dma_wait3A_87 : memref<1x128xi32, #tpu.memory_space<vmem>> -> memref<128xi32, #tpu.memory_space<vmem>>
      %dma_wait3A_89 = arith.constant 0 : i32
      %dma_wait3A_90 = arith.constant 0 : i32
      %dma_wait3A_91 = tpu.memref_slice %arg10[%dma_wait3A_89, %dma_wait3A_90] : memref<10240x32xf32, #tpu.memory_space<vmem_shared>> -> memref<10240x32xf32, #tpu.memory_space<vmem_shared>>
      tpu.wait_indirect_dma semaphore(%arg13 : memref<!tpu.dma_semaphore, #tpu.memory_space<semaphore_mem>>) src(%dma_wait3A_91 : memref<10240x32xf32, #tpu.memory_space<vmem_shared>>) dst(%dma_wait3A_85 : memref<128x32xf32, #tpu.memory_space<vmem>>)
      %dma_start3A_92 = arith.constant 1 : i32
      %dma_start3A_93 = arith.constant 0 : i32
      %dma_start3A_94 = arith.constant 0 : i32
      %dma_start3A_95 = tpu.memref_slice %arg8[%dma_start3A_92, %dma_start3A_93, %dma_start3A_94] : memref<2x128x32xf32, #tpu.memory_space<vmem>> -> memref<1x128x32xf32, #tpu.memory_space<vmem>>
      %dma_start3A_96 = tpu.memref_squeeze %dma_start3A_95 : memref<1x128x32xf32, #tpu.memory_space<vmem>> -> memref<128x32xf32, #tpu.memory_space<vmem>>
      %dma_start3A_97 = arith.constant 0 : i32
      %dma_start3A_98 = tpu.memref_slice %arg7[%add3A_80, %dma_start3A_97] : memref<80x128xi32, #tpu.memory_space<vmem>> -> memref<1x128xi32, #tpu.memory_space<vmem>>
      %dma_start3A_99 = tpu.memref_squeeze %dma_start3A_98 : memref<1x128xi32, #tpu.memory_space<vmem>> -> memref<128xi32, #tpu.memory_space<vmem>>
      %dma_start3A_100 = arith.constant 0 : i32
      %dma_start3A_101 = arith.constant 0 : i32
      %dma_start3A_102 = tpu.memref_slice %arg11[%dma_start3A_100, %dma_start3A_101] : memref<10240x32xf32, #tpu.memory_space<vmem_shared>> -> memref<10240x32xf32, #tpu.memory_space<vmem_shared>>
      tpu.enqueue_indirect_dma source(%dma_start3A_96 : memref<128x32xf32, #tpu.memory_space<vmem>>) target(%dma_start3A_102 : memref<10240x32xf32, #tpu.memory_space<vmem_shared>>) offsets(%dma_start3A_99 : memref<128xi32, #tpu.memory_space<vmem>>) semaphore(%arg15 : memref<!tpu.dma_semaphore, #tpu.memory_space<semaphore_mem>>) {add = true}
      %add3A_103 = arith.constant 0 : i32
      %add3A_104 = arith.addi %mul3A_55, %add3A_103 : i32
      %dma_wait3A_105 = arith.constant 0 : i32
      %dma_wait3A_106 = arith.constant 0 : i32
      %dma_wait3A_107 = arith.constant 0 : i32
      %dma_wait3A_108 = tpu.memref_slice %arg8[%dma_wait3A_105, %dma_wait3A_106, %dma_wait3A_107] : memref<2x128x32xf32, #tpu.memory_space<vmem>> -> memref<1x128x32xf32, #tpu.memory_space<vmem>>
      %dma_wait3A_109 = tpu.memref_squeeze %dma_wait3A_108 : memref<1x128x32xf32, #tpu.memory_space<vmem>> -> memref<128x32xf32, #tpu.memory_space<vmem>>
      %dma_wait3A_110 = arith.constant 0 : i32
      %dma_wait3A_111 = tpu.memref_slice %arg7[%add3A_104, %dma_wait3A_110] : memref<80x128xi32, #tpu.memory_space<vmem>> -> memref<1x128xi32, #tpu.memory_space<vmem>>
      %dma_wait3A_112 = tpu.memref_squeeze %dma_wait3A_111 : memref<1x128xi32, #tpu.memory_space<vmem>> -> memref<128xi32, #tpu.memory_space<vmem>>
      %dma_wait3A_113 = arith.constant 0 : i32
      %dma_wait3A_114 = arith.constant 0 : i32
      %dma_wait3A_115 = tpu.memref_slice %arg11[%dma_wait3A_113, %dma_wait3A_114] : memref<10240x32xf32, #tpu.memory_space<vmem_shared>> -> memref<10240x32xf32, #tpu.memory_space<vmem_shared>>
      tpu.wait_indirect_dma semaphore(%arg14 : memref<!tpu.dma_semaphore, #tpu.memory_space<semaphore_mem>>) src(%dma_wait3A_109 : memref<128x32xf32, #tpu.memory_space<vmem>>) dst(%dma_wait3A_115 : memref<10240x32xf32, #tpu.memory_space<vmem_shared>>)
      %add3A_116 = arith.constant 2 : i32
      %add3A_117 = arith.addi %add3A_104, %add3A_116 : i32
      %lt3A = arith.constant 80 : i32
      %lt3A_118 = arith.cmpi slt, %add3A_117, %lt3A : i32
      %convert_element_type3A = arith.extui %lt3A_118 : i1 to i32
      %cond3A = arith.constant 0 : i32
      %cond3A_119 = arith.cmpi ne, %convert_element_type3A, %cond3A : i32
      scf.if %cond3A_119 {
        %add3A_140 = arith.constant 2 : i32
        %add3A_141 = arith.addi %add3A_104, %add3A_140 : i32
        %dma_start3A_142 = arith.constant 0 : i32
        %dma_start3A_143 = arith.constant 0 : i32
        %dma_start3A_144 = arith.constant 0 : i32
        %dma_start3A_145 = tpu.memref_slice %arg8[%dma_start3A_142, %dma_start3A_143, %dma_start3A_144] : memref<2x128x32xf32, #tpu.memory_space<vmem>> -> memref<1x128x32xf32, #tpu.memory_space<vmem>>
        %dma_start3A_146 = tpu.memref_squeeze %dma_start3A_145 : memref<1x128x32xf32, #tpu.memory_space<vmem>> -> memref<128x32xf32, #tpu.memory_space<vmem>>
        %dma_start3A_147 = arith.constant 0 : i32
        %dma_start3A_148 = tpu.memref_slice %arg6[%add3A_141, %dma_start3A_147] : memref<80x128xi32, #tpu.memory_space<vmem>> -> memref<1x128xi32, #tpu.memory_space<vmem>>
        %dma_start3A_149 = tpu.memref_squeeze %dma_start3A_148 : memref<1x128xi32, #tpu.memory_space<vmem>> -> memref<128xi32, #tpu.memory_space<vmem>>
        %dma_start3A_150 = arith.constant 0 : i32
        %dma_start3A_151 = arith.constant 0 : i32
        %dma_start3A_152 = tpu.memref_slice %arg10[%dma_start3A_150, %dma_start3A_151] : memref<10240x32xf32, #tpu.memory_space<vmem_shared>> -> memref<10240x32xf32, #tpu.memory_space<vmem_shared>>
        tpu.enqueue_indirect_dma source(%dma_start3A_152 : memref<10240x32xf32, #tpu.memory_space<vmem_shared>>) target(%dma_start3A_146 : memref<128x32xf32, #tpu.memory_space<vmem>>) offsets(%dma_start3A_149 : memref<128xi32, #tpu.memory_space<vmem>>) semaphore(%arg12 : memref<!tpu.dma_semaphore, #tpu.memory_space<semaphore_mem>>)
      } else {
      }
      %add3A_120 = arith.constant 1 : i32
      %add3A_121 = arith.addi %mul3A_55, %add3A_120 : i32
      %dma_wait3A_122 = arith.constant 1 : i32
      %dma_wait3A_123 = arith.constant 0 : i32
      %dma_wait3A_124 = arith.constant 0 : i32
      %dma_wait3A_125 = tpu.memref_slice %arg8[%dma_wait3A_122, %dma_wait3A_123, %dma_wait3A_124] : memref<2x128x32xf32, #tpu.memory_space<vmem>> -> memref<1x128x32xf32, #tpu.memory_space<vmem>>
      %dma_wait3A_126 = tpu.memref_squeeze %dma_wait3A_125 : memref<1x128x32xf32, #tpu.memory_space<vmem>> -> memref<128x32xf32, #tpu.memory_space<vmem>>
      %dma_wait3A_127 = arith.constant 0 : i32
      %dma_wait3A_128 = tpu.memref_slice %arg7[%add3A_121, %dma_wait3A_127] : memref<80x128xi32, #tpu.memory_space<vmem>> -> memref<1x128xi32, #tpu.memory_space<vmem>>
      %dma_wait3A_129 = tpu.memref_squeeze %dma_wait3A_128 : memref<1x128xi32, #tpu.memory_space<vmem>> -> memref<128xi32, #tpu.memory_space<vmem>>
      %dma_wait3A_130 = arith.constant 0 : i32
      %dma_wait3A_131 = arith.constant 0 : i32
      %dma_wait3A_132 = tpu.memref_slice %arg11[%dma_wait3A_130, %dma_wait3A_131] : memref<10240x32xf32, #tpu.memory_space<vmem_shared>> -> memref<10240x32xf32, #tpu.memory_space<vmem_shared>>
      tpu.wait_indirect_dma semaphore(%arg15 : memref<!tpu.dma_semaphore, #tpu.memory_space<semaphore_mem>>) src(%dma_wait3A_126 : memref<128x32xf32, #tpu.memory_space<vmem>>) dst(%dma_wait3A_132 : memref<10240x32xf32, #tpu.memory_space<vmem_shared>>)
      %add3A_133 = arith.constant 2 : i32
      %add3A_134 = arith.addi %add3A_121, %add3A_133 : i32
      %lt3A_135 = arith.constant 80 : i32
      %lt3A_136 = arith.cmpi slt, %add3A_134, %lt3A_135 : i32
      %convert_element_type3A_137 = arith.extui %lt3A_136 : i1 to i32
      %cond3A_138 = arith.constant 0 : i32
      %cond3A_139 = arith.cmpi ne, %convert_element_type3A_137, %cond3A_138 : i32
      scf.if %cond3A_139 {
        %add3A_140 = arith.constant 2 : i32
        %add3A_141 = arith.addi %add3A_121, %add3A_140 : i32
        %dma_start3A_142 = arith.constant 1 : i32
        %dma_start3A_143 = arith.constant 0 : i32
        %dma_start3A_144 = arith.constant 0 : i32
        %dma_start3A_145 = tpu.memref_slice %arg8[%dma_start3A_142, %dma_start3A_143, %dma_start3A_144] : memref<2x128x32xf32, #tpu.memory_space<vmem>> -> memref<1x128x32xf32, #tpu.memory_space<vmem>>
        %dma_start3A_146 = tpu.memref_squeeze %dma_start3A_145 : memref<1x128x32xf32, #tpu.memory_space<vmem>> -> memref<128x32xf32, #tpu.memory_space<vmem>>
        %dma_start3A_147 = arith.constant 0 : i32
        %dma_start3A_148 = tpu.memref_slice %arg6[%add3A_141, %dma_start3A_147] : memref<80x128xi32, #tpu.memory_space<vmem>> -> memref<1x128xi32, #tpu.memory_space<vmem>>
        %dma_start3A_149 = tpu.memref_squeeze %dma_start3A_148 : memref<1x128xi32, #tpu.memory_space<vmem>> -> memref<128xi32, #tpu.memory_space<vmem>>
        %dma_start3A_150 = arith.constant 0 : i32
        %dma_start3A_151 = arith.constant 0 : i32
        %dma_start3A_152 = tpu.memref_slice %arg10[%dma_start3A_150, %dma_start3A_151] : memref<10240x32xf32, #tpu.memory_space<vmem_shared>> -> memref<10240x32xf32, #tpu.memory_space<vmem_shared>>
        tpu.enqueue_indirect_dma source(%dma_start3A_152 : memref<10240x32xf32, #tpu.memory_space<vmem_shared>>) target(%dma_start3A_146 : memref<128x32xf32, #tpu.memory_space<vmem>>) offsets(%dma_start3A_149 : memref<128xi32, #tpu.memory_space<vmem>>) semaphore(%arg13 : memref<!tpu.dma_semaphore, #tpu.memory_space<semaphore_mem>>)
      } else {
      }
    }
    %scan3A_43 = arith.constant 40 : i32
    %barrier3A_44 = arith.constant 0 : index
    tpu.barrier barrier_id(%barrier3A_44)
    %mul3A_45 = arith.constant 640 : i32
    %mul3A_46 = arith.muli %arg1, %mul3A_45 : i32
    %mul3A_47 = arith.constant 640 : i32
    %mul3A_48 = arith.muli %arg1, %mul3A_47 : i32
    "tpu.region"() ({
      %run_scoped3A = tpu.sem_alloc : memref<!tpu.dma_semaphore, #tpu.memory_space<semaphore_mem>>
      %dma_start3A_49 = arith.constant 0 : i32
      %dma_start3A_50 = tpu.memref_slice %arg5[%arg0, %mul3A_48, %dma_start3A_49] : memref<2x10240x32xf32, #tpu.memory_space<hbm>> -> memref<1x640x32xf32, #tpu.memory_space<hbm>>
      %dma_start3A_51 = tpu.memref_squeeze %dma_start3A_50 : memref<1x640x32xf32, #tpu.memory_space<hbm>> -> memref<640x32xf32, #tpu.memory_space<hbm>>
      %dma_start3A_52 = arith.constant 0 : i32
      %dma_start3A_53 = tpu.memref_slice %arg11[%mul3A_46, %dma_start3A_52] : memref<10240x32xf32, #tpu.memory_space<vmem_shared>> -> memref<640x32xf32, #tpu.memory_space<vmem_shared>>
      tpu.enqueue_dma source(%dma_start3A_53 : memref<640x32xf32, #tpu.memory_space<vmem_shared>>) target(%dma_start3A_51 : memref<640x32xf32, #tpu.memory_space<hbm>>) target_semaphore(%run_scoped3A : memref<!tpu.dma_semaphore, #tpu.memory_space<semaphore_mem>>)
      %dma_wait3A = arith.constant 0 : i32
      %dma_wait3A_54 = tpu.memref_slice %arg5[%arg0, %mul3A_48, %dma_wait3A] : memref<2x10240x32xf32, #tpu.memory_space<hbm>> -> memref<1x640x32xf32, #tpu.memory_space<hbm>>
      %dma_wait3A_55 = tpu.memref_squeeze %dma_wait3A_54 : memref<1x640x32xf32, #tpu.memory_space<hbm>> -> memref<640x32xf32, #tpu.memory_space<hbm>>
      %dma_wait3A_56 = arith.constant 0 : i32
      %dma_wait3A_57 = tpu.memref_slice %arg11[%mul3A_46, %dma_wait3A_56] : memref<10240x32xf32, #tpu.memory_space<vmem_shared>> -> memref<640x32xf32, #tpu.memory_space<vmem_shared>>
      tpu.wait_dma2 semaphore(%run_scoped3A : memref<!tpu.dma_semaphore, #tpu.memory_space<semaphore_mem>>) src(%dma_wait3A_57 : memref<640x32xf32, #tpu.memory_space<vmem_shared>>) dst(%dma_wait3A_55 : memref<640x32xf32, #tpu.memory_space<hbm>>)
      tpu.yield
    }) : () -> ()
    return
  }
}

#map = affine_map<(d0, d1) -> (0, 0)>
#map1 = affine_map<(d0, d1) -> (0, 0, 0)>
module attributes {stable_mosaic.version = 14 : i64} {
  func.func @kern(%arg0: i32, %arg1: i32, %arg2: memref<10240x32xf32, #tpu.memory_space<hbm>>, %arg3: memref<2560x128xi32, #tpu.memory_space<hbm>>, %arg4: memref<2560x128xi32, #tpu.memory_space<hbm>>, %arg5: memref<2x10240x32xf32, #tpu.memory_space<hbm>>, %arg6: memref<80x128xi32, #tpu.memory_space<vmem>>, %arg7: memref<80x128xi32, #tpu.memory_space<vmem>>, %arg8: memref<2x128x32xf32, #tpu.memory_space<vmem>>, %arg9: memref<160x32xf32, #tpu.memory_space<vmem>>, %arg10: memref<10240x32xf32, #tpu.memory_space<vmem_shared>>, %arg11: memref<10240x32xf32, #tpu.memory_space<vmem_shared>>, %arg12: memref<!tpu.dma_semaphore, #tpu.memory_space<semaphore_mem>>, %arg13: memref<!tpu.dma_semaphore, #tpu.memory_space<semaphore_mem>>, %arg14: memref<!tpu.dma_semaphore, #tpu.memory_space<semaphore_mem>>, %arg15: memref<!tpu.dma_semaphore, #tpu.memory_space<semaphore_mem>>) attributes {dimension_semantics = [#tpu.dimension_semantics<core_parallel>, #tpu.dimension_semantics<subcore_parallel>], iteration_bounds = array<i64: 2, 16>, scalar_prefetch = 0 : i64, scratch_operands = 10 : i64, tpu.core_type = #tpu.core_type<sc_vector_subcore>, window_params = [{transform_indices = #map}, {transform_indices = #map}, {transform_indices = #map}, {transform_indices = #map1}]} {
    %mul3A = arith.constant 2 : i32
    %mul3A_0 = arith.muli %arg1, %mul3A : i32
    %add3A = arith.addi %mul3A_0, %arg0 : i32
    %mul3A_1 = arith.constant 640 : i32
    %mul3A_2 = arith.muli %arg1, %mul3A_1 : i32
    %mul3A_3 = arith.constant 640 : i32
    %mul3A_4 = arith.muli %arg1, %mul3A_3 : i32
    "tpu.region"() ({
      %run_scoped3A = tpu.sem_alloc : memref<!tpu.dma_semaphore, #tpu.memory_space<semaphore_mem>>
      %dma_start3A_49 = arith.constant 0 : i32
      %dma_start3A_50 = tpu.memref_slice %arg10[%mul3A_4, %dma_start3A_49] : memref<10240x32xf32, #tpu.memory_space<vmem_shared>> -> memref<640x32xf32, #tpu.memory_space<vmem_shared>>
      %dma_start3A_51 = arith.constant 0 : i32
      %dma_start3A_52 = tpu.memref_slice %arg2[%mul3A_2, %dma_start3A_51] : memref<10240x32xf32, #tpu.memory_space<hbm>> -> memref<640x32xf32, #tpu.memory_space<hbm>>
      tpu.enqueue_dma source(%dma_start3A_52 : memref<640x32xf32, #tpu.memory_space<hbm>>) target(%dma_start3A_50 : memref<640x32xf32, #tpu.memory_space<vmem_shared>>) target_semaphore(%run_scoped3A : memref<!tpu.dma_semaphore, #tpu.memory_space<semaphore_mem>>)
      %dma_wait3A = arith.constant 0 : i32
      %dma_wait3A_53 = tpu.memref_slice %arg10[%mul3A_4, %dma_wait3A] : memref<10240x32xf32, #tpu.memory_space<vmem_shared>> -> memref<640x32xf32, #tpu.memory_space<vmem_shared>>
      %dma_wait3A_54 = arith.constant 0 : i32
      %dma_wait3A_55 = tpu.memref_slice %arg2[%mul3A_2, %dma_wait3A_54] : memref<10240x32xf32, #tpu.memory_space<hbm>> -> memref<640x32xf32, #tpu.memory_space<hbm>>
      tpu.wait_dma2 semaphore(%run_scoped3A : memref<!tpu.dma_semaphore, #tpu.memory_space<semaphore_mem>>) src(%dma_wait3A_55 : memref<640x32xf32, #tpu.memory_space<hbm>>) dst(%dma_wait3A_53 : memref<640x32xf32, #tpu.memory_space<vmem_shared>>)
      tpu.yield
    }) : () -> ()
    %scan3A = arith.constant 0 : i32
    %scan3A_5 = arith.constant 160 : i32
    %scan3A_6 = arith.addi %scan3A, %scan3A_5 : i32
    %scan3A_7 = arith.constant 1 : i32
    scf.for %scan3A_49 = %scan3A to %scan3A_6 step %scan3A_7  : i32 {
      %mul3A_50 = arith.constant 1 : i32
      %mul3A_51 = arith.muli %scan3A_49, %mul3A_50 : i32
      %add3A_52 = arith.constant 0 : i32
      %add3A_53 = arith.addi %add3A_52, %mul3A_51 : i32
      %scan3A_54 = arith.constant 0 : i32
      %scan3A_55 = arith.constant 2 : i32
      %scan3A_56 = arith.addi %scan3A_54, %scan3A_55 : i32
      %scan3A_57 = arith.constant 1 : i32
      scf.for %scan3A_59 = %scan3A_54 to %scan3A_56 step %scan3A_57  : i32 {
        %mul3A_60 = arith.constant 16 : i32
        %mul3A_61 = arith.muli %scan3A_59, %mul3A_60 : i32
        %add3A_62 = arith.constant 0 : i32
        %add3A_63 = arith.addi %add3A_62, %mul3A_61 : i32
        %broadcast_in_dim3A = arith.constant 0.000000e+00 : f32
        %broadcast_in_dim3A_64 = vector.broadcast %broadcast_in_dim3A : f32 to vector<16xf32>
        %swap3A = arith.index_cast %add3A_53 : i32 to index
        %swap3A_65 = arith.index_cast %add3A_63 : i32 to index
        %swap3A_66 = tpu.vector_load %arg9[%swap3A, %swap3A_65] {strides = array<i32>} : memref<160x32xf32, #tpu.memory_space<vmem>>, vector<1x16xf32>,
        %swap3A_67 = vector.shape_cast %swap3A_66 : vector<1x16xf32> to vector<16xf32>
        %swap3A_68 = vector.shape_cast %broadcast_in_dim3A_64 : vector<16xf32> to vector<1x16xf32>
        tpu.vector_store %arg9[%swap3A, %swap3A_65], %swap3A_68 {strides = array<i32>} : memref<160x32xf32, #tpu.memory_space<vmem>>, vector<1x16xf32>,
      }
      %scan3A_58 = arith.constant 2 : i32
    }
    %scan3A_8 = arith.constant 160 : i32
    %scan3A_9 = arith.constant 0 : i32
    %scan3A_10 = arith.constant 4 : i32
    %scan3A_11 = arith.addi %scan3A_9, %scan3A_10 : i32
    %scan3A_12 = arith.constant 1 : i32
    scf.for %scan3A_49 = %scan3A_9 to %scan3A_11 step %scan3A_12  : i32 {
      %mul3A_50 = arith.constant 1 : i32
      %mul3A_51 = arith.muli %scan3A_49, %mul3A_50 : i32
      %add3A_52 = arith.constant 0 : i32
      %add3A_53 = arith.addi %add3A_52, %mul3A_51 : i32
      %mul3A_54 = arith.constant 640 : i32
      %mul3A_55 = arith.muli %arg1, %mul3A_54 : i32
      %mul3A_56 = arith.constant 160 : i32
      %mul3A_57 = arith.muli %add3A_53, %mul3A_56 : i32
      %add3A_58 = arith.addi %mul3A_55, %mul3A_57 : i32
      "tpu.region"() ({
        %run_scoped3A = tpu.sem_alloc : memref<!tpu.dma_semaphore, #tpu.memory_space<semaphore_mem>>
        %dma_start3A_59 = arith.constant 0 : i32
        %dma_start3A_60 = tpu.memref_slice %arg11[%add3A_58, %dma_start3A_59] : memref<10240x32xf32, #tpu.memory_space<vmem_shared>> -> memref<160x32xf32, #tpu.memory_space<vmem_shared>>
        %dma_start3A_61 = arith.constant 0 : i32
        %dma_start3A_62 = tpu.memref_slice %arg11[%add3A_58, %dma_start3A_61] : memref<10240x32xf32, #tpu.memory_space<vmem_shared>> -> memref<160x32xf32, #tpu.memory_space<vmem_shared>>
        tpu.enqueue_dma source(%arg9 : memref<160x32xf32, #tpu.memory_space<vmem>>) target(%dma_start3A_62 : memref<160x32xf32, #tpu.memory_space<vmem_shared>>) target_semaphore(%run_scoped3A : memref<!tpu.dma_semaphore, #tpu.memory_space<semaphore_mem>>)
        %dma_wait3A = arith.constant 0 : i32
        %dma_wait3A_63 = tpu.memref_slice %arg11[%add3A_58, %dma_wait3A] : memref<10240x32xf32, #tpu.memory_space<vmem_shared>> -> memref<160x32xf32, #tpu.memory_space<vmem_shared>>
        %dma_wait3A_64 = arith.constant 0 : i32
        %dma_wait3A_65 = tpu.memref_slice %arg11[%add3A_58, %dma_wait3A_64] : memref<10240x32xf32, #tpu.memory_space<vmem_shared>> -> memref<160x32xf32, #tpu.memory_space<vmem_shared>>
        tpu.wait_dma2 semaphore(%run_scoped3A : memref<!tpu.dma_semaphore, #tpu.memory_space<semaphore_mem>>) src(%arg9 : memref<160x32xf32, #tpu.memory_space<vmem>>) dst(%dma_wait3A_65 : memref<160x32xf32, #tpu.memory_space<vmem_shared>>)
        tpu.yield
      }) : () -> ()
    }
    %scan3A_13 = arith.constant 4 : i32
    %mul3A_14 = arith.constant 80 : i32
    %mul3A_15 = arith.muli %add3A, %mul3A_14 : i32
    "tpu.region"() ({
      %run_scoped3A = tpu.sem_alloc : memref<!tpu.dma_semaphore, #tpu.memory_space<semaphore_mem>>
      %dma_start3A_49 = arith.constant 0 : i32
      %dma_start3A_50 = tpu.memref_slice %arg3[%mul3A_15, %dma_start3A_49] : memref<2560x128xi32, #tpu.memory_space<hbm>> -> memref<80x128xi32, #tpu.memory_space<hbm>>
      %dma_start3A_51 = arith.constant 0 : i32
      %dma_start3A_52 = tpu.memref_slice %arg3[%mul3A_15, %dma_start3A_51] : memref<2560x128xi32, #tpu.memory_space<hbm>> -> memref<80x128xi32, #tpu.memory_space<hbm>>
      tpu.enqueue_dma source(%dma_start3A_52 : memref<80x128xi32, #tpu.memory_space<hbm>>) target(%arg6 : memref<80x128xi32, #tpu.memory_space<vmem>>) target_semaphore(%run_scoped3A : memref<!tpu.dma_semaphore, #tpu.memory_space<semaphore_mem>>)
      %dma_wait3A = arith.constant 0 : i32
      %dma_wait3A_53 = tpu.memref_slice %arg3[%mul3A_15, %dma_wait3A] : memref<2560x128xi32, #tpu.memory_space<hbm>> -> memref<80x128xi32, #tpu.memory_space<hbm>>
      %dma_wait3A_54 = arith.constant 0 : i32
      %dma_wait3A_55 = tpu.memref_slice %arg3[%mul3A_15, %dma_wait3A_54] : memref<2560x128xi32, #tpu.memory_space<hbm>> -> memref<80x128xi32, #tpu.memory_space<hbm>>
      tpu.wait_dma2 semaphore(%run_scoped3A : memref<!tpu.dma_semaphore, #tpu.memory_space<semaphore_mem>>) src(%dma_wait3A_55 : memref<80x128xi32, #tpu.memory_space<hbm>>) dst(%arg6 : memref<80x128xi32, #tpu.memory_space<vmem>>)
      tpu.yield
    }) : () -> ()
    "tpu.region"() ({
      %run_scoped3A = tpu.sem_alloc : memref<!tpu.dma_semaphore, #tpu.memory_space<semaphore_mem>>
      %dma_start3A_49 = arith.constant 0 : i32
      %dma_start3A_50 = tpu.memref_slice %arg4[%mul3A_15, %dma_start3A_49] : memref<2560x128xi32, #tpu.memory_space<hbm>> -> memref<80x128xi32, #tpu.memory_space<hbm>>
      %dma_start3A_51 = arith.constant 0 : i32
      %dma_start3A_52 = tpu.memref_slice %arg4[%mul3A_15, %dma_start3A_51] : memref<2560x128xi32, #tpu.memory_space<hbm>> -> memref<80x128xi32, #tpu.memory_space<hbm>>
      tpu.enqueue_dma source(%dma_start3A_52 : memref<80x128xi32, #tpu.memory_space<hbm>>) target(%arg7 : memref<80x128xi32, #tpu.memory_space<vmem>>) target_semaphore(%run_scoped3A : memref<!tpu.dma_semaphore, #tpu.memory_space<semaphore_mem>>)
      %dma_wait3A = arith.constant 0 : i32
      %dma_wait3A_53 = tpu.memref_slice %arg4[%mul3A_15, %dma_wait3A] : memref<2560x128xi32, #tpu.memory_space<hbm>> -> memref<80x128xi32, #tpu.memory_space<hbm>>
      %dma_wait3A_54 = arith.constant 0 : i32
      %dma_wait3A_55 = tpu.memref_slice %arg4[%mul3A_15, %dma_wait3A_54] : memref<2560x128xi32, #tpu.memory_space<hbm>> -> memref<80x128xi32, #tpu.memory_space<hbm>>
      tpu.wait_dma2 semaphore(%run_scoped3A : memref<!tpu.dma_semaphore, #tpu.memory_space<semaphore_mem>>) src(%dma_wait3A_55 : memref<80x128xi32, #tpu.memory_space<hbm>>) dst(%arg7 : memref<80x128xi32, #tpu.memory_space<vmem>>)
      tpu.yield
    }) : () -> ()
    %barrier3A = arith.constant 0 : index
    tpu.barrier barrier_id(%barrier3A)
    %dma_start3A = arith.constant 0 : i32
    %dma_start3A_16 = arith.constant 0 : i32
    %dma_start3A_17 = arith.constant 0 : i32
    %dma_start3A_18 = arith.constant 0 : i32
    %dma_start3A_19 = tpu.memref_slice %arg8[%dma_start3A_16, %dma_start3A_17, %dma_start3A_18] : memref<2x128x32xf32, #tpu.memory_space<vmem>> -> memref<1x128x32xf32, #tpu.memory_space<vmem>>
    %dma_start3A_20 = tpu.memref_squeeze %dma_start3A_19 : memref<1x128x32xf32, #tpu.memory_space<vmem>> -> memref<128x32xf32, #tpu.memory_space<vmem>>
    %dma_start3A_21 = arith.constant 0 : i32
    %dma_start3A_22 = tpu.memref_slice %arg6[%dma_start3A, %dma_start3A_21] : memref<80x128xi32, #tpu.memory_space<vmem>> -> memref<1x128xi32, #tpu.memory_space<vmem>>
    %dma_start3A_23 = tpu.memref_squeeze %dma_start3A_22 : memref<1x128xi32, #tpu.memory_space<vmem>> -> memref<128xi32, #tpu.memory_space<vmem>>
    %dma_start3A_24 = arith.constant 0 : i32
    %dma_start3A_25 = arith.constant 0 : i32
    %dma_start3A_26 = tpu.memref_slice %arg10[%dma_start3A_24, %dma_start3A_25] : memref<10240x32xf32, #tpu.memory_space<vmem_shared>> -> memref<10240x32xf32, #tpu.memory_space<vmem_shared>>
    tpu.enqueue_indirect_dma source(%dma_start3A_26 : memref<10240x32xf32, #tpu.memory_space<vmem_shared>>) target(%dma_start3A_20 : memref<128x32xf32, #tpu.memory_space<vmem>>) offsets(%dma_start3A_23 : memref<128xi32, #tpu.memory_space<vmem>>) semaphore(%arg12 : memref<!tpu.dma_semaphore, #tpu.memory_space<semaphore_mem>>)
    %dma_start3A_27 = arith.constant 1 : i32
    %dma_start3A_28 = arith.constant 1 : i32
    %dma_start3A_29 = arith.constant 0 : i32
    %dma_start3A_30 = arith.constant 0 : i32
    %dma_start3A_31 = tpu.memref_slice %arg8[%dma_start3A_28, %dma_start3A_29, %dma_start3A_30] : memref<2x128x32xf32, #tpu.memory_space<vmem>> -> memref<1x128x32xf32, #tpu.memory_space<vmem>>
    %dma_start3A_32 = tpu.memref_squeeze %dma_start3A_31 : memref<1x128x32xf32, #tpu.memory_space<vmem>> -> memref<128x32xf32, #tpu.memory_space<vmem>>
    %dma_start3A_33 = arith.constant 0 : i32
    %dma_start3A_34 = tpu.memref_slice %arg6[%dma_start3A_27, %dma_start3A_33] : memref<80x128xi32, #tpu.memory_space<vmem>> -> memref<1x128xi32, #tpu.memory_space<vmem>>
    %dma_start3A_35 = tpu.memref_squeeze %dma_start3A_34 : memref<1x128xi32, #tpu.memory_space<vmem>> -> memref<128xi32, #tpu.memory_space<vmem>>
    %dma_start3A_36 = arith.constant 0 : i32
    %dma_start3A_37 = arith.constant 0 : i32
    %dma_start3A_38 = tpu.memref_slice %arg10[%dma_start3A_36, %dma_start3A_37] : memref<10240x32xf32, #tpu.memory_space<vmem_shared>> -> memref<10240x32xf32, #tpu.memory_space<vmem_shared>>
    tpu.enqueue_indirect_dma source(%dma_start3A_38 : memref<10240x32xf32, #tpu.memory_space<vmem_shared>>) target(%dma_start3A_32 : memref<128x32xf32, #tpu.memory_space<vmem>>) offsets(%dma_start3A_35 : memref<128xi32, #tpu.memory_space<vmem>>) semaphore(%arg13 : memref<!tpu.dma_semaphore, #tpu.memory_space<semaphore_mem>>)
    %scan3A_39 = arith.constant 0 : i32
    %scan3A_40 = arith.constant 40 : i32
    %scan3A_41 = arith.addi %scan3A_39, %scan3A_40 : i32
    %scan3A_42 = arith.constant 1 : i32
    scf.for %scan3A_49 = %scan3A_39 to %scan3A_41 step %scan3A_42  : i32 {
      %mul3A_50 = arith.constant 1 : i32
      %mul3A_51 = arith.muli %scan3A_49, %mul3A_50 : i32
      %add3A_52 = arith.constant 0 : i32
      %add3A_53 = arith.addi %add3A_52, %mul3A_51 : i32
      %mul3A_54 = arith.constant 2 : i32
      %mul3A_55 = arith.muli %add3A_53, %mul3A_54 : i32
      %add3A_56 = arith.constant 0 : i32
      %add3A_57 = arith.addi %mul3A_55, %add3A_56 : i32
      %dma_wait3A = arith.constant 0 : i32
      %dma_wait3A_58 = arith.constant 0 : i32
      %dma_wait3A_59 = arith.constant 0 : i32
      %dma_wait3A_60 = tpu.memref_slice %arg8[%dma_wait3A, %dma_wait3A_58, %dma_wait3A_59] : memref<2x128x32xf32, #tpu.memory_space<vmem>> -> memref<1x128x32xf32, #tpu.memory_space<vmem>>
      %dma_wait3A_61 = tpu.memref_squeeze %dma_wait3A_60 : memref<1x128x32xf32, #tpu.memory_space<vmem>> -> memref<128x32xf32, #tpu.memory_space<vmem>>
      %dma_wait3A_62 = arith.constant 0 : i32
      %dma_wait3A_63 = tpu.memref_slice %arg6[%add3A_57, %dma_wait3A_62] : memref<80x128xi32, #tpu.memory_space<vmem>> -> memref<1x128xi32, #tpu.memory_space<vmem>>
      %dma_wait3A_64 = tpu.memref_squeeze %dma_wait3A_63 : memref<1x128xi32, #tpu.memory_space<vmem>> -> memref<128xi32, #tpu.memory_space<vmem>>
      %dma_wait3A_65 = arith.constant 0 : i32
      %dma_wait3A_66 = arith.constant 0 : i32
      %dma_wait3A_67 = tpu.memref_slice %arg10[%dma_wait3A_65, %dma_wait3A_66] : memref<10240x32xf32, #tpu.memory_space<vmem_shared>> -> memref<10240x32xf32, #tpu.memory_space<vmem_shared>>
      tpu.wait_indirect_dma semaphore(%arg12 : memref<!tpu.dma_semaphore, #tpu.memory_space<semaphore_mem>>) src(%dma_wait3A_67 : memref<10240x32xf32, #tpu.memory_space<vmem_shared>>) dst(%dma_wait3A_61 : memref<128x32xf32, #tpu.memory_space<vmem>>)
      %dma_start3A_68 = arith.constant 0 : i32
      %dma_start3A_69 = arith.constant 0 : i32
      %dma_start3A_70 = arith.constant 0 : i32
      %dma_start3A_71 = tpu.memref_slice %arg8[%dma_start3A_68, %dma_start3A_69, %dma_start3A_70] : memref<2x128x32xf32, #tpu.memory_space<vmem>> -> memref<1x128x32xf32, #tpu.memory_space<vmem>>
      %dma_start3A_72 = tpu.memref_squeeze %dma_start3A_71 : memref<1x128x32xf32, #tpu.memory_space<vmem>> -> memref<128x32xf32, #tpu.memory_space<vmem>>
      %dma_start3A_73 = arith.constant 0 : i32
      %dma_start3A_74 = tpu.memref_slice %arg7[%add3A_57, %dma_start3A_73] : memref<80x128xi32, #tpu.memory_space<vmem>> -> memref<1x128xi32, #tpu.memory_space<vmem>>
      %dma_start3A_75 = tpu.memref_squeeze %dma_start3A_74 : memref<1x128xi32, #tpu.memory_space<vmem>> -> memref<128xi32, #tpu.memory_space<vmem>>
      %dma_start3A_76 = arith.constant 0 : i32
      %dma_start3A_77 = arith.constant 0 : i32
      %dma_start3A_78 = tpu.memref_slice %arg11[%dma_start3A_76, %dma_start3A_77] : memref<10240x32xf32, #tpu.memory_space<vmem_shared>> -> memref<10240x32xf32, #tpu.memory_space<vmem_shared>>
      tpu.enqueue_indirect_dma source(%dma_start3A_72 : memref<128x32xf32, #tpu.memory_space<vmem>>) target(%dma_start3A_78 : memref<10240x32xf32, #tpu.memory_space<vmem_shared>>) offsets(%dma_start3A_75 : memref<128xi32, #tpu.memory_space<vmem>>) semaphore(%arg14 : memref<!tpu.dma_semaphore, #tpu.memory_space<semaphore_mem>>) {add = true}
      %add3A_79 = arith.constant 1 : i32
      %add3A_80 = arith.addi %mul3A_55, %add3A_79 : i32
      %dma_wait3A_81 = arith.constant 1 : i32
      %dma_wait3A_82 = arith.constant 0 : i32
      %dma_wait3A_83 = arith.constant 0 : i32
      %dma_wait3A_84 = tpu.memref_slice %arg8[%dma_wait3A_81, %dma_wait3A_82, %dma_wait3A_83] : memref<2x128x32xf32, #tpu.memory_space<vmem>> -> memref<1x128x32xf32, #tpu.memory_space<vmem>>
      %dma_wait3A_85 = tpu.memref_squeeze %dma_wait3A_84 : memref<1x128x32xf32, #tpu.memory_space<vmem>> -> memref<128x32xf32, #tpu.memory_space<vmem>>
      %dma_wait3A_86 = arith.constant 0 : i32
      %dma_wait3A_87 = tpu.memref_slice %arg6[%add3A_80, %dma_wait3A_86] : memref<80x128xi32, #tpu.memory_space<vmem>> -> memref<1x128xi32, #tpu.memory_space<vmem>>
      %dma_wait3A_88 = tpu.memref_squeeze %dma_wait3A_87 : memref<1x128xi32, #tpu.memory_space<vmem>> -> memref<128xi32, #tpu.memory_space<vmem>>
      %dma_wait3A_89 = arith.constant 0 : i32
      %dma_wait3A_90 = arith.constant 0 : i32
      %dma_wait3A_91 = tpu.memref_slice %arg10[%dma_wait3A_89, %dma_wait3A_90] : memref<10240x32xf32, #tpu.memory_space<vmem_shared>> -> memref<10240x32xf32, #tpu.memory_space<vmem_shared>>
      tpu.wait_indirect_dma semaphore(%arg13 : memref<!tpu.dma_semaphore, #tpu.memory_space<semaphore_mem>>) src(%dma_wait3A_91 : memref<10240x32xf32, #tpu.memory_space<vmem_shared>>) dst(%dma_wait3A_85 : memref<128x32xf32, #tpu.memory_space<vmem>>)
      %dma_start3A_92 = arith.constant 1 : i32
      %dma_start3A_93 = arith.constant 0 : i32
      %dma_start3A_94 = arith.constant 0 : i32
      %dma_start3A_95 = tpu.memref_slice %arg8[%dma_start3A_92, %dma_start3A_93, %dma_start3A_94] : memref<2x128x32xf32, #tpu.memory_space<vmem>> -> memref<1x128x32xf32, #tpu.memory_space<vmem>>
      %dma_start3A_96 = tpu.memref_squeeze %dma_start3A_95 : memref<1x128x32xf32, #tpu.memory_space<vmem>> -> memref<128x32xf32, #tpu.memory_space<vmem>>
      %dma_start3A_97 = arith.constant 0 : i32
      %dma_start3A_98 = tpu.memref_slice %arg7[%add3A_80, %dma_start3A_97] : memref<80x128xi32, #tpu.memory_space<vmem>> -> memref<1x128xi32, #tpu.memory_space<vmem>>
      %dma_start3A_99 = tpu.memref_squeeze %dma_start3A_98 : memref<1x128xi32, #tpu.memory_space<vmem>> -> memref<128xi32, #tpu.memory_space<vmem>>
      %dma_start3A_100 = arith.constant 0 : i32
      %dma_start3A_101 = arith.constant 0 : i32
      %dma_start3A_102 = tpu.memref_slice %arg11[%dma_start3A_100, %dma_start3A_101] : memref<10240x32xf32, #tpu.memory_space<vmem_shared>> -> memref<10240x32xf32, #tpu.memory_space<vmem_shared>>
      tpu.enqueue_indirect_dma source(%dma_start3A_96 : memref<128x32xf32, #tpu.memory_space<vmem>>) target(%dma_start3A_102 : memref<10240x32xf32, #tpu.memory_space<vmem_shared>>) offsets(%dma_start3A_99 : memref<128xi32, #tpu.memory_space<vmem>>) semaphore(%arg15 : memref<!tpu.dma_semaphore, #tpu.memory_space<semaphore_mem>>) {add = true}
      %add3A_103 = arith.constant 0 : i32
      %add3A_104 = arith.addi %mul3A_55, %add3A_103 : i32
      %dma_wait3A_105 = arith.constant 0 : i32
      %dma_wait3A_106 = arith.constant 0 : i32
      %dma_wait3A_107 = arith.constant 0 : i32
      %dma_wait3A_108 = tpu.memref_slice %arg8[%dma_wait3A_105, %dma_wait3A_106, %dma_wait3A_107] : memref<2x128x32xf32, #tpu.memory_space<vmem>> -> memref<1x128x32xf32, #tpu.memory_space<vmem>>
      %dma_wait3A_109 = tpu.memref_squeeze %dma_wait3A_108 : memref<1x128x32xf32, #tpu.memory_space<vmem>> -> memref<128x32xf32, #tpu.memory_space<vmem>>
      %dma_wait3A_110 = arith.constant 0 : i32
      %dma_wait3A_111 = tpu.memref_slice %arg7[%add3A_104, %dma_wait3A_110] : memref<80x128xi32, #tpu.memory_space<vmem>> -> memref<1x128xi32, #tpu.memory_space<vmem>>
      %dma_wait3A_112 = tpu.memref_squeeze %dma_wait3A_111 : memref<1x128xi32, #tpu.memory_space<vmem>> -> memref<128xi32, #tpu.memory_space<vmem>>
      %dma_wait3A_113 = arith.constant 0 : i32
      %dma_wait3A_114 = arith.constant 0 : i32
      %dma_wait3A_115 = tpu.memref_slice %arg11[%dma_wait3A_113, %dma_wait3A_114] : memref<10240x32xf32, #tpu.memory_space<vmem_shared>> -> memref<10240x32xf32, #tpu.memory_space<vmem_shared>>
      tpu.wait_indirect_dma semaphore(%arg14 : memref<!tpu.dma_semaphore, #tpu.memory_space<semaphore_mem>>) src(%dma_wait3A_109 : memref<128x32xf32, #tpu.memory_space<vmem>>) dst(%dma_wait3A_115 : memref<10240x32xf32, #tpu.memory_space<vmem_shared>>)
      %add3A_116 = arith.constant 2 : i32
      %add3A_117 = arith.addi %add3A_104, %add3A_116 : i32
      %lt3A = arith.constant 80 : i32
      %lt3A_118 = arith.cmpi slt, %add3A_117, %lt3A : i32
      %convert_element_type3A = arith.extui %lt3A_118 : i1 to i32
      %cond3A = arith.constant 0 : i32
      %cond3A_119 = arith.cmpi ne, %convert_element_type3A, %cond3A : i32
      scf.if %cond3A_119 {
        %add3A_140 = arith.constant 2 : i32
        %add3A_141 = arith.addi %add3A_104, %add3A_140 : i32
        %dma_start3A_142 = arith.constant 0 : i32
        %dma_start3A_143 = arith.constant 0 : i32
        %dma_start3A_144 = arith.constant 0 : i32
        %dma_start3A_145 = tpu.memref_slice %arg8[%dma_start3A_142, %dma_start3A_143, %dma_start3A_144] : memref<2x128x32xf32, #tpu.memory_space<vmem>> -> memref<1x128x32xf32, #tpu.memory_space<vmem>>
        %dma_start3A_146 = tpu.memref_squeeze %dma_start3A_145 : memref<1x128x32xf32, #tpu.memory_space<vmem>> -> memref<128x32xf32, #tpu.memory_space<vmem>>
        %dma_start3A_147 = arith.constant 0 : i32
        %dma_start3A_148 = tpu.memref_slice %arg6[%add3A_141, %dma_start3A_147] : memref<80x128xi32, #tpu.memory_space<vmem>> -> memref<1x128xi32, #tpu.memory_space<vmem>>
        %dma_start3A_149 = tpu.memref_squeeze %dma_start3A_148 : memref<1x128xi32, #tpu.memory_space<vmem>> -> memref<128xi32, #tpu.memory_space<vmem>>
        %dma_start3A_150 = arith.constant 0 : i32
        %dma_start3A_151 = arith.constant 0 : i32
        %dma_start3A_152 = tpu.memref_slice %arg10[%dma_start3A_150, %dma_start3A_151] : memref<10240x32xf32, #tpu.memory_space<vmem_shared>> -> memref<10240x32xf32, #tpu.memory_space<vmem_shared>>
        tpu.enqueue_indirect_dma source(%dma_start3A_152 : memref<10240x32xf32, #tpu.memory_space<vmem_shared>>) target(%dma_start3A_146 : memref<128x32xf32, #tpu.memory_space<vmem>>) offsets(%dma_start3A_149 : memref<128xi32, #tpu.memory_space<vmem>>) semaphore(%arg12 : memref<!tpu.dma_semaphore, #tpu.memory_space<semaphore_mem>>)
      } else {
      }
      %add3A_120 = arith.constant 1 : i32
      %add3A_121 = arith.addi %mul3A_55, %add3A_120 : i32
      %dma_wait3A_122 = arith.constant 1 : i32
      %dma_wait3A_123 = arith.constant 0 : i32
      %dma_wait3A_124 = arith.constant 0 : i32
      %dma_wait3A_125 = tpu.memref_slice %arg8[%dma_wait3A_122, %dma_wait3A_123, %dma_wait3A_124] : memref<2x128x32xf32, #tpu.memory_space<vmem>> -> memref<1x128x32xf32, #tpu.memory_space<vmem>>
      %dma_wait3A_126 = tpu.memref_squeeze %dma_wait3A_125 : memref<1x128x32xf32, #tpu.memory_space<vmem>> -> memref<128x32xf32, #tpu.memory_space<vmem>>
      %dma_wait3A_127 = arith.constant 0 : i32
      %dma_wait3A_128 = tpu.memref_slice %arg7[%add3A_121, %dma_wait3A_127] : memref<80x128xi32, #tpu.memory_space<vmem>> -> memref<1x128xi32, #tpu.memory_space<vmem>>
      %dma_wait3A_129 = tpu.memref_squeeze %dma_wait3A_128 : memref<1x128xi32, #tpu.memory_space<vmem>> -> memref<128xi32, #tpu.memory_space<vmem>>
      %dma_wait3A_130 = arith.constant 0 : i32
      %dma_wait3A_131 = arith.constant 0 : i32
      %dma_wait3A_132 = tpu.memref_slice %arg11[%dma_wait3A_130, %dma_wait3A_131] : memref<10240x32xf32, #tpu.memory_space<vmem_shared>> -> memref<10240x32xf32, #tpu.memory_space<vmem_shared>>
      tpu.wait_indirect_dma semaphore(%arg15 : memref<!tpu.dma_semaphore, #tpu.memory_space<semaphore_mem>>) src(%dma_wait3A_126 : memref<128x32xf32, #tpu.memory_space<vmem>>) dst(%dma_wait3A_132 : memref<10240x32xf32, #tpu.memory_space<vmem_shared>>)
      %add3A_133 = arith.constant 2 : i32
      %add3A_134 = arith.addi %add3A_121, %add3A_133 : i32
      %lt3A_135 = arith.constant 80 : i32
      %lt3A_136 = arith.cmpi slt, %add3A_134, %lt3A_135 : i32
      %convert_element_type3A_137 = arith.extui %lt3A_136 : i1 to i32
      %cond3A_138 = arith.constant 0 : i32
      %cond3A_139 = arith.cmpi ne, %convert_element_type3A_137, %cond3A_138 : i32
      scf.if %cond3A_139 {
        %add3A_140 = arith.constant 2 : i32
        %add3A_141 = arith.addi %add3A_121, %add3A_140 : i32
        %dma_start3A_142 = arith.constant 1 : i32
        %dma_start3A_143 = arith.constant 0 : i32
        %dma_start3A_144 = arith.constant 0 : i32
        %dma_start3A_145 = tpu.memref_slice %arg8[%dma_start3A_142, %dma_start3A_143, %dma_start3A_144] : memref<2x128x32xf32, #tpu.memory_space<vmem>> -> memref<1x128x32xf32, #tpu.memory_space<vmem>>
        %dma_start3A_146 = tpu.memref_squeeze %dma_start3A_145 : memref<1x128x32xf32, #tpu.memory_space<vmem>> -> memref<128x32xf32, #tpu.memory_space<vmem>>
        %dma_start3A_147 = arith.constant 0 : i32
        %dma_start3A_148 = tpu.memref_slice %arg6[%add3A_141, %dma_start3A_147] : memref<80x128xi32, #tpu.memory_space<vmem>> -> memref<1x128xi32, #tpu.memory_space<vmem>>
        %dma_start3A_149 = tpu.memref_squeeze %dma_start3A_148 : memref<1x128xi32, #tpu.memory_space<vmem>> -> memref<128xi32, #tpu.memory_space<vmem>>
        %dma_start3A_150 = arith.constant 0 : i32
        %dma_start3A_151 = arith.constant 0 : i32
        %dma_start3A_152 = tpu.memref_slice %arg10[%dma_start3A_150, %dma_start3A_151] : memref<10240x32xf32, #tpu.memory_space<vmem_shared>> -> memref<10240x32xf32, #tpu.memory_space<vmem_shared>>
        tpu.enqueue_indirect_dma source(%dma_start3A_152 : memref<10240x32xf32, #tpu.memory_space<vmem_shared>>) target(%dma_start3A_146 : memref<128x32xf32, #tpu.memory_space<vmem>>) offsets(%dma_start3A_149 : memref<128xi32, #tpu.memory_space<vmem>>) semaphore(%arg13 : memref<!tpu.dma_semaphore, #tpu.memory_space<semaphore_mem>>)
      } else {
      }
    }
    %scan3A_43 = arith.constant 40 : i32
    %barrier3A_44 = arith.constant 0 : index
    tpu.barrier barrier_id(%barrier3A_44)
    %mul3A_45 = arith.constant 640 : i32
    %mul3A_46 = arith.muli %arg1, %mul3A_45 : i32
    %mul3A_47 = arith.constant 640 : i32
    %mul3A_48 = arith.muli %arg1, %mul3A_47 : i32
    "tpu.region"() ({
      %run_scoped3A = tpu.sem_alloc : memref<!tpu.dma_semaphore, #tpu.memory_space<semaphore_mem>>
      %dma_start3A_49 = arith.constant 0 : i32
      %dma_start3A_50 = tpu.memref_slice %arg5[%arg0, %mul3A_48, %dma_start3A_49] : memref<2x10240x32xf32, #tpu.memory_space<hbm>> -> memref<1x640x32xf32, #tpu.memory_space<hbm>>
      %dma_start3A_51 = tpu.memref_squeeze %dma_start3A_50 : memref<1x640x32xf32, #tpu.memory_space<hbm>> -> memref<640x32xf32, #tpu.memory_space<hbm>>
      %dma_start3A_52 = arith.constant 0 : i32
      %dma_start3A_53 = tpu.memref_slice %arg11[%mul3A_46, %dma_start3A_52] : memref<10240x32xf32, #tpu.memory_space<vmem_shared>> -> memref<640x32xf32, #tpu.memory_space<vmem_shared>>
      tpu.enqueue_dma source(%dma_start3A_53 : memref<640x32xf32, #tpu.memory_space<vmem_shared>>) target(%dma_start3A_51 : memref<640x32xf32, #tpu.memory_space<hbm>>) target_semaphore(%run_scoped3A : memref<!tpu.dma_semaphore, #tpu.memory_space<semaphore_mem>>)
      %dma_wait3A = arith.constant 0 : i32
      %dma_wait3A_54 = tpu.memref_slice %arg5[%arg0, %mul3A_48, %dma_wait3A] : memref<2x10240x32xf32, #tpu.memory_space<hbm>> -> memref<1x640x32xf32, #tpu.memory_space<hbm>>
      %dma_wait3A_55 = tpu.memref_squeeze %dma_wait3A_54 : memref<1x640x32xf32, #tpu.memory_space<hbm>> -> memref<640x32xf32, #tpu.memory_space<hbm>>
      %dma_wait3A_56 = arith.constant 0 : i32
      %dma_wait3A_57 = tpu.memref_slice %arg11[%mul3A_46, %dma_wait3A_56] : memref<10240x32xf32, #tpu.memory_space<vmem_shared>> -> memref<640x32xf32, #tpu.memory_space<vmem_shared>>
      tpu.wait_dma2 semaphore(%run_scoped3A : memref<!tpu.dma_semaphore, #tpu.memory_space<semaphore_mem>>) src(%dma_wait3A_57 : memref<640x32xf32, #tpu.memory_space<vmem_shared>>) dst(%dma_wait3A_55 : memref<640x32xf32, #tpu.memory_space<hbm>>)
      tpu.yield
    }) : () -> ()
    return
  }
}

#map = affine_map<(d0, d1) -> (0, 0)>
#map1 = affine_map<(d0, d1) -> (0, 0, 0)>
module attributes {stable_mosaic.version = 14 : i64} {
  func.func @kern(%arg0: i32, %arg1: i32, %arg2: memref<10240x64xf32, #tpu.memory_space<hbm>>, %arg3: memref<2560x128xi32, #tpu.memory_space<hbm>>, %arg4: memref<2560x128xi32, #tpu.memory_space<hbm>>, %arg5: memref<2x10240x64xf32, #tpu.memory_space<hbm>>, %arg6: memref<80x128xi32, #tpu.memory_space<vmem>>, %arg7: memref<80x128xi32, #tpu.memory_space<vmem>>, %arg8: memref<2x128x64xf32, #tpu.memory_space<vmem>>, %arg9: memref<160x64xf32, #tpu.memory_space<vmem>>, %arg10: memref<10240x64xf32, #tpu.memory_space<vmem_shared>>, %arg11: memref<10240x64xf32, #tpu.memory_space<vmem_shared>>, %arg12: memref<!tpu.dma_semaphore, #tpu.memory_space<semaphore_mem>>, %arg13: memref<!tpu.dma_semaphore, #tpu.memory_space<semaphore_mem>>, %arg14: memref<!tpu.dma_semaphore, #tpu.memory_space<semaphore_mem>>, %arg15: memref<!tpu.dma_semaphore, #tpu.memory_space<semaphore_mem>>) attributes {dimension_semantics = [#tpu.dimension_semantics<core_parallel>, #tpu.dimension_semantics<subcore_parallel>], iteration_bounds = array<i64: 2, 16>, scalar_prefetch = 0 : i64, scratch_operands = 10 : i64, tpu.core_type = #tpu.core_type<sc_vector_subcore>, window_params = [{transform_indices = #map}, {transform_indices = #map}, {transform_indices = #map}, {transform_indices = #map1}]} {
    %mul3A = arith.constant 2 : i32
    %mul3A_0 = arith.muli %arg1, %mul3A : i32
    %add3A = arith.addi %mul3A_0, %arg0 : i32
    %mul3A_1 = arith.constant 640 : i32
    %mul3A_2 = arith.muli %arg1, %mul3A_1 : i32
    %mul3A_3 = arith.constant 640 : i32
    %mul3A_4 = arith.muli %arg1, %mul3A_3 : i32
    "tpu.region"() ({
      %run_scoped3A = tpu.sem_alloc : memref<!tpu.dma_semaphore, #tpu.memory_space<semaphore_mem>>
      %dma_start3A_49 = arith.constant 0 : i32
      %dma_start3A_50 = tpu.memref_slice %arg10[%mul3A_4, %dma_start3A_49] : memref<10240x64xf32, #tpu.memory_space<vmem_shared>> -> memref<640x64xf32, #tpu.memory_space<vmem_shared>>
      %dma_start3A_51 = arith.constant 0 : i32
      %dma_start3A_52 = tpu.memref_slice %arg2[%mul3A_2, %dma_start3A_51] : memref<10240x64xf32, #tpu.memory_space<hbm>> -> memref<640x64xf32, #tpu.memory_space<hbm>>
      tpu.enqueue_dma source(%dma_start3A_52 : memref<640x64xf32, #tpu.memory_space<hbm>>) target(%dma_start3A_50 : memref<640x64xf32, #tpu.memory_space<vmem_shared>>) target_semaphore(%run_scoped3A : memref<!tpu.dma_semaphore, #tpu.memory_space<semaphore_mem>>)
      %dma_wait3A = arith.constant 0 : i32
      %dma_wait3A_53 = tpu.memref_slice %arg10[%mul3A_4, %dma_wait3A] : memref<10240x64xf32, #tpu.memory_space<vmem_shared>> -> memref<640x64xf32, #tpu.memory_space<vmem_shared>>
      %dma_wait3A_54 = arith.constant 0 : i32
      %dma_wait3A_55 = tpu.memref_slice %arg2[%mul3A_2, %dma_wait3A_54] : memref<10240x64xf32, #tpu.memory_space<hbm>> -> memref<640x64xf32, #tpu.memory_space<hbm>>
      tpu.wait_dma2 semaphore(%run_scoped3A : memref<!tpu.dma_semaphore, #tpu.memory_space<semaphore_mem>>) src(%dma_wait3A_55 : memref<640x64xf32, #tpu.memory_space<hbm>>) dst(%dma_wait3A_53 : memref<640x64xf32, #tpu.memory_space<vmem_shared>>)
      tpu.yield
    }) : () -> ()
    %scan3A = arith.constant 0 : i32
    %scan3A_5 = arith.constant 160 : i32
    %scan3A_6 = arith.addi %scan3A, %scan3A_5 : i32
    %scan3A_7 = arith.constant 1 : i32
    scf.for %scan3A_49 = %scan3A to %scan3A_6 step %scan3A_7  : i32 {
      %mul3A_50 = arith.constant 1 : i32
      %mul3A_51 = arith.muli %scan3A_49, %mul3A_50 : i32
      %add3A_52 = arith.constant 0 : i32
      %add3A_53 = arith.addi %add3A_52, %mul3A_51 : i32
      %scan3A_54 = arith.constant 0 : i32
      %scan3A_55 = arith.constant 4 : i32
      %scan3A_56 = arith.addi %scan3A_54, %scan3A_55 : i32
      %scan3A_57 = arith.constant 1 : i32
      scf.for %scan3A_59 = %scan3A_54 to %scan3A_56 step %scan3A_57  : i32 {
        %mul3A_60 = arith.constant 16 : i32
        %mul3A_61 = arith.muli %scan3A_59, %mul3A_60 : i32
        %add3A_62 = arith.constant 0 : i32
        %add3A_63 = arith.addi %add3A_62, %mul3A_61 : i32
        %broadcast_in_dim3A = arith.constant 0.000000e+00 : f32
        %broadcast_in_dim3A_64 = vector.broadcast %broadcast_in_dim3A : f32 to vector<16xf32>
        %swap3A = arith.index_cast %add3A_53 : i32 to index
        %swap3A_65 = arith.index_cast %add3A_63 : i32 to index
        %swap3A_66 = tpu.vector_load %arg9[%swap3A, %swap3A_65] {strides = array<i32>} : memref<160x64xf32, #tpu.memory_space<vmem>>, vector<1x16xf32>,
        %swap3A_67 = vector.shape_cast %swap3A_66 : vector<1x16xf32> to vector<16xf32>
        %swap3A_68 = vector.shape_cast %broadcast_in_dim3A_64 : vector<16xf32> to vector<1x16xf32>
        tpu.vector_store %arg9[%swap3A, %swap3A_65], %swap3A_68 {strides = array<i32>} : memref<160x64xf32, #tpu.memory_space<vmem>>, vector<1x16xf32>,
      }
      %scan3A_58 = arith.constant 4 : i32
    }
    %scan3A_8 = arith.constant 160 : i32
    %scan3A_9 = arith.constant 0 : i32
    %scan3A_10 = arith.constant 4 : i32
    %scan3A_11 = arith.addi %scan3A_9, %scan3A_10 : i32
    %scan3A_12 = arith.constant 1 : i32
    scf.for %scan3A_49 = %scan3A_9 to %scan3A_11 step %scan3A_12  : i32 {
      %mul3A_50 = arith.constant 1 : i32
      %mul3A_51 = arith.muli %scan3A_49, %mul3A_50 : i32
      %add3A_52 = arith.constant 0 : i32
      %add3A_53 = arith.addi %add3A_52, %mul3A_51 : i32
      %mul3A_54 = arith.constant 640 : i32
      %mul3A_55 = arith.muli %arg1, %mul3A_54 : i32
      %mul3A_56 = arith.constant 160 : i32
      %mul3A_57 = arith.muli %add3A_53, %mul3A_56 : i32
      %add3A_58 = arith.addi %mul3A_55, %mul3A_57 : i32
      "tpu.region"() ({
        %run_scoped3A = tpu.sem_alloc : memref<!tpu.dma_semaphore, #tpu.memory_space<semaphore_mem>>
        %dma_start3A_59 = arith.constant 0 : i32
        %dma_start3A_60 = tpu.memref_slice %arg11[%add3A_58, %dma_start3A_59] : memref<10240x64xf32, #tpu.memory_space<vmem_shared>> -> memref<160x64xf32, #tpu.memory_space<vmem_shared>>
        %dma_start3A_61 = arith.constant 0 : i32
        %dma_start3A_62 = tpu.memref_slice %arg11[%add3A_58, %dma_start3A_61] : memref<10240x64xf32, #tpu.memory_space<vmem_shared>> -> memref<160x64xf32, #tpu.memory_space<vmem_shared>>
        tpu.enqueue_dma source(%arg9 : memref<160x64xf32, #tpu.memory_space<vmem>>) target(%dma_start3A_62 : memref<160x64xf32, #tpu.memory_space<vmem_shared>>) target_semaphore(%run_scoped3A : memref<!tpu.dma_semaphore, #tpu.memory_space<semaphore_mem>>)
        %dma_wait3A = arith.constant 0 : i32
        %dma_wait3A_63 = tpu.memref_slice %arg11[%add3A_58, %dma_wait3A] : memref<10240x64xf32, #tpu.memory_space<vmem_shared>> -> memref<160x64xf32, #tpu.memory_space<vmem_shared>>
        %dma_wait3A_64 = arith.constant 0 : i32
        %dma_wait3A_65 = tpu.memref_slice %arg11[%add3A_58, %dma_wait3A_64] : memref<10240x64xf32, #tpu.memory_space<vmem_shared>> -> memref<160x64xf32, #tpu.memory_space<vmem_shared>>
        tpu.wait_dma2 semaphore(%run_scoped3A : memref<!tpu.dma_semaphore, #tpu.memory_space<semaphore_mem>>) src(%arg9 : memref<160x64xf32, #tpu.memory_space<vmem>>) dst(%dma_wait3A_65 : memref<160x64xf32, #tpu.memory_space<vmem_shared>>)
        tpu.yield
      }) : () -> ()
    }
    %scan3A_13 = arith.constant 4 : i32
    %mul3A_14 = arith.constant 80 : i32
    %mul3A_15 = arith.muli %add3A, %mul3A_14 : i32
    "tpu.region"() ({
      %run_scoped3A = tpu.sem_alloc : memref<!tpu.dma_semaphore, #tpu.memory_space<semaphore_mem>>
      %dma_start3A_49 = arith.constant 0 : i32
      %dma_start3A_50 = tpu.memref_slice %arg3[%mul3A_15, %dma_start3A_49] : memref<2560x128xi32, #tpu.memory_space<hbm>> -> memref<80x128xi32, #tpu.memory_space<hbm>>
      %dma_start3A_51 = arith.constant 0 : i32
      %dma_start3A_52 = tpu.memref_slice %arg3[%mul3A_15, %dma_start3A_51] : memref<2560x128xi32, #tpu.memory_space<hbm>> -> memref<80x128xi32, #tpu.memory_space<hbm>>
      tpu.enqueue_dma source(%dma_start3A_52 : memref<80x128xi32, #tpu.memory_space<hbm>>) target(%arg6 : memref<80x128xi32, #tpu.memory_space<vmem>>) target_semaphore(%run_scoped3A : memref<!tpu.dma_semaphore, #tpu.memory_space<semaphore_mem>>)
      %dma_wait3A = arith.constant 0 : i32
      %dma_wait3A_53 = tpu.memref_slice %arg3[%mul3A_15, %dma_wait3A] : memref<2560x128xi32, #tpu.memory_space<hbm>> -> memref<80x128xi32, #tpu.memory_space<hbm>>
      %dma_wait3A_54 = arith.constant 0 : i32
      %dma_wait3A_55 = tpu.memref_slice %arg3[%mul3A_15, %dma_wait3A_54] : memref<2560x128xi32, #tpu.memory_space<hbm>> -> memref<80x128xi32, #tpu.memory_space<hbm>>
      tpu.wait_dma2 semaphore(%run_scoped3A : memref<!tpu.dma_semaphore, #tpu.memory_space<semaphore_mem>>) src(%dma_wait3A_55 : memref<80x128xi32, #tpu.memory_space<hbm>>) dst(%arg6 : memref<80x128xi32, #tpu.memory_space<vmem>>)
      tpu.yield
    }) : () -> ()
    "tpu.region"() ({
      %run_scoped3A = tpu.sem_alloc : memref<!tpu.dma_semaphore, #tpu.memory_space<semaphore_mem>>
      %dma_start3A_49 = arith.constant 0 : i32
      %dma_start3A_50 = tpu.memref_slice %arg4[%mul3A_15, %dma_start3A_49] : memref<2560x128xi32, #tpu.memory_space<hbm>> -> memref<80x128xi32, #tpu.memory_space<hbm>>
      %dma_start3A_51 = arith.constant 0 : i32
      %dma_start3A_52 = tpu.memref_slice %arg4[%mul3A_15, %dma_start3A_51] : memref<2560x128xi32, #tpu.memory_space<hbm>> -> memref<80x128xi32, #tpu.memory_space<hbm>>
      tpu.enqueue_dma source(%dma_start3A_52 : memref<80x128xi32, #tpu.memory_space<hbm>>) target(%arg7 : memref<80x128xi32, #tpu.memory_space<vmem>>) target_semaphore(%run_scoped3A : memref<!tpu.dma_semaphore, #tpu.memory_space<semaphore_mem>>)
      %dma_wait3A = arith.constant 0 : i32
      %dma_wait3A_53 = tpu.memref_slice %arg4[%mul3A_15, %dma_wait3A] : memref<2560x128xi32, #tpu.memory_space<hbm>> -> memref<80x128xi32, #tpu.memory_space<hbm>>
      %dma_wait3A_54 = arith.constant 0 : i32
      %dma_wait3A_55 = tpu.memref_slice %arg4[%mul3A_15, %dma_wait3A_54] : memref<2560x128xi32, #tpu.memory_space<hbm>> -> memref<80x128xi32, #tpu.memory_space<hbm>>
      tpu.wait_dma2 semaphore(%run_scoped3A : memref<!tpu.dma_semaphore, #tpu.memory_space<semaphore_mem>>) src(%dma_wait3A_55 : memref<80x128xi32, #tpu.memory_space<hbm>>) dst(%arg7 : memref<80x128xi32, #tpu.memory_space<vmem>>)
      tpu.yield
    }) : () -> ()
    %barrier3A = arith.constant 0 : index
    tpu.barrier barrier_id(%barrier3A)
    %dma_start3A = arith.constant 0 : i32
    %dma_start3A_16 = arith.constant 0 : i32
    %dma_start3A_17 = arith.constant 0 : i32
    %dma_start3A_18 = arith.constant 0 : i32
    %dma_start3A_19 = tpu.memref_slice %arg8[%dma_start3A_16, %dma_start3A_17, %dma_start3A_18] : memref<2x128x64xf32, #tpu.memory_space<vmem>> -> memref<1x128x64xf32, #tpu.memory_space<vmem>>
    %dma_start3A_20 = tpu.memref_squeeze %dma_start3A_19 : memref<1x128x64xf32, #tpu.memory_space<vmem>> -> memref<128x64xf32, #tpu.memory_space<vmem>>
    %dma_start3A_21 = arith.constant 0 : i32
    %dma_start3A_22 = tpu.memref_slice %arg6[%dma_start3A, %dma_start3A_21] : memref<80x128xi32, #tpu.memory_space<vmem>> -> memref<1x128xi32, #tpu.memory_space<vmem>>
    %dma_start3A_23 = tpu.memref_squeeze %dma_start3A_22 : memref<1x128xi32, #tpu.memory_space<vmem>> -> memref<128xi32, #tpu.memory_space<vmem>>
    %dma_start3A_24 = arith.constant 0 : i32
    %dma_start3A_25 = arith.constant 0 : i32
    %dma_start3A_26 = tpu.memref_slice %arg10[%dma_start3A_24, %dma_start3A_25] : memref<10240x64xf32, #tpu.memory_space<vmem_shared>> -> memref<10240x64xf32, #tpu.memory_space<vmem_shared>>
    tpu.enqueue_indirect_dma source(%dma_start3A_26 : memref<10240x64xf32, #tpu.memory_space<vmem_shared>>) target(%dma_start3A_20 : memref<128x64xf32, #tpu.memory_space<vmem>>) offsets(%dma_start3A_23 : memref<128xi32, #tpu.memory_space<vmem>>) semaphore(%arg12 : memref<!tpu.dma_semaphore, #tpu.memory_space<semaphore_mem>>)
    %dma_start3A_27 = arith.constant 1 : i32
    %dma_start3A_28 = arith.constant 1 : i32
    %dma_start3A_29 = arith.constant 0 : i32
    %dma_start3A_30 = arith.constant 0 : i32
    %dma_start3A_31 = tpu.memref_slice %arg8[%dma_start3A_28, %dma_start3A_29, %dma_start3A_30] : memref<2x128x64xf32, #tpu.memory_space<vmem>> -> memref<1x128x64xf32, #tpu.memory_space<vmem>>
    %dma_start3A_32 = tpu.memref_squeeze %dma_start3A_31 : memref<1x128x64xf32, #tpu.memory_space<vmem>> -> memref<128x64xf32, #tpu.memory_space<vmem>>
    %dma_start3A_33 = arith.constant 0 : i32
    %dma_start3A_34 = tpu.memref_slice %arg6[%dma_start3A_27, %dma_start3A_33] : memref<80x128xi32, #tpu.memory_space<vmem>> -> memref<1x128xi32, #tpu.memory_space<vmem>>
    %dma_start3A_35 = tpu.memref_squeeze %dma_start3A_34 : memref<1x128xi32, #tpu.memory_space<vmem>> -> memref<128xi32, #tpu.memory_space<vmem>>
    %dma_start3A_36 = arith.constant 0 : i32
    %dma_start3A_37 = arith.constant 0 : i32
    %dma_start3A_38 = tpu.memref_slice %arg10[%dma_start3A_36, %dma_start3A_37] : memref<10240x64xf32, #tpu.memory_space<vmem_shared>> -> memref<10240x64xf32, #tpu.memory_space<vmem_shared>>
    tpu.enqueue_indirect_dma source(%dma_start3A_38 : memref<10240x64xf32, #tpu.memory_space<vmem_shared>>) target(%dma_start3A_32 : memref<128x64xf32, #tpu.memory_space<vmem>>) offsets(%dma_start3A_35 : memref<128xi32, #tpu.memory_space<vmem>>) semaphore(%arg13 : memref<!tpu.dma_semaphore, #tpu.memory_space<semaphore_mem>>)
    %scan3A_39 = arith.constant 0 : i32
    %scan3A_40 = arith.constant 40 : i32
    %scan3A_41 = arith.addi %scan3A_39, %scan3A_40 : i32
    %scan3A_42 = arith.constant 1 : i32
    scf.for %scan3A_49 = %scan3A_39 to %scan3A_41 step %scan3A_42  : i32 {
      %mul3A_50 = arith.constant 1 : i32
      %mul3A_51 = arith.muli %scan3A_49, %mul3A_50 : i32
      %add3A_52 = arith.constant 0 : i32
      %add3A_53 = arith.addi %add3A_52, %mul3A_51 : i32
      %mul3A_54 = arith.constant 2 : i32
      %mul3A_55 = arith.muli %add3A_53, %mul3A_54 : i32
      %add3A_56 = arith.constant 0 : i32
      %add3A_57 = arith.addi %mul3A_55, %add3A_56 : i32
      %dma_wait3A = arith.constant 0 : i32
      %dma_wait3A_58 = arith.constant 0 : i32
      %dma_wait3A_59 = arith.constant 0 : i32
      %dma_wait3A_60 = tpu.memref_slice %arg8[%dma_wait3A, %dma_wait3A_58, %dma_wait3A_59] : memref<2x128x64xf32, #tpu.memory_space<vmem>> -> memref<1x128x64xf32, #tpu.memory_space<vmem>>
      %dma_wait3A_61 = tpu.memref_squeeze %dma_wait3A_60 : memref<1x128x64xf32, #tpu.memory_space<vmem>> -> memref<128x64xf32, #tpu.memory_space<vmem>>
      %dma_wait3A_62 = arith.constant 0 : i32
      %dma_wait3A_63 = tpu.memref_slice %arg6[%add3A_57, %dma_wait3A_62] : memref<80x128xi32, #tpu.memory_space<vmem>> -> memref<1x128xi32, #tpu.memory_space<vmem>>
      %dma_wait3A_64 = tpu.memref_squeeze %dma_wait3A_63 : memref<1x128xi32, #tpu.memory_space<vmem>> -> memref<128xi32, #tpu.memory_space<vmem>>
      %dma_wait3A_65 = arith.constant 0 : i32
      %dma_wait3A_66 = arith.constant 0 : i32
      %dma_wait3A_67 = tpu.memref_slice %arg10[%dma_wait3A_65, %dma_wait3A_66] : memref<10240x64xf32, #tpu.memory_space<vmem_shared>> -> memref<10240x64xf32, #tpu.memory_space<vmem_shared>>
      tpu.wait_indirect_dma semaphore(%arg12 : memref<!tpu.dma_semaphore, #tpu.memory_space<semaphore_mem>>) src(%dma_wait3A_67 : memref<10240x64xf32, #tpu.memory_space<vmem_shared>>) dst(%dma_wait3A_61 : memref<128x64xf32, #tpu.memory_space<vmem>>)
      %dma_start3A_68 = arith.constant 0 : i32
      %dma_start3A_69 = arith.constant 0 : i32
      %dma_start3A_70 = arith.constant 0 : i32
      %dma_start3A_71 = tpu.memref_slice %arg8[%dma_start3A_68, %dma_start3A_69, %dma_start3A_70] : memref<2x128x64xf32, #tpu.memory_space<vmem>> -> memref<1x128x64xf32, #tpu.memory_space<vmem>>
      %dma_start3A_72 = tpu.memref_squeeze %dma_start3A_71 : memref<1x128x64xf32, #tpu.memory_space<vmem>> -> memref<128x64xf32, #tpu.memory_space<vmem>>
      %dma_start3A_73 = arith.constant 0 : i32
      %dma_start3A_74 = tpu.memref_slice %arg7[%add3A_57, %dma_start3A_73] : memref<80x128xi32, #tpu.memory_space<vmem>> -> memref<1x128xi32, #tpu.memory_space<vmem>>
      %dma_start3A_75 = tpu.memref_squeeze %dma_start3A_74 : memref<1x128xi32, #tpu.memory_space<vmem>> -> memref<128xi32, #tpu.memory_space<vmem>>
      %dma_start3A_76 = arith.constant 0 : i32
      %dma_start3A_77 = arith.constant 0 : i32
      %dma_start3A_78 = tpu.memref_slice %arg11[%dma_start3A_76, %dma_start3A_77] : memref<10240x64xf32, #tpu.memory_space<vmem_shared>> -> memref<10240x64xf32, #tpu.memory_space<vmem_shared>>
      tpu.enqueue_indirect_dma source(%dma_start3A_72 : memref<128x64xf32, #tpu.memory_space<vmem>>) target(%dma_start3A_78 : memref<10240x64xf32, #tpu.memory_space<vmem_shared>>) offsets(%dma_start3A_75 : memref<128xi32, #tpu.memory_space<vmem>>) semaphore(%arg14 : memref<!tpu.dma_semaphore, #tpu.memory_space<semaphore_mem>>) {add = true}
      %add3A_79 = arith.constant 1 : i32
      %add3A_80 = arith.addi %mul3A_55, %add3A_79 : i32
      %dma_wait3A_81 = arith.constant 1 : i32
      %dma_wait3A_82 = arith.constant 0 : i32
      %dma_wait3A_83 = arith.constant 0 : i32
      %dma_wait3A_84 = tpu.memref_slice %arg8[%dma_wait3A_81, %dma_wait3A_82, %dma_wait3A_83] : memref<2x128x64xf32, #tpu.memory_space<vmem>> -> memref<1x128x64xf32, #tpu.memory_space<vmem>>
      %dma_wait3A_85 = tpu.memref_squeeze %dma_wait3A_84 : memref<1x128x64xf32, #tpu.memory_space<vmem>> -> memref<128x64xf32, #tpu.memory_space<vmem>>
      %dma_wait3A_86 = arith.constant 0 : i32
      %dma_wait3A_87 = tpu.memref_slice %arg6[%add3A_80, %dma_wait3A_86] : memref<80x128xi32, #tpu.memory_space<vmem>> -> memref<1x128xi32, #tpu.memory_space<vmem>>
      %dma_wait3A_88 = tpu.memref_squeeze %dma_wait3A_87 : memref<1x128xi32, #tpu.memory_space<vmem>> -> memref<128xi32, #tpu.memory_space<vmem>>
      %dma_wait3A_89 = arith.constant 0 : i32
      %dma_wait3A_90 = arith.constant 0 : i32
      %dma_wait3A_91 = tpu.memref_slice %arg10[%dma_wait3A_89, %dma_wait3A_90] : memref<10240x64xf32, #tpu.memory_space<vmem_shared>> -> memref<10240x64xf32, #tpu.memory_space<vmem_shared>>
      tpu.wait_indirect_dma semaphore(%arg13 : memref<!tpu.dma_semaphore, #tpu.memory_space<semaphore_mem>>) src(%dma_wait3A_91 : memref<10240x64xf32, #tpu.memory_space<vmem_shared>>) dst(%dma_wait3A_85 : memref<128x64xf32, #tpu.memory_space<vmem>>)
      %dma_start3A_92 = arith.constant 1 : i32
      %dma_start3A_93 = arith.constant 0 : i32
      %dma_start3A_94 = arith.constant 0 : i32
      %dma_start3A_95 = tpu.memref_slice %arg8[%dma_start3A_92, %dma_start3A_93, %dma_start3A_94] : memref<2x128x64xf32, #tpu.memory_space<vmem>> -> memref<1x128x64xf32, #tpu.memory_space<vmem>>
      %dma_start3A_96 = tpu.memref_squeeze %dma_start3A_95 : memref<1x128x64xf32, #tpu.memory_space<vmem>> -> memref<128x64xf32, #tpu.memory_space<vmem>>
      %dma_start3A_97 = arith.constant 0 : i32
      %dma_start3A_98 = tpu.memref_slice %arg7[%add3A_80, %dma_start3A_97] : memref<80x128xi32, #tpu.memory_space<vmem>> -> memref<1x128xi32, #tpu.memory_space<vmem>>
      %dma_start3A_99 = tpu.memref_squeeze %dma_start3A_98 : memref<1x128xi32, #tpu.memory_space<vmem>> -> memref<128xi32, #tpu.memory_space<vmem>>
      %dma_start3A_100 = arith.constant 0 : i32
      %dma_start3A_101 = arith.constant 0 : i32
      %dma_start3A_102 = tpu.memref_slice %arg11[%dma_start3A_100, %dma_start3A_101] : memref<10240x64xf32, #tpu.memory_space<vmem_shared>> -> memref<10240x64xf32, #tpu.memory_space<vmem_shared>>
      tpu.enqueue_indirect_dma source(%dma_start3A_96 : memref<128x64xf32, #tpu.memory_space<vmem>>) target(%dma_start3A_102 : memref<10240x64xf32, #tpu.memory_space<vmem_shared>>) offsets(%dma_start3A_99 : memref<128xi32, #tpu.memory_space<vmem>>) semaphore(%arg15 : memref<!tpu.dma_semaphore, #tpu.memory_space<semaphore_mem>>) {add = true}
      %add3A_103 = arith.constant 0 : i32
      %add3A_104 = arith.addi %mul3A_55, %add3A_103 : i32
      %dma_wait3A_105 = arith.constant 0 : i32
      %dma_wait3A_106 = arith.constant 0 : i32
      %dma_wait3A_107 = arith.constant 0 : i32
      %dma_wait3A_108 = tpu.memref_slice %arg8[%dma_wait3A_105, %dma_wait3A_106, %dma_wait3A_107] : memref<2x128x64xf32, #tpu.memory_space<vmem>> -> memref<1x128x64xf32, #tpu.memory_space<vmem>>
      %dma_wait3A_109 = tpu.memref_squeeze %dma_wait3A_108 : memref<1x128x64xf32, #tpu.memory_space<vmem>> -> memref<128x64xf32, #tpu.memory_space<vmem>>
      %dma_wait3A_110 = arith.constant 0 : i32
      %dma_wait3A_111 = tpu.memref_slice %arg7[%add3A_104, %dma_wait3A_110] : memref<80x128xi32, #tpu.memory_space<vmem>> -> memref<1x128xi32, #tpu.memory_space<vmem>>
      %dma_wait3A_112 = tpu.memref_squeeze %dma_wait3A_111 : memref<1x128xi32, #tpu.memory_space<vmem>> -> memref<128xi32, #tpu.memory_space<vmem>>
      %dma_wait3A_113 = arith.constant 0 : i32
      %dma_wait3A_114 = arith.constant 0 : i32
      %dma_wait3A_115 = tpu.memref_slice %arg11[%dma_wait3A_113, %dma_wait3A_114] : memref<10240x64xf32, #tpu.memory_space<vmem_shared>> -> memref<10240x64xf32, #tpu.memory_space<vmem_shared>>
      tpu.wait_indirect_dma semaphore(%arg14 : memref<!tpu.dma_semaphore, #tpu.memory_space<semaphore_mem>>) src(%dma_wait3A_109 : memref<128x64xf32, #tpu.memory_space<vmem>>) dst(%dma_wait3A_115 : memref<10240x64xf32, #tpu.memory_space<vmem_shared>>)
      %add3A_116 = arith.constant 2 : i32
      %add3A_117 = arith.addi %add3A_104, %add3A_116 : i32
      %lt3A = arith.constant 80 : i32
      %lt3A_118 = arith.cmpi slt, %add3A_117, %lt3A : i32
      %convert_element_type3A = arith.extui %lt3A_118 : i1 to i32
      %cond3A = arith.constant 0 : i32
      %cond3A_119 = arith.cmpi ne, %convert_element_type3A, %cond3A : i32
      scf.if %cond3A_119 {
        %add3A_140 = arith.constant 2 : i32
        %add3A_141 = arith.addi %add3A_104, %add3A_140 : i32
        %dma_start3A_142 = arith.constant 0 : i32
        %dma_start3A_143 = arith.constant 0 : i32
        %dma_start3A_144 = arith.constant 0 : i32
        %dma_start3A_145 = tpu.memref_slice %arg8[%dma_start3A_142, %dma_start3A_143, %dma_start3A_144] : memref<2x128x64xf32, #tpu.memory_space<vmem>> -> memref<1x128x64xf32, #tpu.memory_space<vmem>>
        %dma_start3A_146 = tpu.memref_squeeze %dma_start3A_145 : memref<1x128x64xf32, #tpu.memory_space<vmem>> -> memref<128x64xf32, #tpu.memory_space<vmem>>
        %dma_start3A_147 = arith.constant 0 : i32
        %dma_start3A_148 = tpu.memref_slice %arg6[%add3A_141, %dma_start3A_147] : memref<80x128xi32, #tpu.memory_space<vmem>> -> memref<1x128xi32, #tpu.memory_space<vmem>>
        %dma_start3A_149 = tpu.memref_squeeze %dma_start3A_148 : memref<1x128xi32, #tpu.memory_space<vmem>> -> memref<128xi32, #tpu.memory_space<vmem>>
        %dma_start3A_150 = arith.constant 0 : i32
        %dma_start3A_151 = arith.constant 0 : i32
        %dma_start3A_152 = tpu.memref_slice %arg10[%dma_start3A_150, %dma_start3A_151] : memref<10240x64xf32, #tpu.memory_space<vmem_shared>> -> memref<10240x64xf32, #tpu.memory_space<vmem_shared>>
        tpu.enqueue_indirect_dma source(%dma_start3A_152 : memref<10240x64xf32, #tpu.memory_space<vmem_shared>>) target(%dma_start3A_146 : memref<128x64xf32, #tpu.memory_space<vmem>>) offsets(%dma_start3A_149 : memref<128xi32, #tpu.memory_space<vmem>>) semaphore(%arg12 : memref<!tpu.dma_semaphore, #tpu.memory_space<semaphore_mem>>)
      } else {
      }
      %add3A_120 = arith.constant 1 : i32
      %add3A_121 = arith.addi %mul3A_55, %add3A_120 : i32
      %dma_wait3A_122 = arith.constant 1 : i32
      %dma_wait3A_123 = arith.constant 0 : i32
      %dma_wait3A_124 = arith.constant 0 : i32
      %dma_wait3A_125 = tpu.memref_slice %arg8[%dma_wait3A_122, %dma_wait3A_123, %dma_wait3A_124] : memref<2x128x64xf32, #tpu.memory_space<vmem>> -> memref<1x128x64xf32, #tpu.memory_space<vmem>>
      %dma_wait3A_126 = tpu.memref_squeeze %dma_wait3A_125 : memref<1x128x64xf32, #tpu.memory_space<vmem>> -> memref<128x64xf32, #tpu.memory_space<vmem>>
      %dma_wait3A_127 = arith.constant 0 : i32
      %dma_wait3A_128 = tpu.memref_slice %arg7[%add3A_121, %dma_wait3A_127] : memref<80x128xi32, #tpu.memory_space<vmem>> -> memref<1x128xi32, #tpu.memory_space<vmem>>
      %dma_wait3A_129 = tpu.memref_squeeze %dma_wait3A_128 : memref<1x128xi32, #tpu.memory_space<vmem>> -> memref<128xi32, #tpu.memory_space<vmem>>
      %dma_wait3A_130 = arith.constant 0 : i32
      %dma_wait3A_131 = arith.constant 0 : i32
      %dma_wait3A_132 = tpu.memref_slice %arg11[%dma_wait3A_130, %dma_wait3A_131] : memref<10240x64xf32, #tpu.memory_space<vmem_shared>> -> memref<10240x64xf32, #tpu.memory_space<vmem_shared>>
      tpu.wait_indirect_dma semaphore(%arg15 : memref<!tpu.dma_semaphore, #tpu.memory_space<semaphore_mem>>) src(%dma_wait3A_126 : memref<128x64xf32, #tpu.memory_space<vmem>>) dst(%dma_wait3A_132 : memref<10240x64xf32, #tpu.memory_space<vmem_shared>>)
      %add3A_133 = arith.constant 2 : i32
      %add3A_134 = arith.addi %add3A_121, %add3A_133 : i32
      %lt3A_135 = arith.constant 80 : i32
      %lt3A_136 = arith.cmpi slt, %add3A_134, %lt3A_135 : i32
      %convert_element_type3A_137 = arith.extui %lt3A_136 : i1 to i32
      %cond3A_138 = arith.constant 0 : i32
      %cond3A_139 = arith.cmpi ne, %convert_element_type3A_137, %cond3A_138 : i32
      scf.if %cond3A_139 {
        %add3A_140 = arith.constant 2 : i32
        %add3A_141 = arith.addi %add3A_121, %add3A_140 : i32
        %dma_start3A_142 = arith.constant 1 : i32
        %dma_start3A_143 = arith.constant 0 : i32
        %dma_start3A_144 = arith.constant 0 : i32
        %dma_start3A_145 = tpu.memref_slice %arg8[%dma_start3A_142, %dma_start3A_143, %dma_start3A_144] : memref<2x128x64xf32, #tpu.memory_space<vmem>> -> memref<1x128x64xf32, #tpu.memory_space<vmem>>
        %dma_start3A_146 = tpu.memref_squeeze %dma_start3A_145 : memref<1x128x64xf32, #tpu.memory_space<vmem>> -> memref<128x64xf32, #tpu.memory_space<vmem>>
        %dma_start3A_147 = arith.constant 0 : i32
        %dma_start3A_148 = tpu.memref_slice %arg6[%add3A_141, %dma_start3A_147] : memref<80x128xi32, #tpu.memory_space<vmem>> -> memref<1x128xi32, #tpu.memory_space<vmem>>
        %dma_start3A_149 = tpu.memref_squeeze %dma_start3A_148 : memref<1x128xi32, #tpu.memory_space<vmem>> -> memref<128xi32, #tpu.memory_space<vmem>>
        %dma_start3A_150 = arith.constant 0 : i32
        %dma_start3A_151 = arith.constant 0 : i32
        %dma_start3A_152 = tpu.memref_slice %arg10[%dma_start3A_150, %dma_start3A_151] : memref<10240x64xf32, #tpu.memory_space<vmem_shared>> -> memref<10240x64xf32, #tpu.memory_space<vmem_shared>>
        tpu.enqueue_indirect_dma source(%dma_start3A_152 : memref<10240x64xf32, #tpu.memory_space<vmem_shared>>) target(%dma_start3A_146 : memref<128x64xf32, #tpu.memory_space<vmem>>) offsets(%dma_start3A_149 : memref<128xi32, #tpu.memory_space<vmem>>) semaphore(%arg13 : memref<!tpu.dma_semaphore, #tpu.memory_space<semaphore_mem>>)
      } else {
      }
    }
    %scan3A_43 = arith.constant 40 : i32
    %barrier3A_44 = arith.constant 0 : index
    tpu.barrier barrier_id(%barrier3A_44)
    %mul3A_45 = arith.constant 640 : i32
    %mul3A_46 = arith.muli %arg1, %mul3A_45 : i32
    %mul3A_47 = arith.constant 640 : i32
    %mul3A_48 = arith.muli %arg1, %mul3A_47 : i32
    "tpu.region"() ({
      %run_scoped3A = tpu.sem_alloc : memref<!tpu.dma_semaphore, #tpu.memory_space<semaphore_mem>>
      %dma_start3A_49 = arith.constant 0 : i32
      %dma_start3A_50 = tpu.memref_slice %arg5[%arg0, %mul3A_48, %dma_start3A_49] : memref<2x10240x64xf32, #tpu.memory_space<hbm>> -> memref<1x640x64xf32, #tpu.memory_space<hbm>>
      %dma_start3A_51 = tpu.memref_squeeze %dma_start3A_50 : memref<1x640x64xf32, #tpu.memory_space<hbm>> -> memref<640x64xf32, #tpu.memory_space<hbm>>
      %dma_start3A_52 = arith.constant 0 : i32
      %dma_start3A_53 = tpu.memref_slice %arg11[%mul3A_46, %dma_start3A_52] : memref<10240x64xf32, #tpu.memory_space<vmem_shared>> -> memref<640x64xf32, #tpu.memory_space<vmem_shared>>
      tpu.enqueue_dma source(%dma_start3A_53 : memref<640x64xf32, #tpu.memory_space<vmem_shared>>) target(%dma_start3A_51 : memref<640x64xf32, #tpu.memory_space<hbm>>) target_semaphore(%run_scoped3A : memref<!tpu.dma_semaphore, #tpu.memory_space<semaphore_mem>>)
      %dma_wait3A = arith.constant 0 : i32
      %dma_wait3A_54 = tpu.memref_slice %arg5[%arg0, %mul3A_48, %dma_wait3A] : memref<2x10240x64xf32, #tpu.memory_space<hbm>> -> memref<1x640x64xf32, #tpu.memory_space<hbm>>
      %dma_wait3A_55 = tpu.memref_squeeze %dma_wait3A_54 : memref<1x640x64xf32, #tpu.memory_space<hbm>> -> memref<640x64xf32, #tpu.memory_space<hbm>>
      %dma_wait3A_56 = arith.constant 0 : i32
      %dma_wait3A_57 = tpu.memref_slice %arg11[%mul3A_46, %dma_wait3A_56] : memref<10240x64xf32, #tpu.memory_space<vmem_shared>> -> memref<640x64xf32, #tpu.memory_space<vmem_shared>>
      tpu.wait_dma2 semaphore(%run_scoped3A : memref<!tpu.dma_semaphore, #tpu.memory_space<semaphore_mem>>) src(%dma_wait3A_57 : memref<640x64xf32, #tpu.memory_space<vmem_shared>>) dst(%dma_wait3A_55 : memref<640x64xf32, #tpu.memory_space<hbm>>)
      tpu.yield
    }) : () -> ()
    return
  }
}

module attributes {stable_mosaic.version = 14 : i64} {
  func.func @_mm_body(%arg0: i32, %arg1: memref<1280x128xf32, #tpu.memory_space<vmem>>, %arg2: memref<128x64xf32, #tpu.memory_space<vmem>>, %arg3: memref<1280x64xf32, #tpu.memory_space<vmem>>) attributes {dimension_semantics = [#tpu.dimension_semantics<arbitrary>], iteration_bounds = array<i64: 8>, scalar_prefetch = 0 : i64, scratch_operands = 0 : i64, tpu.core_type = #tpu.core_type<tc>, window_params = [{transform_indices = @transform_0, window_bounds = array<i64: 1280, 128>}, {pipeline_mode = #tpu.pipeline_mode<synchronous>, transform_indices = @transform_1, window_bounds = array<i64: 128, 64>}, {transform_indices = @transform_2, window_bounds = array<i64: 1280, 64>}]} {
    %get3A = arith.constant 0 : index
    %get3A_0 = arith.constant 0 : index
    %get3A_1 = vector.load %arg1[%get3A, %get3A_0] : memref<1280x128xf32, #tpu.memory_space<vmem>>, vector<1280x128xf32>
    %get3A_2 = arith.constant 0 : index
    %get3A_3 = arith.constant 0 : index
    %get3A_4 = vector.load %arg2[%get3A_2, %get3A_3] : memref<128x64xf32, #tpu.memory_space<vmem>>, vector<128x64xf32>
    %dot_general3A = arith.constant dense<0.000000e+00> : vector<1280x64xf32>
    %dot_general3A_5 = tpu.matmul %get3A_1, %get3A_4, %dot_general3A {dimension_numbers = #tpu.dot_dimension_numbers<[1], [0], [0], [1], [0, 0, 1, 1], [], []>, transpose_lhs_hint = false} : vector<1280x128xf32>, vector<128x64xf32>, vector<1280x64xf32> -> vector<1280x64xf32>
    %swap3A = arith.constant 0 : index
    %swap3A_6 = arith.constant 0 : index
    %swap3A_7 = vector.load %arg3[%swap3A, %swap3A_6] : memref<1280x64xf32, #tpu.memory_space<vmem>>, vector<1280x64xf32>
    tpu.vector_store %arg3[%swap3A, %swap3A_6], %dot_general3A_5 {strides = array<i32>} : memref<1280x64xf32, #tpu.memory_space<vmem>>, vector<1280x64xf32>,
    return
  }
  func.func @transform_0(%arg0: i32) -> (i32, i32) {
    %c0_i32 = arith.constant 0 : i32
    %c0_i32_0 = arith.constant 0 : i32
    return %arg0, %c0_i32 : i32, i32
  }
  func.func @transform_1(%arg0: i32) -> (i32, i32) {
    %c0_i32 = arith.constant 0 : i32
    %c0_i32_0 = arith.constant 0 : i32
    %c0_i32_1 = arith.constant 0 : i32
    return %c0_i32, %c0_i32_0 : i32, i32
  }
  func.func @transform_2(%arg0: i32) -> (i32, i32) {
    %c0_i32 = arith.constant 0 : i32
    %c0_i32_0 = arith.constant 0 : i32
    return %arg0, %c0_i32 : i32, i32
  }
}

module attributes {stable_mosaic.version = 14 : i64} {
  func.func @_stageA2_body(%arg0: i32, %arg1: memref<1280x64xf32, #tpu.memory_space<vmem>>, %arg2: memref<2x1280x16xf32, #tpu.memory_space<vmem>>, %arg3: memref<1280x64xf32, #tpu.memory_space<vmem>>) attributes {dimension_semantics = [#tpu.dimension_semantics<arbitrary>], iteration_bounds = array<i64: 8>, scalar_prefetch = 0 : i64, scratch_operands = 0 : i64, tpu.core_type = #tpu.core_type<tc>, window_params = [{transform_indices = @transform_0, window_bounds = array<i64: 1280, 64>}, {transform_indices = @transform_1, window_bounds = array<i64: 2, 1280, 16>}, {transform_indices = @transform_2, window_bounds = array<i64: 1280, 64>}]} {
    %get3A = arith.constant 0 : index
    %get3A_0 = arith.constant 0 : index
    %get3A_1 = arith.constant 0 : index
    %get3A_2 = vector.load %arg2[%get3A, %get3A_0, %get3A_1] : memref<2x1280x16xf32, #tpu.memory_space<vmem>>, vector<1x1280x1xf32>
    %get3A_3 = vector.shape_cast %get3A_2 : vector<1x1280x1xf32> to vector<1280x1xf32>
    %add3A = arith.constant 1.000000e+00 : f32
    %add3A_4 = vector.broadcast %add3A : f32 to vector<1280x1xf32>
    %add3A_5 = arith.addf %add3A_4, %get3A_3 : vector<1280x1xf32>
    %get3A_6 = arith.constant 1 : index
    %get3A_7 = arith.constant 0 : index
    %get3A_8 = arith.constant 0 : index
    %get3A_9 = vector.load %arg2[%get3A_6, %get3A_7, %get3A_8] : memref<2x1280x16xf32, #tpu.memory_space<vmem>>, vector<1x1280x1xf32>
    %get3A_10 = vector.shape_cast %get3A_9 : vector<1x1280x1xf32> to vector<1280x1xf32>
    %add3A_11 = arith.addf %add3A_5, %get3A_10 : vector<1280x1xf32>
    %rsqrt3A = math.rsqrt %add3A_11 : vector<1280x1xf32>
    %get3A_12 = arith.constant 0 : index
    %get3A_13 = arith.constant 0 : index
    %get3A_14 = vector.load %arg1[%get3A_12, %get3A_13] : memref<1280x64xf32, #tpu.memory_space<vmem>>, vector<1280x64xf32>
    %mul3A = vector.broadcast %rsqrt3A : vector<1280x1xf32> to vector<1280x64xf32>
    %mul3A_15 = arith.mulf %mul3A, %get3A_14 : vector<1280x64xf32>
    %swap3A = arith.constant 0 : index
    %swap3A_16 = arith.constant 0 : index
    %swap3A_17 = vector.load %arg3[%swap3A, %swap3A_16] : memref<1280x64xf32, #tpu.memory_space<vmem>>, vector<1280x64xf32>
    tpu.vector_store %arg3[%swap3A, %swap3A_16], %mul3A_15 {strides = array<i32>} : memref<1280x64xf32, #tpu.memory_space<vmem>>, vector<1280x64xf32>,
    return
  }
  func.func @transform_0(%arg0: i32) -> (i32, i32) {
    %c0_i32 = arith.constant 0 : i32
    %c0_i32_0 = arith.constant 0 : i32
    return %arg0, %c0_i32 : i32, i32
  }
  func.func @transform_1(%arg0: i32) -> (i32, i32, i32) {
    %c0_i32 = arith.constant 0 : i32
    %c0_i32_0 = arith.constant 0 : i32
    %c0_i32_1 = arith.constant 0 : i32
    return %c0_i32, %arg0, %c0_i32_0 : i32, i32, i32
  }
  func.func @transform_2(%arg0: i32) -> (i32, i32) {
    %c0_i32 = arith.constant 0 : i32
    %c0_i32_0 = arith.constant 0 : i32
    return %arg0, %c0_i32 : i32, i32
  }
}

module attributes {stable_mosaic.version = 14 : i64} {
  func.func @_stageB_body(%arg0: i32, %arg1: memref<2x1280x64xf32, #tpu.memory_space<vmem>>, %arg2: memref<1280x64xf32, #tpu.memory_space<vmem>>, %arg3: memref<2x1280x16xf32, #tpu.memory_space<vmem>>, %arg4: memref<1x64xf32, #tpu.memory_space<vmem>>, %arg5: memref<64x32xf32, #tpu.memory_space<vmem>>, %arg6: memref<1280x32xf32, #tpu.memory_space<vmem>>) attributes {dimension_semantics = [#tpu.dimension_semantics<arbitrary>], iteration_bounds = array<i64: 8>, scalar_prefetch = 0 : i64, scratch_operands = 0 : i64, tpu.core_type = #tpu.core_type<tc>, window_params = [{transform_indices = @transform_0, window_bounds = array<i64: 2, 1280, 64>}, {transform_indices = @transform_1, window_bounds = array<i64: 1280, 64>}, {transform_indices = @transform_2, window_bounds = array<i64: 2, 1280, 16>}, {pipeline_mode = #tpu.pipeline_mode<synchronous>, transform_indices = @transform_3, window_bounds = array<i64: 1, 64>}, {pipeline_mode = #tpu.pipeline_mode<synchronous>, transform_indices = @transform_4, window_bounds = array<i64: 64, 32>}, {transform_indices = @transform_5, window_bounds = array<i64: 1280, 32>}]} {
    %get3A = arith.constant 0 : index
    %get3A_0 = arith.constant 0 : index
    %get3A_1 = arith.constant 0 : index
    %get3A_2 = vector.load %arg3[%get3A, %get3A_0, %get3A_1] : memref<2x1280x16xf32, #tpu.memory_space<vmem>>, vector<1x1280x1xf32>
    %get3A_3 = vector.shape_cast %get3A_2 : vector<1x1280x1xf32> to vector<1280x1xf32>
    %add3A = arith.constant 1.000000e+00 : f32
    %add3A_4 = vector.broadcast %add3A : f32 to vector<1280x1xf32>
    %add3A_5 = arith.addf %add3A_4, %get3A_3 : vector<1280x1xf32>
    %get3A_6 = arith.constant 1 : index
    %get3A_7 = arith.constant 0 : index
    %get3A_8 = arith.constant 0 : index
    %get3A_9 = vector.load %arg3[%get3A_6, %get3A_7, %get3A_8] : memref<2x1280x16xf32, #tpu.memory_space<vmem>>, vector<1x1280x1xf32>
    %get3A_10 = vector.shape_cast %get3A_9 : vector<1x1280x1xf32> to vector<1280x1xf32>
    %add3A_11 = arith.addf %add3A_5, %get3A_10 : vector<1280x1xf32>
    %rsqrt3A = math.rsqrt %add3A_11 : vector<1280x1xf32>
    %get3A_12 = arith.constant 0 : index
    %get3A_13 = arith.constant 0 : index
    %get3A_14 = arith.constant 0 : index
    %get3A_15 = vector.load %arg1[%get3A_12, %get3A_13, %get3A_14] : memref<2x1280x64xf32, #tpu.memory_space<vmem>>, vector<1x1280x64xf32>
    %get3A_16 = vector.shape_cast %get3A_15 : vector<1x1280x64xf32> to vector<1280x64xf32>
    %get3A_17 = arith.constant 1 : index
    %get3A_18 = arith.constant 0 : index
    %get3A_19 = arith.constant 0 : index
    %get3A_20 = vector.load %arg1[%get3A_17, %get3A_18, %get3A_19] : memref<2x1280x64xf32, #tpu.memory_space<vmem>>, vector<1x1280x64xf32>
    %get3A_21 = vector.shape_cast %get3A_20 : vector<1x1280x64xf32> to vector<1280x64xf32>
    %add3A_22 = arith.addf %get3A_16, %get3A_21 : vector<1280x64xf32>
    %get3A_23 = arith.constant 0 : index
    %get3A_24 = arith.constant 0 : index
    %get3A_25 = vector.load %arg2[%get3A_23, %get3A_24] : memref<1280x64xf32, #tpu.memory_space<vmem>>, vector<1280x64xf32>
    %add3A_26 = arith.addf %add3A_22, %get3A_25 : vector<1280x64xf32>
    %mul3A = vector.broadcast %rsqrt3A : vector<1280x1xf32> to vector<1280x64xf32>
    %mul3A_27 = arith.mulf %mul3A, %add3A_26 : vector<1280x64xf32>
    %get3A_28 = arith.constant 0 : index
    %get3A_29 = arith.constant 0 : index
    %get3A_30 = vector.load %arg4[%get3A_28, %get3A_29] : memref<1x64xf32, #tpu.memory_space<vmem>>, vector<1x64xf32>
    %add3A_31 = vector.broadcast %get3A_30 : vector<1x64xf32> to vector<1280x64xf32>
    %add3A_32 = arith.addf %mul3A_27, %add3A_31 : vector<1280x64xf32>
    %max3A = arith.constant 0.000000e+00 : f32
    %max3A_33 = vector.broadcast %max3A : f32 to vector<1280x64xf32>
    %max3A_34 = arith.maximumf %add3A_32, %max3A_33 : vector<1280x64xf32>
    %get3A_35 = arith.constant 0 : index
    %get3A_36 = arith.constant 0 : index
    %get3A_37 = vector.load %arg5[%get3A_35, %get3A_36] : memref<64x32xf32, #tpu.memory_space<vmem>>, vector<64x32xf32>
    %dot_general3A = arith.constant dense<0.000000e+00> : vector<1280x32xf32>
    %dot_general3A_38 = tpu.matmul %max3A_34, %get3A_37, %dot_general3A {dimension_numbers = #tpu.dot_dimension_numbers<[1], [0], [0], [1], [0, 0, 1, 1], [], []>, transpose_lhs_hint = false} : vector<1280x64xf32>, vector<64x32xf32>, vector<1280x32xf32> -> vector<1280x32xf32>
    %mul3A_39 = vector.broadcast %rsqrt3A : vector<1280x1xf32> to vector<1280x32xf32>
    %mul3A_40 = arith.mulf %mul3A_39, %dot_general3A_38 : vector<1280x32xf32>
    %swap3A = arith.constant 0 : index
    %swap3A_41 = arith.constant 0 : index
    %swap3A_42 = vector.load %arg6[%swap3A, %swap3A_41] : memref<1280x32xf32, #tpu.memory_space<vmem>>, vector<1280x32xf32>
    tpu.vector_store %arg6[%swap3A, %swap3A_41], %mul3A_40 {strides = array<i32>} : memref<1280x32xf32, #tpu.memory_space<vmem>>, vector<1280x32xf32>,
    return
  }
  func.func @transform_0(%arg0: i32) -> (i32, i32, i32) {
    %c0_i32 = arith.constant 0 : i32
    %c0_i32_0 = arith.constant 0 : i32
    %c0_i32_1 = arith.constant 0 : i32
    return %c0_i32, %arg0, %c0_i32_0 : i32, i32, i32
  }
  func.func @transform_1(%arg0: i32) -> (i32, i32) {
    %c0_i32 = arith.constant 0 : i32
    %c0_i32_0 = arith.constant 0 : i32
    return %arg0, %c0_i32 : i32, i32
  }
  func.func @transform_2(%arg0: i32) -> (i32, i32, i32) {
    %c0_i32 = arith.constant 0 : i32
    %c0_i32_0 = arith.constant 0 : i32
    %c0_i32_1 = arith.constant 0 : i32
    return %c0_i32, %arg0, %c0_i32_0 : i32, i32, i32
  }
  func.func @transform_3(%arg0: i32) -> (i32, i32) {
    %c0_i32 = arith.constant 0 : i32
    %c0_i32_0 = arith.constant 0 : i32
    %c0_i32_1 = arith.constant 0 : i32
    return %c0_i32, %c0_i32_0 : i32, i32
  }
  func.func @transform_4(%arg0: i32) -> (i32, i32) {
    %c0_i32 = arith.constant 0 : i32
    %c0_i32_0 = arith.constant 0 : i32
    %c0_i32_1 = arith.constant 0 : i32
    return %c0_i32, %c0_i32_0 : i32, i32
  }
  func.func @transform_5(%arg0: i32) -> (i32, i32) {
    %c0_i32 = arith.constant 0 : i32
    %c0_i32_0 = arith.constant 0 : i32
    return %arg0, %c0_i32 : i32, i32
  }
}

module attributes {stable_mosaic.version = 14 : i64} {
  func.func @_stageC_body(%arg0: i32, %arg1: memref<2x1280x32xf32, #tpu.memory_space<vmem>>, %arg2: memref<1280x32xf32, #tpu.memory_space<vmem>>, %arg3: memref<2x1280x16xf32, #tpu.memory_space<vmem>>, %arg4: memref<1x32xf32, #tpu.memory_space<vmem>>, %arg5: memref<1280x32xf32, #tpu.memory_space<vmem>>, %arg6: memref<1280x32xf32, #tpu.memory_space<vmem>>) attributes {dimension_semantics = [#tpu.dimension_semantics<arbitrary>], iteration_bounds = array<i64: 8>, scalar_prefetch = 0 : i64, scratch_operands = 0 : i64, tpu.core_type = #tpu.core_type<tc>, window_params = [{transform_indices = @transform_0, window_bounds = array<i64: 2, 1280, 32>}, {transform_indices = @transform_1, window_bounds = array<i64: 1280, 32>}, {transform_indices = @transform_2, window_bounds = array<i64: 2, 1280, 16>}, {pipeline_mode = #tpu.pipeline_mode<synchronous>, transform_indices = @transform_3, window_bounds = array<i64: 1, 32>}, {transform_indices = @transform_4, window_bounds = array<i64: 1280, 32>}, {transform_indices = @transform_5, window_bounds = array<i64: 1280, 32>}]} {
    %get3A = arith.constant 0 : index
    %get3A_0 = arith.constant 0 : index
    %get3A_1 = arith.constant 0 : index
    %get3A_2 = vector.load %arg3[%get3A, %get3A_0, %get3A_1] : memref<2x1280x16xf32, #tpu.memory_space<vmem>>, vector<1x1280x1xf32>
    %get3A_3 = vector.shape_cast %get3A_2 : vector<1x1280x1xf32> to vector<1280x1xf32>
    %add3A = arith.constant 1.000000e+00 : f32
    %add3A_4 = vector.broadcast %add3A : f32 to vector<1280x1xf32>
    %add3A_5 = arith.addf %add3A_4, %get3A_3 : vector<1280x1xf32>
    %get3A_6 = arith.constant 1 : index
    %get3A_7 = arith.constant 0 : index
    %get3A_8 = arith.constant 0 : index
    %get3A_9 = vector.load %arg3[%get3A_6, %get3A_7, %get3A_8] : memref<2x1280x16xf32, #tpu.memory_space<vmem>>, vector<1x1280x1xf32>
    %get3A_10 = vector.shape_cast %get3A_9 : vector<1x1280x1xf32> to vector<1280x1xf32>
    %add3A_11 = arith.addf %add3A_5, %get3A_10 : vector<1280x1xf32>
    %rsqrt3A = math.rsqrt %add3A_11 : vector<1280x1xf32>
    %get3A_12 = arith.constant 0 : index
    %get3A_13 = arith.constant 0 : index
    %get3A_14 = arith.constant 0 : index
    %get3A_15 = vector.load %arg1[%get3A_12, %get3A_13, %get3A_14] : memref<2x1280x32xf32, #tpu.memory_space<vmem>>, vector<1x1280x32xf32>
    %get3A_16 = vector.shape_cast %get3A_15 : vector<1x1280x32xf32> to vector<1280x32xf32>
    %get3A_17 = arith.constant 1 : index
    %get3A_18 = arith.constant 0 : index
    %get3A_19 = arith.constant 0 : index
    %get3A_20 = vector.load %arg1[%get3A_17, %get3A_18, %get3A_19] : memref<2x1280x32xf32, #tpu.memory_space<vmem>>, vector<1x1280x32xf32>
    %get3A_21 = vector.shape_cast %get3A_20 : vector<1x1280x32xf32> to vector<1280x32xf32>
    %add3A_22 = arith.addf %get3A_16, %get3A_21 : vector<1280x32xf32>
    %get3A_23 = arith.constant 0 : index
    %get3A_24 = arith.constant 0 : index
    %get3A_25 = vector.load %arg2[%get3A_23, %get3A_24] : memref<1280x32xf32, #tpu.memory_space<vmem>>, vector<1280x32xf32>
    %add3A_26 = arith.addf %add3A_22, %get3A_25 : vector<1280x32xf32>
    %mul3A = vector.broadcast %rsqrt3A : vector<1280x1xf32> to vector<1280x32xf32>
    %mul3A_27 = arith.mulf %mul3A, %add3A_26 : vector<1280x32xf32>
    %get3A_28 = arith.constant 0 : index
    %get3A_29 = arith.constant 0 : index
    %get3A_30 = vector.load %arg4[%get3A_28, %get3A_29] : memref<1x32xf32, #tpu.memory_space<vmem>>, vector<1x32xf32>
    %add3A_31 = vector.broadcast %get3A_30 : vector<1x32xf32> to vector<1280x32xf32>
    %add3A_32 = arith.addf %mul3A_27, %add3A_31 : vector<1280x32xf32>
    %swap3A = arith.constant 0 : index
    %swap3A_33 = arith.constant 0 : index
    %swap3A_34 = vector.load %arg5[%swap3A, %swap3A_33] : memref<1280x32xf32, #tpu.memory_space<vmem>>, vector<1280x32xf32>
    tpu.vector_store %arg5[%swap3A, %swap3A_33], %add3A_32 {strides = array<i32>} : memref<1280x32xf32, #tpu.memory_space<vmem>>, vector<1280x32xf32>,
    %mul3A_35 = vector.broadcast %rsqrt3A : vector<1280x1xf32> to vector<1280x32xf32>
    %mul3A_36 = arith.mulf %mul3A_35, %add3A_32 : vector<1280x32xf32>
    %swap3A_37 = arith.constant 0 : index
    %swap3A_38 = arith.constant 0 : index
    %swap3A_39 = vector.load %arg6[%swap3A_37, %swap3A_38] : memref<1280x32xf32, #tpu.memory_space<vmem>>, vector<1280x32xf32>
    tpu.vector_store %arg6[%swap3A_37, %swap3A_38], %mul3A_36 {strides = array<i32>} : memref<1280x32xf32, #tpu.memory_space<vmem>>, vector<1280x32xf32>,
    return
  }
  func.func @transform_0(%arg0: i32) -> (i32, i32, i32) {
    %c0_i32 = arith.constant 0 : i32
    %c0_i32_0 = arith.constant 0 : i32
    %c0_i32_1 = arith.constant 0 : i32
    return %c0_i32, %arg0, %c0_i32_0 : i32, i32, i32
  }
  func.func @transform_1(%arg0: i32) -> (i32, i32) {
    %c0_i32 = arith.constant 0 : i32
    %c0_i32_0 = arith.constant 0 : i32
    return %arg0, %c0_i32 : i32, i32
  }
  func.func @transform_2(%arg0: i32) -> (i32, i32, i32) {
    %c0_i32 = arith.constant 0 : i32
    %c0_i32_0 = arith.constant 0 : i32
    %c0_i32_1 = arith.constant 0 : i32
    return %c0_i32, %arg0, %c0_i32_0 : i32, i32, i32
  }
  func.func @transform_3(%arg0: i32) -> (i32, i32) {
    %c0_i32 = arith.constant 0 : i32
    %c0_i32_0 = arith.constant 0 : i32
    %c0_i32_1 = arith.constant 0 : i32
    return %c0_i32, %c0_i32_0 : i32, i32
  }
  func.func @transform_4(%arg0: i32) -> (i32, i32) {
    %c0_i32 = arith.constant 0 : i32
    %c0_i32_0 = arith.constant 0 : i32
    return %arg0, %c0_i32 : i32, i32
  }
  func.func @transform_5(%arg0: i32) -> (i32, i32) {
    %c0_i32 = arith.constant 0 : i32
    %c0_i32_0 = arith.constant 0 : i32
    return %arg0, %c0_i32 : i32, i32
  }
}

module attributes {stable_mosaic.version = 14 : i64} {
  func.func @_stageD_body(%arg0: i32, %arg1: memref<2x1280x32xf32, #tpu.memory_space<vmem>>, %arg2: memref<1280x32xf32, #tpu.memory_space<vmem>>, %arg3: memref<2x1280x16xf32, #tpu.memory_space<vmem>>, %arg4: memref<32x64xf32, #tpu.memory_space<vmem>>, %arg5: memref<1x64xf32, #tpu.memory_space<vmem>>, %arg6: memref<1280x64xf32, #tpu.memory_space<vmem>>) attributes {dimension_semantics = [#tpu.dimension_semantics<arbitrary>], iteration_bounds = array<i64: 8>, scalar_prefetch = 0 : i64, scratch_operands = 0 : i64, tpu.core_type = #tpu.core_type<tc>, window_params = [{transform_indices = @transform_0, window_bounds = array<i64: 2, 1280, 32>}, {transform_indices = @transform_1, window_bounds = array<i64: 1280, 32>}, {transform_indices = @transform_2, window_bounds = array<i64: 2, 1280, 16>}, {pipeline_mode = #tpu.pipeline_mode<synchronous>, transform_indices = @transform_3, window_bounds = array<i64: 32, 64>}, {pipeline_mode = #tpu.pipeline_mode<synchronous>, transform_indices = @transform_4, window_bounds = array<i64: 1, 64>}, {transform_indices = @transform_5, window_bounds = array<i64: 1280, 64>}]} {
    %get3A = arith.constant 0 : index
    %get3A_0 = arith.constant 0 : index
    %get3A_1 = arith.constant 0 : index
    %get3A_2 = vector.load %arg3[%get3A, %get3A_0, %get3A_1] : memref<2x1280x16xf32, #tpu.memory_space<vmem>>, vector<1x1280x1xf32>
    %get3A_3 = vector.shape_cast %get3A_2 : vector<1x1280x1xf32> to vector<1280x1xf32>
    %add3A = arith.constant 1.000000e+00 : f32
    %add3A_4 = vector.broadcast %add3A : f32 to vector<1280x1xf32>
    %add3A_5 = arith.addf %add3A_4, %get3A_3 : vector<1280x1xf32>
    %get3A_6 = arith.constant 1 : index
    %get3A_7 = arith.constant 0 : index
    %get3A_8 = arith.constant 0 : index
    %get3A_9 = vector.load %arg3[%get3A_6, %get3A_7, %get3A_8] : memref<2x1280x16xf32, #tpu.memory_space<vmem>>, vector<1x1280x1xf32>
    %get3A_10 = vector.shape_cast %get3A_9 : vector<1x1280x1xf32> to vector<1280x1xf32>
    %add3A_11 = arith.addf %add3A_5, %get3A_10 : vector<1280x1xf32>
    %rsqrt3A = math.rsqrt %add3A_11 : vector<1280x1xf32>
    %get3A_12 = arith.constant 0 : index
    %get3A_13 = arith.constant 0 : index
    %get3A_14 = arith.constant 0 : index
    %get3A_15 = vector.load %arg1[%get3A_12, %get3A_13, %get3A_14] : memref<2x1280x32xf32, #tpu.memory_space<vmem>>, vector<1x1280x32xf32>
    %get3A_16 = vector.shape_cast %get3A_15 : vector<1x1280x32xf32> to vector<1280x32xf32>
    %get3A_17 = arith.constant 1 : index
    %get3A_18 = arith.constant 0 : index
    %get3A_19 = arith.constant 0 : index
    %get3A_20 = vector.load %arg1[%get3A_17, %get3A_18, %get3A_19] : memref<2x1280x32xf32, #tpu.memory_space<vmem>>, vector<1x1280x32xf32>
    %get3A_21 = vector.shape_cast %get3A_20 : vector<1x1280x32xf32> to vector<1280x32xf32>
    %add3A_22 = arith.addf %get3A_16, %get3A_21 : vector<1280x32xf32>
    %get3A_23 = arith.constant 0 : index
    %get3A_24 = arith.constant 0 : index
    %get3A_25 = vector.load %arg2[%get3A_23, %get3A_24] : memref<1280x32xf32, #tpu.memory_space<vmem>>, vector<1280x32xf32>
    %add3A_26 = arith.addf %add3A_22, %get3A_25 : vector<1280x32xf32>
    %mul3A = vector.broadcast %rsqrt3A : vector<1280x1xf32> to vector<1280x32xf32>
    %mul3A_27 = arith.mulf %mul3A, %add3A_26 : vector<1280x32xf32>
    %get3A_28 = arith.constant 0 : index
    %get3A_29 = arith.constant 0 : index
    %get3A_30 = vector.load %arg4[%get3A_28, %get3A_29] : memref<32x64xf32, #tpu.memory_space<vmem>>, vector<32x64xf32>
    %dot_general3A = arith.constant dense<0.000000e+00> : vector<1280x64xf32>
    %dot_general3A_31 = tpu.matmul %mul3A_27, %get3A_30, %dot_general3A {dimension_numbers = #tpu.dot_dimension_numbers<[1], [0], [0], [1], [0, 0, 1, 1], [], []>, transpose_lhs_hint = false} : vector<1280x32xf32>, vector<32x64xf32>, vector<1280x64xf32> -> vector<1280x64xf32>
    %get3A_32 = arith.constant 0 : index
    %get3A_33 = arith.constant 0 : index
    %get3A_34 = vector.load %arg5[%get3A_32, %get3A_33] : memref<1x64xf32, #tpu.memory_space<vmem>>, vector<1x64xf32>
    %add3A_35 = vector.broadcast %get3A_34 : vector<1x64xf32> to vector<1280x64xf32>
    %add3A_36 = arith.addf %dot_general3A_31, %add3A_35 : vector<1280x64xf32>
    %max3A = arith.constant 0.000000e+00 : f32
    %max3A_37 = vector.broadcast %max3A : f32 to vector<1280x64xf32>
    %max3A_38 = arith.maximumf %add3A_36, %max3A_37 : vector<1280x64xf32>
    %mul3A_39 = vector.broadcast %rsqrt3A : vector<1280x1xf32> to vector<1280x64xf32>
    %mul3A_40 = arith.mulf %mul3A_39, %max3A_38 : vector<1280x64xf32>
    %swap3A = arith.constant 0 : index
    %swap3A_41 = arith.constant 0 : index
    %swap3A_42 = vector.load %arg6[%swap3A, %swap3A_41] : memref<1280x64xf32, #tpu.memory_space<vmem>>, vector<1280x64xf32>
    tpu.vector_store %arg6[%swap3A, %swap3A_41], %mul3A_40 {strides = array<i32>} : memref<1280x64xf32, #tpu.memory_space<vmem>>, vector<1280x64xf32>,
    return
  }
  func.func @transform_0(%arg0: i32) -> (i32, i32, i32) {
    %c0_i32 = arith.constant 0 : i32
    %c0_i32_0 = arith.constant 0 : i32
    %c0_i32_1 = arith.constant 0 : i32
    return %c0_i32, %arg0, %c0_i32_0 : i32, i32, i32
  }
  func.func @transform_1(%arg0: i32) -> (i32, i32) {
    %c0_i32 = arith.constant 0 : i32
    %c0_i32_0 = arith.constant 0 : i32
    return %arg0, %c0_i32 : i32, i32
  }
  func.func @transform_2(%arg0: i32) -> (i32, i32, i32) {
    %c0_i32 = arith.constant 0 : i32
    %c0_i32_0 = arith.constant 0 : i32
    %c0_i32_1 = arith.constant 0 : i32
    return %c0_i32, %arg0, %c0_i32_0 : i32, i32, i32
  }
  func.func @transform_3(%arg0: i32) -> (i32, i32) {
    %c0_i32 = arith.constant 0 : i32
    %c0_i32_0 = arith.constant 0 : i32
    %c0_i32_1 = arith.constant 0 : i32
    return %c0_i32, %c0_i32_0 : i32, i32
  }
  func.func @transform_4(%arg0: i32) -> (i32, i32) {
    %c0_i32 = arith.constant 0 : i32
    %c0_i32_0 = arith.constant 0 : i32
    %c0_i32_1 = arith.constant 0 : i32
    return %c0_i32, %c0_i32_0 : i32, i32
  }
  func.func @transform_5(%arg0: i32) -> (i32, i32) {
    %c0_i32 = arith.constant 0 : i32
    %c0_i32_0 = arith.constant 0 : i32
    return %arg0, %c0_i32 : i32, i32
  }
}

module attributes {stable_mosaic.version = 14 : i64} {
  func.func @_stageE_body(%arg0: i32, %arg1: memref<2x1280x64xf32, #tpu.memory_space<vmem>>, %arg2: memref<1280x64xf32, #tpu.memory_space<vmem>>, %arg3: memref<2x1280x16xf32, #tpu.memory_space<vmem>>, %arg4: memref<64x128xf32, #tpu.memory_space<vmem>>, %arg5: memref<1x128xf32, #tpu.memory_space<vmem>>, %arg6: memref<1280x128xf32, #tpu.memory_space<vmem>>) attributes {dimension_semantics = [#tpu.dimension_semantics<arbitrary>], iteration_bounds = array<i64: 8>, scalar_prefetch = 0 : i64, scratch_operands = 0 : i64, tpu.core_type = #tpu.core_type<tc>, window_params = [{transform_indices = @transform_0, window_bounds = array<i64: 2, 1280, 64>}, {transform_indices = @transform_1, window_bounds = array<i64: 1280, 64>}, {transform_indices = @transform_2, window_bounds = array<i64: 2, 1280, 16>}, {pipeline_mode = #tpu.pipeline_mode<synchronous>, transform_indices = @transform_3, window_bounds = array<i64: 64, 128>}, {pipeline_mode = #tpu.pipeline_mode<synchronous>, transform_indices = @transform_4, window_bounds = array<i64: 1, 128>}, {transform_indices = @transform_5, window_bounds = array<i64: 1280, 128>}]} {
    %get3A = arith.constant 0 : index
    %get3A_0 = arith.constant 0 : index
    %get3A_1 = arith.constant 0 : index
    %get3A_2 = vector.load %arg3[%get3A, %get3A_0, %get3A_1] : memref<2x1280x16xf32, #tpu.memory_space<vmem>>, vector<1x1280x1xf32>
    %get3A_3 = vector.shape_cast %get3A_2 : vector<1x1280x1xf32> to vector<1280x1xf32>
    %add3A = arith.constant 1.000000e+00 : f32
    %add3A_4 = vector.broadcast %add3A : f32 to vector<1280x1xf32>
    %add3A_5 = arith.addf %add3A_4, %get3A_3 : vector<1280x1xf32>
    %get3A_6 = arith.constant 1 : index
    %get3A_7 = arith.constant 0 : index
    %get3A_8 = arith.constant 0 : index
    %get3A_9 = vector.load %arg3[%get3A_6, %get3A_7, %get3A_8] : memref<2x1280x16xf32, #tpu.memory_space<vmem>>, vector<1x1280x1xf32>
    %get3A_10 = vector.shape_cast %get3A_9 : vector<1x1280x1xf32> to vector<1280x1xf32>
    %add3A_11 = arith.addf %add3A_5, %get3A_10 : vector<1280x1xf32>
    %rsqrt3A = math.rsqrt %add3A_11 : vector<1280x1xf32>
    %get3A_12 = arith.constant 0 : index
    %get3A_13 = arith.constant 0 : index
    %get3A_14 = arith.constant 0 : index
    %get3A_15 = vector.load %arg1[%get3A_12, %get3A_13, %get3A_14] : memref<2x1280x64xf32, #tpu.memory_space<vmem>>, vector<1x1280x64xf32>
    %get3A_16 = vector.shape_cast %get3A_15 : vector<1x1280x64xf32> to vector<1280x64xf32>
    %get3A_17 = arith.constant 1 : index
    %get3A_18 = arith.constant 0 : index
    %get3A_19 = arith.constant 0 : index
    %get3A_20 = vector.load %arg1[%get3A_17, %get3A_18, %get3A_19] : memref<2x1280x64xf32, #tpu.memory_space<vmem>>, vector<1x1280x64xf32>
    %get3A_21 = vector.shape_cast %get3A_20 : vector<1x1280x64xf32> to vector<1280x64xf32>
    %add3A_22 = arith.addf %get3A_16, %get3A_21 : vector<1280x64xf32>
    %get3A_23 = arith.constant 0 : index
    %get3A_24 = arith.constant 0 : index
    %get3A_25 = vector.load %arg2[%get3A_23, %get3A_24] : memref<1280x64xf32, #tpu.memory_space<vmem>>, vector<1280x64xf32>
    %add3A_26 = arith.addf %add3A_22, %get3A_25 : vector<1280x64xf32>
    %mul3A = vector.broadcast %rsqrt3A : vector<1280x1xf32> to vector<1280x64xf32>
    %mul3A_27 = arith.mulf %mul3A, %add3A_26 : vector<1280x64xf32>
    %get3A_28 = arith.constant 0 : index
    %get3A_29 = arith.constant 0 : index
    %get3A_30 = vector.load %arg4[%get3A_28, %get3A_29] : memref<64x128xf32, #tpu.memory_space<vmem>>, vector<64x128xf32>
    %dot_general3A = arith.constant dense<0.000000e+00> : vector<1280x128xf32>
    %dot_general3A_31 = tpu.matmul %mul3A_27, %get3A_30, %dot_general3A {dimension_numbers = #tpu.dot_dimension_numbers<[1], [0], [0], [1], [0, 0, 1, 1], [], []>, transpose_lhs_hint = false} : vector<1280x64xf32>, vector<64x128xf32>, vector<1280x128xf32> -> vector<1280x128xf32>
    %get3A_32 = arith.constant 0 : index
    %get3A_33 = arith.constant 0 : index
    %get3A_34 = vector.load %arg5[%get3A_32, %get3A_33] : memref<1x128xf32, #tpu.memory_space<vmem>>, vector<1x128xf32>
    %add3A_35 = vector.broadcast %get3A_34 : vector<1x128xf32> to vector<1280x128xf32>
    %add3A_36 = arith.addf %dot_general3A_31, %add3A_35 : vector<1280x128xf32>
    %swap3A = arith.constant 0 : index
    %swap3A_37 = arith.constant 0 : index
    %swap3A_38 = vector.load %arg6[%swap3A, %swap3A_37] : memref<1280x128xf32, #tpu.memory_space<vmem>>, vector<1280x128xf32>
    tpu.vector_store %arg6[%swap3A, %swap3A_37], %add3A_36 {strides = array<i32>} : memref<1280x128xf32, #tpu.memory_space<vmem>>, vector<1280x128xf32>,
    return
  }
  func.func @transform_0(%arg0: i32) -> (i32, i32, i32) {
    %c0_i32 = arith.constant 0 : i32
    %c0_i32_0 = arith.constant 0 : i32
    %c0_i32_1 = arith.constant 0 : i32
    return %c0_i32, %arg0, %c0_i32_0 : i32, i32, i32
  }
  func.func @transform_1(%arg0: i32) -> (i32, i32) {
    %c0_i32 = arith.constant 0 : i32
    %c0_i32_0 = arith.constant 0 : i32
    return %arg0, %c0_i32 : i32, i32
  }
  func.func @transform_2(%arg0: i32) -> (i32, i32, i32) {
    %c0_i32 = arith.constant 0 : i32
    %c0_i32_0 = arith.constant 0 : i32
    %c0_i32_1 = arith.constant 0 : i32
    return %c0_i32, %arg0, %c0_i32_0 : i32, i32, i32
  }
  func.func @transform_3(%arg0: i32) -> (i32, i32) {
    %c0_i32 = arith.constant 0 : i32
    %c0_i32_0 = arith.constant 0 : i32
    %c0_i32_1 = arith.constant 0 : i32
    return %c0_i32, %c0_i32_0 : i32, i32
  }
  func.func @transform_4(%arg0: i32) -> (i32, i32) {
    %c0_i32 = arith.constant 0 : i32
    %c0_i32_0 = arith.constant 0 : i32
    %c0_i32_1 = arith.constant 0 : i32
    return %c0_i32, %c0_i32_0 : i32, i32
  }
  func.func @transform_5(%arg0: i32) -> (i32, i32) {
    %c0_i32 = arith.constant 0 : i32
    %c0_i32_0 = arith.constant 0 : i32
    return %arg0, %c0_i32 : i32, i32
  }
}

</mosaic_0001>

<sc_bundles>
// kernel: kernel.13.cloned.1.call-start
scs
__scs_entry_jumppad:
0x0: {  	(pc) =	sbr.rel $0x88, $3  }
0x1: {  	(tag) =	ssettag $0x0;
	lr =	simm.s32 $0x1  }
0x2: {  	[smem:$0x3F97] =	sst lr;
	_ =	strace $0xD0000000  }
0x3: {  	_ = 	snop  }
0x4: {  	_ = 	snop  }
0x5: {  	_ = 	snop  }
0x6: {  	_ = 	snop  }
0x7: {  	_ = 	snop  }
__scs_overlays_trampoline_lowered:
0x8: {  	[smem:$0x3FA6] =	sst s0  }
0x9: {  	[smem:$0x3FA7] =	sst s1  }
0xa: {  	[smem:$0x3FA8] =	sst s2  }
0xb: {  	[smem:$0x3FA9] =	sst s3  }
0xc: {  	[smem:$0x3FAA] =	sst s4  }
0xd: {  	[smem:$0x3FAB] =	sst s5  }
0xe: {  	[smem:$0x3FAC] =	sst s6  }
0xf: {  	[smem:$0x3FAD] =	sst s7  }
0x10: {  	[smem:$0x3FAE] =	sst s8  }
0x11: {  	[smem:$0x3FAF] =	sst s9;
	s0 =	simm.s32 @!p0 $0x0  }
0x12: {  	s1 =	sld [smem:$0x3F95];
	s0 =	simm.s32 @p0 $0x1  }
0x13: {  	[smem:$0x3FB0] =	sst s0;
	s0 =	simm.s32 @!p1 $0x0  }
0x14: {  	s2 =	sld [smem:$0x3F94];
	s0 =	simm.s32 @p1 $0x1  }
0x15: {  	[smem:$0x3FB1] =	sst s0;
	s0 =	simm.s32 @!p2 $0x0  }
0x16: {  	s3 =	sld [smem:$0x3FDB];
	s0 =	simm.s32 @p2 $0x1  }
0x17: {  	s4 =	simm.s32 $0x1BF5;
	[smem:$0x3FB3] =	sst s0  }
0x18: {  	s0 =	sld [smem:$0x3F96];
	_ =	swait.ge [sflag:s4], $0x0  }
0x19: {  	s7 =	sld [smem:$0x3F97]  }
0x1a: {  	s8 =	sadd.s32 $0xFFFFE003, lr  }
0x1b: {  	s9 =	sadd.s32 $0xFFFFFEF7, lr;
	s5 =	simm.s32 $0xFFFFFFFF;
	p2 =	slt.u32 s8, $0xFFFFF086  }
0x1c: {  	p1 =	slt.u32 s9, $0xF7A;
	s5 =	simm.s32 @!p2 $0x0  }
0x1d: {  	s5 =	simm.s32 @p1 $0x1;
	p0 =	seq.s32 s7, s2  }
0x1e: {  	s7 =	smul.u32 @!p0 $0xF7A, s2;
	p2 =	seq.s32 @!p0 s5, $0x0  }
0x1f: {  	s9 =	smul.u32 $0xF7A, s1;
	s8 =	simm.s32 @!p0 $0x1BF5;
	p2 =	por !p2, p0  }
0x20: {  	[sflag:s8] =	ssyncset.s32 @!p0 $0xFFFFF086;
	s6 =	sadd.s32 @!p0 s3, s7;
	s7 =	simm.s32 @!p0 $0x108  }
0x21: {  	s3 =	sadd.s32 s3, s9;
	s6 =	sadd.s32 @!p0 $0x88, s6;
	s7 =	simm.s32 @p2 $0x1082  }
0x22: {  	[simem:s7], [sflag:s8] =	dma.local @!p0 [hbm:s6], $0xF7A  }
0x23: {  	s9 =	sor.u32 $0xD0000000, s2;
	s6 =	simm.s32 $0x108;
	_ =	swait.ge @!p0 [sflag:s8], $0x0  }
0x24: {  	s3 =	sadd.s32 $0x88, s3;
	s6 =	simm.s32 @!p1 $0x1082;
	[sflag:s4] =	ssyncset.s32 $0xFFFFF086  }
0x25: {  	[simem:s6], [sflag:s4] =	dma.local [hbm:s3], $0xF7A  }
0x26: {  	[smem:$0x3F97] =	sst s1;
	(tag) =	ssettag s2;
	_ =	strace s9  }
0x27: {  	s1 =	sld [smem:$0x3FA7]  }
0x28: {  	s2 =	sld [smem:$0x3FA8]  }
0x29: {  	s4 =	sld [smem:$0x3FAA]  }
0x2a: {  	p0 =	seq.s32 s5, $0x0;
	s5 =	sld [smem:$0x3FAB]  }
0x2b: {  	s6 =	sld [smem:$0x3FAC]  }
0x2c: {  	s7 =	sld [smem:$0x3FAD]  }
0x2d: {  	s3 =	simm.s32 $0x108;
	s8 =	sld [smem:$0x3FAE]  }
0x2e: {  	s3 =	simm.s32 @!p0 $0x1082;
	s9 =	sld [smem:$0x3FAF]  }
0x2f: {  	lr =	sadd.s32 s0, s3;
	s0 =	sld [smem:$0x3FA6]  }
0x30: {  	s3 =	sld [smem:$0x3FA9]  }
0x31: {  	[smem:$0x3FB2] =	sst s10  }
0x32: {  	s10 =	sld [smem:$0x3FB0];
	_ =	sdelay $0x3  }
0x33: {  	p0 =	seq.s32 s10, $0x1;
	s10 =	sld [smem:$0x3FB2];
	_ =	sdelay $0x3  }
0x34: {  	[smem:$0x3FB2] =	sst s10  }
0x35: {  	s10 =	sld [smem:$0x3FB1];
	_ =	sdelay $0x3  }
0x36: {  	p1 =	seq.s32 s10, $0x1;
	s10 =	sld [smem:$0x3FB2];
	_ =	sdelay $0x3  }
0x37: {  	[smem:$0x3FB2] =	sst s10  }
0x38: {  	s10 =	sld [smem:$0x3FB3]  }
0x39: {  	_ = 	snop;
	(pc) =	sbr.ind lr, $3  }
0x3a: {  	_ = 	snop  }
0x3b: {  	_ = 	snop  }
0x3c: {  	p2 =	seq.s32 s10, $0x1;
	s10 =	sld [smem:$0x3FB2]  }
0x3d: {  	_ =	shalt  }
0x3e: {  	_ =	shalt  }
0x3f: {  	_ =	shalt  }
0x40: {  	_ =	shalt  }
0x41: {  	_ =	shalt  }
0x42: {  	_ =	shalt  }
0x43: {  	_ =	shalt  }
0x44: {  	_ =	shalt  }
0x45: {  	_ =	shalt  }
0x46: {  	_ =	shalt  }
0x47: {  	_ =	shalt  }
0x48: {  	_ =	shalt  }
0x49: {  	_ =	shalt  }
0x4a: {  	_ =	shalt  }
0x4b: {  	_ =	shalt  }
0x4c: {  	_ =	shalt  }
0x4d: {  	_ =	shalt  }
0x4e: {  	_ =	shalt  }
0x4f: {  	_ =	shalt  }
0x50: {  	_ =	shalt  }
0x51: {  	_ =	shalt  }
0x52: {  	_ =	shalt  }
0x53: {  	_ =	shalt  }
0x54: {  	_ =	shalt  }
0x55: {  	_ =	shalt  }
0x56: {  	_ =	shalt  }
0x57: {  	_ =	shalt  }
0x58: {  	_ =	shalt  }
0x59: {  	_ =	shalt  }
0x5a: {  	_ =	shalt  }
0x5b: {  	_ =	shalt  }
0x5c: {  	_ =	shalt  }
0x5d: {  	_ =	shalt  }
0x5e: {  	_ =	shalt  }
0x5f: {  	_ =	shalt  }
0x60: {  	_ =	shalt  }
0x61: {  	_ =	shalt  }
0x62: {  	_ =	shalt  }
0x63: {  	_ =	shalt  }
0x64: {  	_ =	shalt  }
0x65: {  	_ =	shalt  }
0x66: {  	_ =	shalt  }
0x67: {  	_ =	shalt  }
0x68: {  	_ =	shalt  }
0x69: {  	_ =	shalt  }
0x6a: {  	_ =	shalt  }
0x6b: {  	_ =	shalt  }
0x6c: {  	_ =	shalt  }
0x6d: {  	_ =	shalt  }
0x6e: {  	_ =	shalt  }
0x6f: {  	_ =	shalt  }
0x70: {  	_ =	shalt  }
0x71: {  	_ =	shalt  }
0x72: {  	_ =	shalt  }
0x73: {  	_ =	shalt  }
0x74: {  	_ =	shalt  }
0x75: {  	_ =	shalt  }
0x76: {  	_ =	shalt  }
0x77: {  	_ =	shalt  }
0x78: {  	_ =	shalt  }
0x79: {  	_ =	shalt  }
0x7a: {  	_ =	shalt  }
0x7b: {  	_ =	shalt  }
0x7c: {  	_ =	shalt  }
0x7d: {  	_ =	shalt  }
0x7e: {  	_ =	shalt  }
0x7f: {  	_ =	shalt  }
0x80: {  	_ =	shalt  }
0x81: {  	_ =	shalt  }
0x82: {  	_ =	shalt  }
0x83: {  	_ =	shalt  }
0x84: {  	_ =	shalt  }
0x85: {  	_ =	shalt  }
0x86: {  	_ =	shalt  }
0x87: {  	_ =	shalt  }
.Lfunc_end0:
.L_simem_size_0:
called_computation_lowered:
.L_overlay_start_0:
0x88: {  	s2 =	sld [smem:$0x3FD9]  }
0x89: {  	s3 =	sld [smem:$0x3FFE];
	_ =	sdelay $0x1  }
0x8a: {  	s1 =	srdreg.scid  }
0x8b: {  	s0 =	sand.u32 $0x1, s1  }
0x8c: {  	s14 =	sshll.u32 s0, $0xA;
	s2 =	sadd.s32 s3, s2  }
0x8d: {  	s2 =	sadd.s32 s2, s14  }
0x8e: {  	[smem:$0x3FBE] =	sst s2  }
0x8f: {  	_ = 	snop  }
0x90: {  	s2 =	sld [smem:$0x3FD0];
	_ =	sdelay $0x2  }
0x91: {  	s15 =	simm.s32 $0xA;
	s4 =	simm.s32 $0x10  }
0x92: {  	[smem:s4], [sflag:s15] =	dma.local [hbm:s2], $0x1  }
0x93: {  	_ =	swait.eq [sflag:s15], $0x1  }
0x94: {  	[sflag:s15] =	ssyncset.done $0x0  }
0x95: {  	[sflag:s15] =	ssyncadd.s32 $0xFFFFFFFF  }
0x96: {  	s16 =	sld [smem:$0x10];
	(tm) =	ssettm $0x1  }
0x97: {  	s17 =	sld [smem:$0x3FFB];
	_ =	sdelay $0x3  }
0x98: {  	_ =	strace s17  }
0x99: {  	s3 =	sld [smem:$0x3FFC];
	_ =	sdelay $0x3  }
0x9a: {  	_ =	strace s3  }
0x9b: {  	s3 =	sld [smem:$0x3FFD];
	_ =	sdelay $0x3  }
0x9c: {  	_ =	strace s3  }
0x9d: {  	_ =	strace $0x8FFFFFFF  }
0x9e: {  	s18 =	sld [smem:$0x3FDB];
	_ =	sdelay $0x1  }
0x9f: {  	s19 =	simm.s32 $_scs_section_size  }
0xa0: {  	s5 =	simm.s32 $_size__tile_overlayer_lowered;
	s6 =	simm.s32 $_tile_overlayer_lowered  }
0xa1: {  	s22 =	simm.s32 $0x1BFF;
	s21 =	sshll.u32 s6, $0x1;
	s3 =	sadd.s32 s19, s18  }
0xa2: {  	s7 =	simm.s32 $0x0;
	s20 =	sshll.u32 s5, $0x1;
	s5 =	sadd.s32 s21, s3  }
0xa3: {  	[timem:s7], [sflag:s22] =	dma.local [hbm:s5], s20  }
0xa4: {  	_ =	swait.ge [sflag:s22], s20  }
0xa5: {  	s4 =	ssub.s32 $0x0, s20;
	[sflag:s22] =	ssyncset.done $0x0  }
0xa6: {  	[sflag:s22] =	ssyncadd.s32 s4;
	_ =	sdelay $0x1  }
0xa7: {  	s23 =	simm.s32 $0x1B8B  }
0xa8: {  	_ =	swait.ge [sflag:s23], $0x1  }
0xa9: {  	[sflag:s23] =	ssyncset.done $0x0  }
0xaa: {  	s25 =	simm.s32 $0x1B8E;
	s24 =	sld [smem:$0x3FFE];
	[sflag:s23] =	ssyncadd.s32 $0xFFFFFFFF  }
0xab: {  	s26 =	simm.s32 $execute0_lowered;
	[smem:$0x3FD2] =	sst s25  }
0xac: {  	s5 =	sshll.u32 s26, $0x1;
	_ =	strace $0x80000046;
	[dreg:$0x1] =	wrdreg $0xFFFFFFFF  }
0xad: {  	s28 =	simm.s32 $_size_execute0_lowered;
	s3 =	sadd.s32 s3, s5;
	[dreg:$0x0] =	wrdreg $0x0  }
0xae: {  	s5 =	sshll.u32 s28, $0x1;
	[dreg:$0x2] =	wrdreg s3  }
0xaf: {  	[dreg:$0x3] =	wrdreg s5  }
0xb0: {  	[dreg:$0x4] =	wrdreg $0xC0  }
0xb1: {  	_ =	task [dreg:s7], $0x5FFFF  }
0xb2: {  	[dreg:$0x1] =	wrdreg $0xFFFFFFFF  }
0xb3: {  	[dreg:$0x0] =	wrdreg $0x60  }
0xb4: {  	[dreg:$0x2] =	wrdreg s24  }
0xb5: {  	[dreg:$0x3] =	wrdreg s16  }
0xb6: {  	[dreg:$0x4] =	wrdreg $0x58000  }
0xb7: {  	[dreg:$0x5] =	wrdreg $0x9  }
0xb8: {  	_ =	task.clear_ibuf [dreg:s7], $0x6FFFF;
	_ =	strace $0x90000046  }
0xb9: {  	s29 =	simm.s32 $0x9;
	_ =	strace $0x80000048  }
0xba: {  	_ =	swait.ge [sflag:s29], $0x1  }
0xbb: {  	[sflag:s29] =	ssyncadd.s32 $0xFFFFFFFF  }
0xbc: {  	_ =	strace $0x90000048  }
0xbd: {  	_ =	sfence  }
0xbe: {  	s30 =	sld [smem:$0x0];
	_ =	sdelay $0x2  }
0xbf: {  	s31 =	sshll.u32 s1, $0xD;
	s1 =	sshrl.u32 s1, $0x2  }
0xc0: {  	s3 =	sand.u32 $0x4000, s31;
	s1 =	sadd.s32 s1, s30  }
0xc1: {  	s0 =	sor.u32 s3, s0;
	s1 =	sshll.u32 s1, $0x11  }
0xc2: {  	s0 =	sor.u32 s1, s0  }
0xc3: {  	s0 =	sadd.s32 $0x8F2B, s0  }
0xc4: {  	[sflag:s0] =	ssyncadd.remote.s32 $0x1  }
0xc5: {  	_ =	sfence.sel $0xFFFF  }
0xc6: {  	[dreg:$0x0] =	wrdreg $0xFFFFFFFF;
	(pc) =	sbr.abs _section_cstart, $3  }
0xc7: {  	[dreg:$0x1] =	wrdreg $0xFFFFFFFF  }
0xc8: {  	_ =	task.clear_ibuf [dreg:s7], $0x2FFFF;
	_ =	strace $0x9FFFFFFF  }
0xc9: {  	(tm) =	ssettm $0x7FFFFFFF  }
tec
execute0_lowered:
.L_overlay_start_1:
0x0: {  	(tag) =	ssettag $0x1  }
0x1: {  	s4 =	rddreg [dreg:$0x0]  }
0x2: {  	s6 =	rddreg [dreg:$0x1]  }
0x3: {  	s2 =	rddreg [dreg:$0x2]  }
0x4: {  	s0 =	rddreg [dreg:$0x3]  }
0x5: {  	s3 =	srdreg.scid;
	s1 =	stileid.u32  }
0x6: {  	s11 =	simm.s32 $0x2800;
	s12 =	simm.s32 $0x100;
	s13 =	simm.s32 $0x180  }
0x7: {  	s14 =	simm.s32 $0x1;
	s15 =	simm.s32 $0x2;
	s16 =	simm.s32 $0x3  }
0x8: {  	s17 =	simm.s32 $0x4;
	s20 =	simm.s32 $0x0;
	s5 =	sand.u32 $0x1, s3  }
0x9: {  	s7 =	sshll.u32 s1, $0x1;
	s8 =	smul.u32 $0x2800, s1;
	s3 =	simm.s32 $0x0  }
0xa: {  	s18 =	sshll.u32 s1, $0x6;
	s7 =	sor.u32 s5, s7;
	s9 =	smul.u32 $0x28000, s5  }
0xb: {  	[smem:$0x7FF] =	sst s3;
	s5 =	ssub.s32 $0x2, s5;
	s7 =	smul.u32 $0x500, s7  }
0xc: {  	s18 =	sor.u32 $0x1C05, s18;
	_ =	strace $0x80000047;
	s10 =	sshrl.u32 s5, $0x1  }
0xd: {  	s9 =	sadd.s32 s8, s9;
	s10 =	ssub.s32 s5, s10;
	s7 =	sadd.s32 s7, s4  }
0xe: {  	s9 =	sshrl.u32 s9, $0x3;
	s4 =	sadd.s32 s8, s2;
	s8 =	simm.s32 $0x3000  }
0xf: {  	s5 =	sadd.s32 $0x2C00, s7;
	s6 =	sadd.s32 s6, s9;
	s7 =	smax.u32 s10, $0x1  }
0x10: {  	v0 =	vimm.f32 $0.0e+00;
	v1 =	vimm.f32 $1.000000000e+00;
	s9 =	simm.s32 $0x5;
	s10 =	simm.s32 $0x80;
	s19 =	sshrl.u32 s4, $0x3  }
.LBB2_1:
0x11: {  	s21 =	simm.s32 $0x0  }
.LBB2_2:
0x12: {  	p0 =	sne.s32 s21, $0x9FC0  }
.Ltmp0:
0x13: {  	_ = 	snop;
	(pc) =	sbr.rel @p0 .LBB2_2-.Ltmp0, $3  }
0x14: {  	_ =	sdelay $0x1  }
0x15: {  	s22 =	sshra.s32 s21, $0x2  }
0x16: {  	s21 =	sadd.s32 $0x40, s21;
	[tilespmem:s22+$0x3000] =	vst v0  }
0x17: {  	s21 =	simm.s32 $0x40;
	s22 =	simm.s32 $0x0  }
.LBB2_4:
0x18: {  	p0 =	sne.s32 s21, $0x1FC0;
	[tilespmem:s22+$0x2800] =	vst v1;
	s22 =	smov.u32 s21;
	s21 =	sadd.s32 $0x40, s21  }
.Ltmp1:
0x19: {  	(pc) =	sbr.rel @p0 .LBB2_4-.Ltmp1, $2  }
0x1a: {  	_ =	sdelay $0x2  }
0x1b: {  	s22 =	sshra.s32 s22, $0x2  }
0x1c: {  	[tilespmem:s22+$0x2800] =	vst v1  }
0x1d: {  	[spmem:s4] =	stream.linear.scatter [tilespmem:s8], [sflag:$0x5], $0x2800, $0x38;
	[tilespmem:$0x8000] =	vst v63  }
0x1e: {  	_ =	swait.ge [sflag:s9], $0x2800  }
0x1f: {  	[sflag:s9] =	ssyncset.done $0x0  }
0x20: {  	[sflag:s9] =	ssyncadd.s32 $0xFFFFD800  }
0x21: {  	[tilespmem:s3], [sflag:$0x5] =	stream.linear.gather [hbm4b:s5+s3], $0x2800, $0x38;
	[tilespmem:$0x8000] =	vst v63  }
0x22: {  	_ =	swait.ge [sflag:s9], $0x2800  }
0x23: {  	[sflag:s9] =	ssyncset.done $0x0  }
0x24: {  	[sflag:s9] =	ssyncadd.s32 $0xFFFFD800  }
0x25: {  	[bflag:$0x0] =	sbarrier.arrive $0xFFFF  }
0x26: {  	[spmem:s2] =	stream.indirect.scatter.add.f32 [tilespmem:s11], [sflag:$0x1], $0x10, s3, s10, $0xb8;
	[tilespmem:$0x8000] =	vst v63  }
0x27: {  	_ = 	snop  }
0x28: {  	[spmem:s2] =	stream.indirect.scatter.add.f32 [tilespmem:s11], [sflag:$0x2], $0x10, s10, s10, $0xb8;
	[tilespmem:$0x8000] =	vst v63  }
0x29: {  	_ = 	snop  }
0x2a: {  	[spmem:s2] =	stream.indirect.scatter.add.f32 [tilespmem:s11], [sflag:$0x3], $0x10, s12, s10, $0xb8;
	[tilespmem:$0x8000] =	vst v63  }
0x2b: {  	_ = 	snop  }
0x2c: {  	[spmem:s2] =	stream.indirect.scatter.add.f32 [tilespmem:s11], [sflag:$0x4], $0x10, s13, s10, $0xb8;
	[tilespmem:$0x8000] =	vst v63  }
0x2d: {  	_ =	swait.ge [sflag:s14], $0x800  }
0x2e: {  	[sflag:s14] =	ssyncset.done $0x0  }
0x2f: {  	s21 =	simm.s32 $0x200;
	[sflag:s14] =	ssyncadd.s32 $0xFFFFF800  }
0x30: {  	[spmem:s2] =	stream.indirect.scatter.add.f32 [tilespmem:s11], [sflag:$0x1], $0x10, s21, s10, $0xb8;
	[tilespmem:$0x8000] =	vst v63  }
0x31: {  	_ =	swait.ge [sflag:s15], $0x800  }
0x32: {  	[sflag:s15] =	ssyncset.done $0x0  }
0x33: {  	s30 =	simm.s32 $0x280;
	[sflag:s15] =	ssyncadd.s32 $0xFFFFF800  }
0x34: {  	[spmem:s2] =	stream.indirect.scatter.add.f32 [tilespmem:s11], [sflag:$0x2], $0x10, s30, s10, $0xb8;
	[tilespmem:$0x8000] =	vst v63  }
0x35: {  	_ =	swait.ge [sflag:s16], $0x800  }
0x36: {  	[sflag:s16] =	ssyncset.done $0x0  }
0x37: {  	s31 =	simm.s32 $0x300;
	[sflag:s16] =	ssyncadd.s32 $0xFFFFF800  }
0x38: {  	[spmem:s2] =	stream.indirect.scatter.add.f32 [tilespmem:s11], [sflag:$0x3], $0x10, s31, s10, $0xb8;
	[tilespmem:$0x8000] =	vst v63  }
0x39: {  	_ =	swait.ge [sflag:s17], $0x800  }
0x3a: {  	[sflag:s17] =	ssyncset.done $0x0  }
0x3b: {  	s22 =	simm.s32 $0x380;
	s21 =	simm.s32 $0xFFFF7000;
	[sflag:s17] =	ssyncadd.s32 $0xFFFFF800  }
.LBB2_6:
0x3c: {  	[spmem:s2] =	stream.indirect.scatter.add.f32 [tilespmem:s11], [sflag:$0x4], $0x10, s22, s10, $0xb8;
	[tilespmem:$0x8000] =	vst v63  }
0x3d: {  	s22 =	smov.u32 s21  }
0x3e: {  	p0 =	sne.s32 s21, $0xFFFFF800;
	s21 =	sadd.s32 $0x800, s21;
	_ =	swait.ge [sflag:s14], $0x800  }
0x3f: {  	s22 =	sshra.s32 s22, $0x2;
	[sflag:s14] =	ssyncset.done $0x0  }
0x40: {  	s23 =	sadd.s32 $0x2800, s22;
	[sflag:s14] =	ssyncadd.s32 $0xFFFFF800  }
0x41: {  	[spmem:s2] =	stream.indirect.scatter.add.f32 [tilespmem:s11], [sflag:$0x1], $0x10, s23, s10, $0xb8;
	[tilespmem:$0x8000] =	vst v63  }
0x42: {  	_ =	swait.ge [sflag:s15], $0x800  }
0x43: {  	[sflag:s15] =	ssyncset.done $0x0  }
0x44: {  	s23 =	sadd.s32 $0x2880, s22;
	[sflag:s15] =	ssyncadd.s32 $0xFFFFF800  }
0x45: {  	[spmem:s2] =	stream.indirect.scatter.add.f32 [tilespmem:s11], [sflag:$0x2], $0x10, s23, s10, $0xb8;
	[tilespmem:$0x8000] =	vst v63  }
0x46: {  	_ =	swait.ge [sflag:s16], $0x800  }
0x47: {  	[sflag:s16] =	ssyncset.done $0x0  }
.Ltmp2:
0x48: {  	s23 =	sadd.s32 $0x2900, s22;
	[sflag:s16] =	ssyncadd.s32 $0xFFFFF800;
	(pc) =	sbr.rel @p0 .LBB2_6-.Ltmp2, $4  }
0x49: {  	[spmem:s2] =	stream.indirect.scatter.add.f32 [tilespmem:s11], [sflag:$0x3], $0x10, s23, s10, $0xb8;
	[tilespmem:$0x8000] =	vst v63  }
0x4a: {  	_ =	swait.ge [sflag:s17], $0x800  }
0x4b: {  	[sflag:s17] =	ssyncset.done $0x0  }
0x4c: {  	s22 =	sadd.s32 $0x2980, s22;
	[sflag:s17] =	ssyncadd.s32 $0xFFFFF800  }
0x4d: {  	[spmem:s2] =	stream.indirect.scatter.add.f32 [tilespmem:s11], [sflag:$0x4], $0x10, s22, s10, $0xb8;
	[tilespmem:$0x8000] =	vst v63  }
0x4e: {  	_ =	swait.ge [sflag:s14], $0x800  }
0x4f: {  	[sflag:s14] =	ssyncset.done $0x0  }
0x50: {  	[sflag:s14] =	ssyncadd.s32 $0xFFFFF800  }
0x51: {  	_ =	swait.ge [sflag:s15], $0x800  }
0x52: {  	[sflag:s15] =	ssyncset.done $0x0  }
0x53: {  	[sflag:s15] =	ssyncadd.s32 $0xFFFFF800  }
0x54: {  	_ =	swait.ge [sflag:s16], $0x800  }
0x55: {  	[sflag:s16] =	ssyncset.done $0x0  }
0x56: {  	[sflag:s16] =	ssyncadd.s32 $0xFFFFF800  }
0x57: {  	_ =	swait.ge [sflag:s17], $0x800  }
0x58: {  	s20 =	sadd.s32 $0x1, s20;
	[sflag:s17] =	ssyncset.done $0x0  }
0x59: {  	p0 =	sne.s32 s20, s7;
	[sflag:s17] =	ssyncadd.s32 $0xFFFFF800  }
.Ltmp3:
0x5a: {  	[bflag:$0x0] =	sbarrier.arrive $0xFFFF;
	(pc) =	sbr.rel @p0 .LBB2_1-.Ltmp3, $4  }
0x5b: {  	[hbm:s6], [sflag:s18] =	dma.local [spmem:s19], $0x500  }
0x5c: {  	_ =	swait.ge [sflag:s9], $0x500  }
0x5d: {  	[sflag:s9] =	ssyncset.done $0x0  }
0x5e: {  	[sflag:s9] =	ssyncadd.s32 $0xFFFFFB00  }
0x5f: {  	_ =	sfence.sel $0x180000  }
0x60: {  	[bflag:$0x0] =	sbarrier.arrive $0xFFFF  }
0x61: {  	p0 =	sne.s32 s1, $0x0;
	_ =	strace $0x90000047  }
0x62: {  	s0 =	sadd.s32 @!p0 $0x100000, s0;
	[bflag:$0x2] =	sbarrier.arrive $0xFFFF  }
0x63: {  	[sflag:s0] =	ssyncadd.tile.s32 @!p0 $0x1;
	_ =	shalt  }
.Lfunc_end2:
_tile_overlayer_lowered:
.L_overlay_start_2:
0x64: {  	(tag) =	ssettag $0x2  }
0x65: {  	s0 =	rddreg [dreg:$0x0];
	s2 =	stileid.u32  }
0x66: {  	s1 =	rddreg [dreg:$0x1];
	p0 =	sne.s32 s2, $0x0  }
0x67: {  	s3 =	rddreg [dreg:$0x2];
	[bflag:$0x3] =	sbarrier.arrive $0xFFFF;
	s2 =	simm.s32 @!p0 $0x1C05  }
0x68: {  	[timem:s3], [sflag:s2] =	dma.local @!p0 [hbm:s0], s1  }
0x69: {  	s0 =	simm.s32 @!p0 $0x5  }
0x6a: {  	_ =	swait.ge @!p0 [sflag:s0], s1  }
0x6b: {  	s1 =	ssub.s32 @!p0 $0x0, s1;
	[sflag:s0] =	ssyncset.done @!p0 $0x0  }
0x6c: {  	[sflag:s0] =	ssyncadd.s32 @!p0 s1  }
0x6d: {  	[bflag:$0x3] =	sbarrier.arrive $0xFFFF  }
0x6e: {  	_ =	shalt  }

// kernel: kernel.16.cloned.1.call-start
scs
__scs_entry_jumppad:
0x0: {  	(pc) =	sbr.rel $0x88, $3  }
0x1: {  	(tag) =	ssettag $0x0;
	lr =	simm.s32 $0x1  }
0x2: {  	[smem:$0x3F97] =	sst lr;
	_ =	strace $0xD0000000  }
0x3: {  	_ = 	snop  }
0x4: {  	_ = 	snop  }
0x5: {  	_ = 	snop  }
0x6: {  	_ = 	snop  }
0x7: {  	_ = 	snop  }
__scs_overlays_trampoline_lowered:
0x8: {  	[smem:$0x3FA6] =	sst s0  }
0x9: {  	[smem:$0x3FA7] =	sst s1  }
0xa: {  	[smem:$0x3FA8] =	sst s2  }
0xb: {  	[smem:$0x3FA9] =	sst s3  }
0xc: {  	[smem:$0x3FAA] =	sst s4  }
0xd: {  	[smem:$0x3FAB] =	sst s5  }
0xe: {  	[smem:$0x3FAC] =	sst s6  }
0xf: {  	[smem:$0x3FAD] =	sst s7  }
0x10: {  	[smem:$0x3FAE] =	sst s8  }
0x11: {  	[smem:$0x3FAF] =	sst s9;
	s0 =	simm.s32 @!p0 $0x0  }
0x12: {  	s1 =	sld [smem:$0x3F95];
	s0 =	simm.s32 @p0 $0x1  }
0x13: {  	[smem:$0x3FB0] =	sst s0;
	s0 =	simm.s32 @!p1 $0x0  }
0x14: {  	s2 =	sld [smem:$0x3F94];
	s0 =	simm.s32 @p1 $0x1  }
0x15: {  	[smem:$0x3FB1] =	sst s0;
	s0 =	simm.s32 @!p2 $0x0  }
0x16: {  	s3 =	sld [smem:$0x3FDB];
	s0 =	simm.s32 @p2 $0x1  }
0x17: {  	s4 =	simm.s32 $0x1BF5;
	[smem:$0x3FB3] =	sst s0  }
0x18: {  	s0 =	sld [smem:$0x3F96];
	_ =	swait.ge [sflag:s4], $0x0  }
0x19: {  	s7 =	sld [smem:$0x3F97]  }
0x1a: {  	s8 =	sadd.s32 $0xFFFFE003, lr  }
0x1b: {  	s9 =	sadd.s32 $0xFFFFFEF7, lr;
	s5 =	simm.s32 $0xFFFFFFFF;
	p2 =	slt.u32 s8, $0xFFFFF086  }
0x1c: {  	p1 =	slt.u32 s9, $0xF7A;
	s5 =	simm.s32 @!p2 $0x0  }
0x1d: {  	s5 =	simm.s32 @p1 $0x1;
	p0 =	seq.s32 s7, s2  }
0x1e: {  	s7 =	smul.u32 @!p0 $0xF7A, s2;
	p2 =	seq.s32 @!p0 s5, $0x0  }
0x1f: {  	s9 =	smul.u32 $0xF7A, s1;
	s8 =	simm.s32 @!p0 $0x1BF5;
	p2 =	por !p2, p0  }
0x20: {  	[sflag:s8] =	ssyncset.s32 @!p0 $0xFFFFF086;
	s6 =	sadd.s32 @!p0 s3, s7;
	s7 =	simm.s32 @!p0 $0x108  }
0x21: {  	s3 =	sadd.s32 s3, s9;
	s6 =	sadd.s32 @!p0 $0x88, s6;
	s7 =	simm.s32 @p2 $0x1082  }
0x22: {  	[simem:s7], [sflag:s8] =	dma.local @!p0 [hbm:s6], $0xF7A  }
0x23: {  	s9 =	sor.u32 $0xD0000000, s2;
	s6 =	simm.s32 $0x108;
	_ =	swait.ge @!p0 [sflag:s8], $0x0  }
0x24: {  	s3 =	sadd.s32 $0x88, s3;
	s6 =	simm.s32 @!p1 $0x1082;
	[sflag:s4] =	ssyncset.s32 $0xFFFFF086  }
0x25: {  	[simem:s6], [sflag:s4] =	dma.local [hbm:s3], $0xF7A  }
0x26: {  	[smem:$0x3F97] =	sst s1;
	(tag) =	ssettag s2;
	_ =	strace s9  }
0x27: {  	s1 =	sld [smem:$0x3FA7]  }
0x28: {  	s2 =	sld [smem:$0x3FA8]  }
0x29: {  	s4 =	sld [smem:$0x3FAA]  }
0x2a: {  	p0 =	seq.s32 s5, $0x0;
	s5 =	sld [smem:$0x3FAB]  }
0x2b: {  	s6 =	sld [smem:$0x3FAC]  }
0x2c: {  	s7 =	sld [smem:$0x3FAD]  }
0x2d: {  	s3 =	simm.s32 $0x108;
	s8 =	sld [smem:$0x3FAE]  }
0x2e: {  	s3 =	simm.s32 @!p0 $0x1082;
	s9 =	sld [smem:$0x3FAF]  }
0x2f: {  	lr =	sadd.s32 s0, s3;
	s0 =	sld [smem:$0x3FA6]  }
0x30: {  	s3 =	sld [smem:$0x3FA9]  }
0x31: {  	[smem:$0x3FB2] =	sst s10  }
0x32: {  	s10 =	sld [smem:$0x3FB0];
	_ =	sdelay $0x3  }
0x33: {  	p0 =	seq.s32 s10, $0x1;
	s10 =	sld [smem:$0x3FB2];
	_ =	sdelay $0x3  }
0x34: {  	[smem:$0x3FB2] =	sst s10  }
0x35: {  	s10 =	sld [smem:$0x3FB1];
	_ =	sdelay $0x3  }
0x36: {  	p1 =	seq.s32 s10, $0x1;
	s10 =	sld [smem:$0x3FB2];
	_ =	sdelay $0x3  }
0x37: {  	[smem:$0x3FB2] =	sst s10  }
0x38: {  	s10 =	sld [smem:$0x3FB3]  }
0x39: {  	_ = 	snop;
	(pc) =	sbr.ind lr, $3  }
0x3a: {  	_ = 	snop  }
0x3b: {  	_ = 	snop  }
0x3c: {  	p2 =	seq.s32 s10, $0x1;
	s10 =	sld [smem:$0x3FB2]  }
0x3d: {  	_ =	shalt  }
0x3e: {  	_ =	shalt  }
0x3f: {  	_ =	shalt  }
0x40: {  	_ =	shalt  }
0x41: {  	_ =	shalt  }
0x42: {  	_ =	shalt  }
0x43: {  	_ =	shalt  }
0x44: {  	_ =	shalt  }
0x45: {  	_ =	shalt  }
0x46: {  	_ =	shalt  }
0x47: {  	_ =	shalt  }
0x48: {  	_ =	shalt  }
0x49: {  	_ =	shalt  }
0x4a: {  	_ =	shalt  }
0x4b: {  	_ =	shalt  }
0x4c: {  	_ =	shalt  }
0x4d: {  	_ =	shalt  }
0x4e: {  	_ =	shalt  }
0x4f: {  	_ =	shalt  }
0x50: {  	_ =	shalt  }
0x51: {  	_ =	shalt  }
0x52: {  	_ =	shalt  }
0x53: {  	_ =	shalt  }
0x54: {  	_ =	shalt  }
0x55: {  	_ =	shalt  }
0x56: {  	_ =	shalt  }
0x57: {  	_ =	shalt  }
0x58: {  	_ =	shalt  }
0x59: {  	_ =	shalt  }
0x5a: {  	_ =	shalt  }
0x5b: {  	_ =	shalt  }
0x5c: {  	_ =	shalt  }
0x5d: {  	_ =	shalt  }
0x5e: {  	_ =	shalt  }
0x5f: {  	_ =	shalt  }
0x60: {  	_ =	shalt  }
0x61: {  	_ =	shalt  }
0x62: {  	_ =	shalt  }
0x63: {  	_ =	shalt  }
0x64: {  	_ =	shalt  }
0x65: {  	_ =	shalt  }
0x66: {  	_ =	shalt  }
0x67: {  	_ =	shalt  }
0x68: {  	_ =	shalt  }
0x69: {  	_ =	shalt  }
0x6a: {  	_ =	shalt  }
0x6b: {  	_ =	shalt  }
0x6c: {  	_ =	shalt  }
0x6d: {  	_ =	shalt  }
0x6e: {  	_ =	shalt  }
0x6f: {  	_ =	shalt  }
0x70: {  	_ =	shalt  }
0x71: {  	_ =	shalt  }
0x72: {  	_ =	shalt  }
0x73: {  	_ =	shalt  }
0x74: {  	_ =	shalt  }
0x75: {  	_ =	shalt  }
0x76: {  	_ =	shalt  }
0x77: {  	_ =	shalt  }
0x78: {  	_ =	shalt  }
0x79: {  	_ =	shalt  }
0x7a: {  	_ =	shalt  }
0x7b: {  	_ =	shalt  }
0x7c: {  	_ =	shalt  }
0x7d: {  	_ =	shalt  }
0x7e: {  	_ =	shalt  }
0x7f: {  	_ =	shalt  }
0x80: {  	_ =	shalt  }
0x81: {  	_ =	shalt  }
0x82: {  	_ =	shalt  }
0x83: {  	_ =	shalt  }
0x84: {  	_ =	shalt  }
0x85: {  	_ =	shalt  }
0x86: {  	_ =	shalt  }
0x87: {  	_ =	shalt  }
.Lfunc_end0:
.L_simem_size_0:
called_computation.1_lowered:
.L_overlay_start_0:
0x88: {  	s2 =	sld [smem:$0x3FD9]  }
0x89: {  	s3 =	sld [smem:$0x3FFE];
	_ =	sdelay $0x1  }
0x8a: {  	s1 =	srdreg.scid  }
0x8b: {  	s0 =	sand.u32 $0x1, s1  }
0x8c: {  	s14 =	sshll.u32 s0, $0xA;
	s2 =	sadd.s32 s3, s2  }
0x8d: {  	s2 =	sadd.s32 s2, s14  }
0x8e: {  	[smem:$0x3FBE] =	sst s2  }
0x8f: {  	_ = 	snop  }
0x90: {  	s2 =	sld [smem:$0x3FD0];
	_ =	sdelay $0x2  }
0x91: {  	s15 =	simm.s32 $0xA;
	s4 =	simm.s32 $0x10  }
0x92: {  	[smem:s4], [sflag:s15] =	dma.local [hbm:s2], $0x1  }
0x93: {  	_ =	swait.eq [sflag:s15], $0x1  }
0x94: {  	[sflag:s15] =	ssyncset.done $0x0  }
0x95: {  	[sflag:s15] =	ssyncadd.s32 $0xFFFFFFFF  }
0x96: {  	s16 =	sld [smem:$0x10];
	(tm) =	ssettm $0x1  }
0x97: {  	s17 =	sld [smem:$0x3FFB];
	_ =	sdelay $0x3  }
0x98: {  	_ =	strace s17  }
0x99: {  	s3 =	sld [smem:$0x3FFC];
	_ =	sdelay $0x3  }
0x9a: {  	_ =	strace s3  }
0x9b: {  	s3 =	sld [smem:$0x3FFD];
	_ =	sdelay $0x3  }
0x9c: {  	_ =	strace s3  }
0x9d: {  	_ =	strace $0x8FFFFFFF  }
0x9e: {  	s18 =	sld [smem:$0x3FDB];
	_ =	sdelay $0x1  }
0x9f: {  	s19 =	simm.s32 $_scs_section_size  }
0xa0: {  	s5 =	simm.s32 $_size__tile_overlayer_lowered;
	s6 =	simm.s32 $_tile_overlayer_lowered  }
0xa1: {  	s22 =	simm.s32 $0x1BFF;
	s21 =	sshll.u32 s6, $0x1;
	s3 =	sadd.s32 s19, s18  }
0xa2: {  	s7 =	simm.s32 $0x0;
	s20 =	sshll.u32 s5, $0x1;
	s5 =	sadd.s32 s21, s3  }
0xa3: {  	[timem:s7], [sflag:s22] =	dma.local [hbm:s5], s20  }
0xa4: {  	_ =	swait.ge [sflag:s22], s20  }
0xa5: {  	s4 =	ssub.s32 $0x0, s20;
	[sflag:s22] =	ssyncset.done $0x0  }
0xa6: {  	[sflag:s22] =	ssyncadd.s32 s4;
	_ =	sdelay $0x1  }
0xa7: {  	s23 =	simm.s32 $0x1B8B  }
0xa8: {  	_ =	swait.ge [sflag:s23], $0x1  }
0xa9: {  	[sflag:s23] =	ssyncset.done $0x0  }
0xaa: {  	s25 =	simm.s32 $0x1B8E;
	s24 =	sld [smem:$0x3FFE];
	[sflag:s23] =	ssyncadd.s32 $0xFFFFFFFF  }
0xab: {  	s26 =	simm.s32 $execute0_lowered;
	[smem:$0x3FD2] =	sst s25  }
0xac: {  	s5 =	sshll.u32 s26, $0x1;
	_ =	strace $0x80000049;
	[dreg:$0x1] =	wrdreg $0xFFFFFFFF  }
0xad: {  	s28 =	simm.s32 $_size_execute0_lowered;
	s3 =	sadd.s32 s3, s5;
	[dreg:$0x0] =	wrdreg $0x0  }
0xae: {  	s5 =	sshll.u32 s28, $0x1;
	[dreg:$0x2] =	wrdreg s3  }
0xaf: {  	[dreg:$0x3] =	wrdreg s5  }
0xb0: {  	[dreg:$0x4] =	wrdreg $0xC0  }
0xb1: {  	_ =	task [dreg:s7], $0x5FFFF  }
0xb2: {  	[dreg:$0x1] =	wrdreg $0xFFFFFFFF  }
0xb3: {  	[dreg:$0x0] =	wrdreg $0x60  }
0xb4: {  	[dreg:$0x2] =	wrdreg s16  }
0xb5: {  	[dreg:$0x3] =	wrdreg s24  }
0xb6: {  	[dreg:$0x4] =	wrdreg $0xB8000  }
0xb7: {  	[dreg:$0x5] =	wrdreg $0x158000  }
0xb8: {  	[dreg:$0x6] =	wrdreg $0x9  }
0xb9: {  	_ =	task.clear_ibuf [dreg:s7], $0x7FFFF;
	_ =	strace $0x90000049  }
0xba: {  	s29 =	simm.s32 $0x9;
	_ =	strace $0x8000004B  }
0xbb: {  	_ =	swait.ge [sflag:s29], $0x1  }
0xbc: {  	[sflag:s29] =	ssyncadd.s32 $0xFFFFFFFF  }
0xbd: {  	_ =	strace $0x9000004B  }
0xbe: {  	_ =	sfence  }
0xbf: {  	s30 =	sld [smem:$0x0];
	_ =	sdelay $0x2  }
0xc0: {  	s31 =	sshll.u32 s1, $0xD;
	s1 =	sshrl.u32 s1, $0x2  }
0xc1: {  	s3 =	sand.u32 $0x4000, s31;
	s1 =	sadd.s32 s1, s30  }
0xc2: {  	s0 =	sor.u32 s3, s0;
	s1 =	sshll.u32 s1, $0x11  }
0xc3: {  	s0 =	sor.u32 s1, s0  }
0xc4: {  	s0 =	sadd.s32 $0x8F2B, s0  }
0xc5: {  	[sflag:s0] =	ssyncadd.remote.s32 $0x1  }
0xc6: {  	_ =	sfence.sel $0xFFFF  }
0xc7: {  	[dreg:$0x0] =	wrdreg $0xFFFFFFFF;
	(pc) =	sbr.abs _section_cstart, $3  }
0xc8: {  	[dreg:$0x1] =	wrdreg $0xFFFFFFFF  }
0xc9: {  	_ =	task.clear_ibuf [dreg:s7], $0x2FFFF;
	_ =	strace $0x9FFFFFFF  }
0xca: {  	(tm) =	ssettm $0x7FFFFFFF  }
0xcb: {  	_ =	shalt  }
tec
execute0_lowered:
.L_overlay_start_1:
0x0: {  	(tag) =	ssettag $0x1  }
0x1: {  	s5 =	rddreg [dreg:$0x0]  }
0x2: {  	s6 =	rddreg [dreg:$0x1]  }
0x3: {  	s2 =	rddreg [dreg:$0x2]  }
0x4: {  	s3 =	rddreg [dreg:$0x3]  }
0x5: {  	s4 =	srdreg.scid;
	s1 =	stileid.u32;
	s16 =	simm.s32 $0x5  }
0x6: {  	s17 =	simm.s32 $0x9000;
	s18 =	simm.s32 $0x2800;
	s19 =	simm.s32 $0x80  }
0x7: {  	s20 =	simm.s32 $0x5000;
	s21 =	simm.s32 $0x7000;
	s22 =	simm.s32 $0x1  }
0x8: {  	s23 =	simm.s32 $0x2;
	s24 =	simm.s32 $0x3;
	s26 =	simm.s32 $0x4  }
0x9: {  	s28 =	simm.s32 $0x4F00;
	s29 =	simm.s32 $0x4F80;
	s10 =	smul.u32 $0xA000, s1  }
0xa: {  	s7 =	sand.u32 $0x1, s4;
	s4 =	simm.s32 $0x0;
	s12 =	smul.u32 $0x28000, s1  }
0xb: {  	s8 =	sshll.u32 s1, $0x1;
	s31 =	sshll.u32 s1, $0x6;
	s9 =	smul.u32 $0xA0000, s7  }
0xc: {  	[smem:$0x7FF] =	sst s4;
	s8 =	sor.u32 s7, s8;
	s7 =	ssub.s32 $0x2, s7  }
0xd: {  	s8 =	smul.u32 $0x500, s8;
	_ =	strace $0x8000004A;
	s11 =	sshrl.u32 s7, $0x1  }
0xe: {  	s30 =	sshrl.u32 s10, $0x3;
	s15 =	sadd.s32 s10, s2;
	s12 =	sshrl.u32 s12, $0x2  }
0xf: {  	s25 =	sadd.s32 s10, s3;
	s9 =	sadd.s32 s10, s9;
	s11 =	ssub.s32 s7, s11  }
0x10: {  	s5 =	sadd.s32 s5, s30;
	s10 =	sadd.s32 s12, s3;
	s15 =	sshrl.u32 s15, $0x3  }
0x11: {  	s25 =	sshrl.u32 s25, $0x3;
	s9 =	sshrl.u32 s9, $0x3;
	s8 =	sadd.s32 s8, s6  }
0x12: {  	s11 =	smax.u32 s11, $0x1;
	s12 =	sadd.s32 $0x2800, s10;
	s13 =	sadd.s32 $0x5000, s10  }
0x13: {  	s14 =	sadd.s32 $0x7800, s10;
	s9 =	sadd.s32 s9, s6;
	s6 =	sor.u32 $0x1C05, s31  }
0x14: {  	v0 =	vimm.f32 $0.0e+00;
	s7 =	sadd.s32 $0xCC00, s8;
	s8 =	sadd.s32 $0x2C00, s8;
	s9 =	sadd.s32 $0x8EC00, s9  }
.LBB2_1:
0x15: {  	[spmem:s15], [sflag:s6] =	dma.local [hbm:s5], $0x1400  }
0x16: {  	_ =	swait.ge [sflag:s16], $0x1400  }
0x17: {  	[sflag:s16] =	ssyncset.done $0x0  }
0x18: {  	s31 =	simm.s32 $0x100;
	s30 =	simm.s32 $0x0;
	[sflag:s16] =	ssyncadd.s32 $0xFFFFEC00  }
.LBB2_2:
0x19: {  	p0 =	sne.s32 s31, $0x9F00;
	[tilespmem:s30+$0x9030] =	vst v0;
	s0 =	smov.u32 s31;
	s31 =	sadd.s32 $0x100, s31  }
.Ltmp0:
0x1a: {  	[tilespmem:s30+$0x9020] =	vst v0;
	(pc) =	sbr.rel @p0 .LBB2_2-.Ltmp0, $3  }
0x1b: {  	[tilespmem:s30+$0x9000] =	vst v0  }
0x1c: {  	[tilespmem:s30+$0x9010] =	vst v0;
	_ =	sdelay $0x1  }
0x1d: {  	s30 =	sshra.s32 s0, $0x2  }
0x1e: {  	[tilespmem:s30+$0x9030] =	vst v0  }
0x1f: {  	[tilespmem:s30+$0x9020] =	vst v0  }
0x20: {  	[tilespmem:s30+$0x9000] =	vst v0  }
0x21: {  	[tilespmem:s30+$0x9010] =	vst v0  }
0x22: {  	[spmem:s10] =	stream.linear.scatter [tilespmem:s17], [sflag:$0x5], $0x2800, $0x38;
	[tilespmem:$0x1F800] =	vst v63  }
0x23: {  	_ =	swait.ge [sflag:s16], $0x2800  }
0x24: {  	[sflag:s16] =	ssyncset.done $0x0  }
0x25: {  	[sflag:s16] =	ssyncadd.s32 $0xFFFFD800  }
0x26: {  	[spmem:s12] =	stream.linear.scatter [tilespmem:s17], [sflag:$0x5], $0x2800, $0x38;
	[tilespmem:$0x1F800] =	vst v63  }
0x27: {  	_ =	swait.ge [sflag:s16], $0x2800  }
0x28: {  	[sflag:s16] =	ssyncset.done $0x0  }
0x29: {  	[sflag:s16] =	ssyncadd.s32 $0xFFFFD800  }
0x2a: {  	[spmem:s13] =	stream.linear.scatter [tilespmem:s17], [sflag:$0x5], $0x2800, $0x38;
	[tilespmem:$0x1F800] =	vst v63  }
0x2b: {  	_ =	swait.ge [sflag:s16], $0x2800  }
0x2c: {  	[sflag:s16] =	ssyncset.done $0x0  }
0x2d: {  	[sflag:s16] =	ssyncadd.s32 $0xFFFFD800  }
0x2e: {  	[spmem:s14] =	stream.linear.scatter [tilespmem:s17], [sflag:$0x5], $0x2800, $0x38;
	[tilespmem:$0x1F800] =	vst v63  }
0x2f: {  	_ =	swait.ge [sflag:s16], $0x2800  }
0x30: {  	[sflag:s16] =	ssyncset.done $0x0  }
0x31: {  	s0 =	simm.s32 $0x0;
	[sflag:s16] =	ssyncadd.s32 $0xFFFFD800  }
0x32: {  	[tilespmem:s0], [sflag:$0x5] =	stream.linear.gather [hbm4b:s7+s0], $0x2800, $0x38;
	[tilespmem:$0x1F800] =	vst v63  }
0x33: {  	_ =	swait.ge [sflag:s16], $0x2800  }
0x34: {  	[sflag:s16] =	ssyncset.done $0x0  }
0x35: {  	[sflag:s16] =	ssyncadd.s32 $0xFFFFD800  }
0x36: {  	[tilespmem:s18], [sflag:$0x5] =	stream.linear.gather [hbm4b:s8+s0], $0x2800, $0x38;
	[tilespmem:$0x1F800] =	vst v63  }
0x37: {  	_ =	swait.ge [sflag:s16], $0x2800  }
0x38: {  	[sflag:s16] =	ssyncset.done $0x0  }
0x39: {  	[sflag:s16] =	ssyncadd.s32 $0xFFFFD800  }
0x3a: {  	[bflag:$0x0] =	sbarrier.arrive $0xFFFF  }
0x3b: {  	[tilespmem:s20], [sflag:$0x1] =	stream.indirect.gather [spmem:s2], $0x40, s0, s19, $0xb8;
	[tilespmem:$0x1F800] =	vst v63  }
0x3c: {  	_ = 	snop  }
0x3d: {  	[tilespmem:s21], [sflag:$0x2] =	stream.indirect.gather [spmem:s2], $0x40, s19, s19, $0xb8;
	[tilespmem:$0x1F800] =	vst v63  }
0x3e: {  	_ =	swait.ge [sflag:s22], $0x2000  }
0x3f: {  	[sflag:s22] =	ssyncset.done $0x0  }
0x40: {  	s0 =	simm.s32 $0x2800;
	[sflag:s22] =	ssyncadd.s32 $0xFFFFE000  }
0x41: {  	[spmem:s3] =	stream.indirect.scatter.add.f32 [tilespmem:s20], [sflag:$0x3], $0x40, s0, s19, $0xb8;
	[tilespmem:$0x1F800] =	vst v63  }
0x42: {  	_ =	swait.ge [sflag:s23], $0x2000  }
0x43: {  	[sflag:s23] =	ssyncset.done $0x0  }
0x44: {  	s0 =	simm.s32 $0x2880;
	[sflag:s23] =	ssyncadd.s32 $0xFFFFE000  }
0x45: {  	[spmem:s3] =	stream.indirect.scatter.add.f32 [tilespmem:s21], [sflag:$0x4], $0x40, s0, s19, $0xb8;
	[tilespmem:$0x1F800] =	vst v63  }
0x46: {  	_ =	swait.ge [sflag:s24], $0x2000  }
0x47: {  	[sflag:s24] =	ssyncset.done $0x0  }
0x48: {  	s0 =	simm.s32 $0x100;
	[sflag:s24] =	ssyncadd.s32 $0xFFFFE000  }
0x49: {  	[tilespmem:s20], [sflag:$0x1] =	stream.indirect.gather [spmem:s2], $0x40, s0, s19, $0xb8;
	[tilespmem:$0x1F800] =	vst v63  }
0x4a: {  	_ =	swait.ge [sflag:s26], $0x2000  }
0x4b: {  	[sflag:s26] =	ssyncset.done $0x0  }
0x4c: {  	s30 =	simm.s32 $0x400;
	s31 =	simm.s32 $0x180;
	[sflag:s26] =	ssyncadd.s32 $0xFFFFE000  }
.LBB2_4:
0x4d: {  	[tilespmem:s21], [sflag:$0x2] =	stream.indirect.gather [spmem:s2], $0x40, s31, s19, $0xb8;
	[tilespmem:$0x1F800] =	vst v63  }
0x4e: {  	s0 =	smov.u32 s30  }
0x4f: {  	p0 =	sne.s32 s30, $0x9800;
	s30 =	sadd.s32 $0x400, s30;
	_ =	swait.ge [sflag:s22], $0x2000  }
0x50: {  	s0 =	sshra.s32 s0, $0x2;
	[sflag:s22] =	ssyncset.done $0x0  }
0x51: {  	s31 =	sadd.s32 $0x2800, s0;
	[sflag:s22] =	ssyncadd.s32 $0xFFFFE000  }
0x52: {  	[spmem:s3] =	stream.indirect.scatter.add.f32 [tilespmem:s20], [sflag:$0x3], $0x40, s31, s19, $0xb8;
	[tilespmem:$0x1F800] =	vst v63  }
0x53: {  	_ =	swait.ge [sflag:s23], $0x2000  }
0x54: {  	[sflag:s23] =	ssyncset.done $0x0  }
0x55: {  	s31 =	sadd.s32 $0x2880, s0;
	[sflag:s23] =	ssyncadd.s32 $0xFFFFE000  }
0x56: {  	[spmem:s3] =	stream.indirect.scatter.add.f32 [tilespmem:s21], [sflag:$0x4], $0x40, s31, s19, $0xb8;
	[tilespmem:$0x1F800] =	vst v63  }
0x57: {  	_ =	swait.ge [sflag:s24], $0x2000  }
0x58: {  	[sflag:s24] =	ssyncset.done $0x0  }
.Ltmp1:
0x59: {  	s31 =	sadd.s32 $0x100, s0;
	[sflag:s24] =	ssyncadd.s32 $0xFFFFE000;
	(pc) =	sbr.rel @p0 .LBB2_4-.Ltmp1, $4  }
0x5a: {  	[tilespmem:s20], [sflag:$0x1] =	stream.indirect.gather [spmem:s2], $0x40, s31, s19, $0xb8;
	[tilespmem:$0x1F800] =	vst v63  }
0x5b: {  	_ =	swait.ge [sflag:s26], $0x2000  }
0x5c: {  	[sflag:s26] =	ssyncset.done $0x0  }
0x5d: {  	s31 =	sadd.s32 $0x180, s0;
	[sflag:s26] =	ssyncadd.s32 $0xFFFFE000  }
0x5e: {  	[tilespmem:s21], [sflag:$0x2] =	stream.indirect.gather [spmem:s2], $0x40, s31, s19, $0xb8;
	[tilespmem:$0x1F800] =	vst v63  }
0x5f: {  	_ =	swait.ge [sflag:s22], $0x2000  }
0x60: {  	[sflag:s22] =	ssyncset.done $0x0  }
0x61: {  	[sflag:s22] =	ssyncadd.s32 $0xFFFFE000  }
0x62: {  	[spmem:s3] =	stream.indirect.scatter.add.f32 [tilespmem:s20], [sflag:$0x3], $0x40, s28, s19, $0xb8;
	[tilespmem:$0x1F800] =	vst v63  }
0x63: {  	_ =	swait.ge [sflag:s23], $0x2000  }
0x64: {  	[sflag:s23] =	ssyncset.done $0x0  }
0x65: {  	[sflag:s23] =	ssyncadd.s32 $0xFFFFE000  }
0x66: {  	[spmem:s3] =	stream.indirect.scatter.add.f32 [tilespmem:s21], [sflag:$0x4], $0x40, s29, s19, $0xb8;
	[tilespmem:$0x1F800] =	vst v63  }
0x67: {  	_ =	swait.ge [sflag:s24], $0x2000  }
0x68: {  	[sflag:s24] =	ssyncset.done $0x0  }
0x69: {  	[sflag:s24] =	ssyncadd.s32 $0xFFFFE000  }
0x6a: {  	_ =	swait.ge [sflag:s26], $0x2000  }
0x6b: {  	s4 =	sadd.s32 $0x1, s4;
	[sflag:s26] =	ssyncset.done $0x0  }
0x6c: {  	p0 =	sne.s32 s4, s11;
	[sflag:s26] =	ssyncadd.s32 $0xFFFFE000  }
.Ltmp2:
0x6d: {  	[bflag:$0x0] =	sbarrier.arrive $0xFFFF;
	(pc) =	sbr.rel @p0 .LBB2_1-.Ltmp2, $4  }
0x6e: {  	[hbm:s9], [sflag:s6] =	dma.local [spmem:s25], $0x1400  }
0x6f: {  	_ =	swait.ge [sflag:s16], $0x1400  }
0x70: {  	[sflag:s16] =	ssyncset.done $0x0  }
0x71: {  	[sflag:s16] =	ssyncadd.s32 $0xFFFFEC00  }
0x72: {  	_ =	sfence.sel $0x180000  }
0x73: {  	[bflag:$0x0] =	sbarrier.arrive $0xFFFF  }
0x74: {  	_ =	strace $0x9000004A  }
0x75: {  	[bflag:$0x2] =	sbarrier.arrive $0xFFFF  }
0x76: {  	p0 =	sne.s32 s1, $0x0;
	s0 =	rddreg [dreg:$0x4]  }
0x77: {  	s0 =	sadd.s32 @!p0 $0x100000, s0  }
0x78: {  	[sflag:s0] =	ssyncadd.tile.s32 @!p0 $0x1;
	_ =	shalt  }
.Lfunc_end2:
_tile_overlayer_lowered:
.L_overlay_start_2:
0x79: {  	(tag) =	ssettag $0x2  }
0x7a: {  	s0 =	rddreg [dreg:$0x0];
	s2 =	stileid.u32  }
0x7b: {  	s1 =	rddreg [dreg:$0x1];
	p0 =	sne.s32 s2, $0x0  }
0x7c: {  	s3 =	rddreg [dreg:$0x2];
	[bflag:$0x3] =	sbarrier.arrive $0xFFFF;
	s2 =	simm.s32 @!p0 $0x1C05  }
0x7d: {  	[timem:s3], [sflag:s2] =	dma.local @!p0 [hbm:s0], s1  }
0x7e: {  	s0 =	simm.s32 @!p0 $0x5  }
0x7f: {  	_ =	swait.ge @!p0 [sflag:s0], s1  }
0x80: {  	s1 =	ssub.s32 @!p0 $0x0, s1;
	[sflag:s0] =	ssyncset.done @!p0 $0x0  }
0x81: {  	[sflag:s0] =	ssyncadd.s32 @!p0 s1  }
0x82: {  	[bflag:$0x3] =	sbarrier.arrive $0xFFFF  }
0x83: {  	_ =	shalt  }

// kernel: kernel.19.cloned.1.call-start
scs
__scs_entry_jumppad:
0x0: {  	(pc) =	sbr.rel $0x88, $3  }
0x1: {  	(tag) =	ssettag $0x0;
	lr =	simm.s32 $0x1  }
0x2: {  	[smem:$0x3F97] =	sst lr;
	_ =	strace $0xD0000000  }
0x3: {  	_ = 	snop  }
0x4: {  	_ = 	snop  }
0x5: {  	_ = 	snop  }
0x6: {  	_ = 	snop  }
0x7: {  	_ = 	snop  }
__scs_overlays_trampoline_lowered:
0x8: {  	[smem:$0x3FA6] =	sst s0  }
0x9: {  	[smem:$0x3FA7] =	sst s1  }
0xa: {  	[smem:$0x3FA8] =	sst s2  }
0xb: {  	[smem:$0x3FA9] =	sst s3  }
0xc: {  	[smem:$0x3FAA] =	sst s4  }
0xd: {  	[smem:$0x3FAB] =	sst s5  }
0xe: {  	[smem:$0x3FAC] =	sst s6  }
0xf: {  	[smem:$0x3FAD] =	sst s7  }
0x10: {  	[smem:$0x3FAE] =	sst s8  }
0x11: {  	[smem:$0x3FAF] =	sst s9;
	s0 =	simm.s32 @!p0 $0x0  }
0x12: {  	s1 =	sld [smem:$0x3F95];
	s0 =	simm.s32 @p0 $0x1  }
0x13: {  	[smem:$0x3FB0] =	sst s0;
	s0 =	simm.s32 @!p1 $0x0  }
0x14: {  	s2 =	sld [smem:$0x3F94];
	s0 =	simm.s32 @p1 $0x1  }
0x15: {  	[smem:$0x3FB1] =	sst s0;
	s0 =	simm.s32 @!p2 $0x0  }
0x16: {  	s3 =	sld [smem:$0x3FDB];
	s0 =	simm.s32 @p2 $0x1  }
0x17: {  	s4 =	simm.s32 $0x1BF5;
	[smem:$0x3FB3] =	sst s0  }
0x18: {  	s0 =	sld [smem:$0x3F96];
	_ =	swait.ge [sflag:s4], $0x0  }
0x19: {  	s7 =	sld [smem:$0x3F97]  }
0x1a: {  	s8 =	sadd.s32 $0xFFFFE003, lr  }
0x1b: {  	s9 =	sadd.s32 $0xFFFFFEF7, lr;
	s5 =	simm.s32 $0xFFFFFFFF;
	p2 =	slt.u32 s8, $0xFFFFF086  }
0x1c: {  	p1 =	slt.u32 s9, $0xF7A;
	s5 =	simm.s32 @!p2 $0x0  }
0x1d: {  	s5 =	simm.s32 @p1 $0x1;
	p0 =	seq.s32 s7, s2  }
0x1e: {  	s7 =	smul.u32 @!p0 $0xF7A, s2;
	p2 =	seq.s32 @!p0 s5, $0x0  }
0x1f: {  	s9 =	smul.u32 $0xF7A, s1;
	s8 =	simm.s32 @!p0 $0x1BF5;
	p2 =	por !p2, p0  }
0x20: {  	[sflag:s8] =	ssyncset.s32 @!p0 $0xFFFFF086;
	s6 =	sadd.s32 @!p0 s3, s7;
	s7 =	simm.s32 @!p0 $0x108  }
0x21: {  	s3 =	sadd.s32 s3, s9;
	s6 =	sadd.s32 @!p0 $0x88, s6;
	s7 =	simm.s32 @p2 $0x1082  }
0x22: {  	[simem:s7], [sflag:s8] =	dma.local @!p0 [hbm:s6], $0xF7A  }
0x23: {  	s9 =	sor.u32 $0xD0000000, s2;
	s6 =	simm.s32 $0x108;
	_ =	swait.ge @!p0 [sflag:s8], $0x0  }
0x24: {  	s3 =	sadd.s32 $0x88, s3;
	s6 =	simm.s32 @!p1 $0x1082;
	[sflag:s4] =	ssyncset.s32 $0xFFFFF086  }
0x25: {  	[simem:s6], [sflag:s4] =	dma.local [hbm:s3], $0xF7A  }
0x26: {  	[smem:$0x3F97] =	sst s1;
	(tag) =	ssettag s2;
	_ =	strace s9  }
0x27: {  	s1 =	sld [smem:$0x3FA7]  }
0x28: {  	s2 =	sld [smem:$0x3FA8]  }
0x29: {  	s4 =	sld [smem:$0x3FAA]  }
0x2a: {  	p0 =	seq.s32 s5, $0x0;
	s5 =	sld [smem:$0x3FAB]  }
0x2b: {  	s6 =	sld [smem:$0x3FAC]  }
0x2c: {  	s7 =	sld [smem:$0x3FAD]  }
0x2d: {  	s3 =	simm.s32 $0x108;
	s8 =	sld [smem:$0x3FAE]  }
0x2e: {  	s3 =	simm.s32 @!p0 $0x1082;
	s9 =	sld [smem:$0x3FAF]  }
0x2f: {  	lr =	sadd.s32 s0, s3;
	s0 =	sld [smem:$0x3FA6]  }
0x30: {  	s3 =	sld [smem:$0x3FA9]  }
0x31: {  	[smem:$0x3FB2] =	sst s10  }
0x32: {  	s10 =	sld [smem:$0x3FB0];
	_ =	sdelay $0x3  }
0x33: {  	p0 =	seq.s32 s10, $0x1;
	s10 =	sld [smem:$0x3FB2];
	_ =	sdelay $0x3  }
0x34: {  	[smem:$0x3FB2] =	sst s10  }
0x35: {  	s10 =	sld [smem:$0x3FB1];
	_ =	sdelay $0x3  }
0x36: {  	p1 =	seq.s32 s10, $0x1;
	s10 =	sld [smem:$0x3FB2];
	_ =	sdelay $0x3  }
0x37: {  	[smem:$0x3FB2] =	sst s10  }
0x38: {  	s10 =	sld [smem:$0x3FB3]  }
0x39: {  	_ = 	snop;
	(pc) =	sbr.ind lr, $3  }
0x3a: {  	_ = 	snop  }
0x3b: {  	_ = 	snop  }
0x3c: {  	p2 =	seq.s32 s10, $0x1;
	s10 =	sld [smem:$0x3FB2]  }
0x3d: {  	_ =	shalt  }
0x3e: {  	_ =	shalt  }
0x3f: {  	_ =	shalt  }
0x40: {  	_ =	shalt  }
0x41: {  	_ =	shalt  }
0x42: {  	_ =	shalt  }
0x43: {  	_ =	shalt  }
0x44: {  	_ =	shalt  }
0x45: {  	_ =	shalt  }
0x46: {  	_ =	shalt  }
0x47: {  	_ =	shalt  }
0x48: {  	_ =	shalt  }
0x49: {  	_ =	shalt  }
0x4a: {  	_ =	shalt  }
0x4b: {  	_ =	shalt  }
0x4c: {  	_ =	shalt  }
0x4d: {  	_ =	shalt  }
0x4e: {  	_ =	shalt  }
0x4f: {  	_ =	shalt  }
0x50: {  	_ =	shalt  }
0x51: {  	_ =	shalt  }
0x52: {  	_ =	shalt  }
0x53: {  	_ =	shalt  }
0x54: {  	_ =	shalt  }
0x55: {  	_ =	shalt  }
0x56: {  	_ =	shalt  }
0x57: {  	_ =	shalt  }
0x58: {  	_ =	shalt  }
0x59: {  	_ =	shalt  }
0x5a: {  	_ =	shalt  }
0x5b: {  	_ =	shalt  }
0x5c: {  	_ =	shalt  }
0x5d: {  	_ =	shalt  }
0x5e: {  	_ =	shalt  }
0x5f: {  	_ =	shalt  }
0x60: {  	_ =	shalt  }
0x61: {  	_ =	shalt  }
0x62: {  	_ =	shalt  }
0x63: {  	_ =	shalt  }
0x64: {  	_ =	shalt  }
0x65: {  	_ =	shalt  }
0x66: {  	_ =	shalt  }
0x67: {  	_ =	shalt  }
0x68: {  	_ =	shalt  }
0x69: {  	_ =	shalt  }
0x6a: {  	_ =	shalt  }
0x6b: {  	_ =	shalt  }
0x6c: {  	_ =	shalt  }
0x6d: {  	_ =	shalt  }
0x6e: {  	_ =	shalt  }
0x6f: {  	_ =	shalt  }
0x70: {  	_ =	shalt  }
0x71: {  	_ =	shalt  }
0x72: {  	_ =	shalt  }
0x73: {  	_ =	shalt  }
0x74: {  	_ =	shalt  }
0x75: {  	_ =	shalt  }
0x76: {  	_ =	shalt  }
0x77: {  	_ =	shalt  }
0x78: {  	_ =	shalt  }
0x79: {  	_ =	shalt  }
0x7a: {  	_ =	shalt  }
0x7b: {  	_ =	shalt  }
0x7c: {  	_ =	shalt  }
0x7d: {  	_ =	shalt  }
0x7e: {  	_ =	shalt  }
0x7f: {  	_ =	shalt  }
0x80: {  	_ =	shalt  }
0x81: {  	_ =	shalt  }
0x82: {  	_ =	shalt  }
0x83: {  	_ =	shalt  }
0x84: {  	_ =	shalt  }
0x85: {  	_ =	shalt  }
0x86: {  	_ =	shalt  }
0x87: {  	_ =	shalt  }
.Lfunc_end0:
.L_simem_size_0:
called_computation.2_lowered:
.L_overlay_start_0:
0x88: {  	s2 =	sld [smem:$0x3FD9]  }
0x89: {  	s3 =	sld [smem:$0x3FFE];
	_ =	sdelay $0x1  }
0x8a: {  	s1 =	srdreg.scid  }
0x8b: {  	s0 =	sand.u32 $0x1, s1  }
0x8c: {  	s14 =	sshll.u32 s0, $0xA;
	s2 =	sadd.s32 s3, s2  }
0x8d: {  	s2 =	sadd.s32 s2, s14  }
0x8e: {  	[smem:$0x3FBE] =	sst s2  }
0x8f: {  	_ = 	snop  }
0x90: {  	s2 =	sld [smem:$0x3FD0];
	_ =	sdelay $0x2  }
0x91: {  	s15 =	simm.s32 $0xA;
	s4 =	simm.s32 $0x10  }
0x92: {  	[smem:s4], [sflag:s15] =	dma.local [hbm:s2], $0x1  }
0x93: {  	_ =	swait.eq [sflag:s15], $0x1  }
0x94: {  	[sflag:s15] =	ssyncset.done $0x0  }
0x95: {  	[sflag:s15] =	ssyncadd.s32 $0xFFFFFFFF  }
0x96: {  	s16 =	sld [smem:$0x10];
	(tm) =	ssettm $0x1  }
0x97: {  	s17 =	sld [smem:$0x3FFB];
	_ =	sdelay $0x3  }
0x98: {  	_ =	strace s17  }
0x99: {  	s3 =	sld [smem:$0x3FFC];
	_ =	sdelay $0x3  }
0x9a: {  	_ =	strace s3  }
0x9b: {  	s3 =	sld [smem:$0x3FFD];
	_ =	sdelay $0x3  }
0x9c: {  	_ =	strace s3  }
0x9d: {  	_ =	strace $0x8FFFFFFF  }
0x9e: {  	s18 =	sld [smem:$0x3FDB];
	_ =	sdelay $0x1  }
0x9f: {  	s19 =	simm.s32 $_scs_section_size  }
0xa0: {  	s5 =	simm.s32 $_size__tile_overlayer_lowered;
	s6 =	simm.s32 $_tile_overlayer_lowered  }
0xa1: {  	s22 =	simm.s32 $0x1BFF;
	s21 =	sshll.u32 s6, $0x1;
	s3 =	sadd.s32 s19, s18  }
0xa2: {  	s7 =	simm.s32 $0x0;
	s20 =	sshll.u32 s5, $0x1;
	s5 =	sadd.s32 s21, s3  }
0xa3: {  	[timem:s7], [sflag:s22] =	dma.local [hbm:s5], s20  }
0xa4: {  	_ =	swait.ge [sflag:s22], s20  }
0xa5: {  	s4 =	ssub.s32 $0x0, s20;
	[sflag:s22] =	ssyncset.done $0x0  }
0xa6: {  	[sflag:s22] =	ssyncadd.s32 s4;
	_ =	sdelay $0x1  }
0xa7: {  	s23 =	simm.s32 $0x1B8B  }
0xa8: {  	_ =	swait.ge [sflag:s23], $0x1  }
0xa9: {  	[sflag:s23] =	ssyncset.done $0x0  }
0xaa: {  	s25 =	simm.s32 $0x1B8E;
	s24 =	sld [smem:$0x3FFE];
	[sflag:s23] =	ssyncadd.s32 $0xFFFFFFFF  }
0xab: {  	s26 =	simm.s32 $execute0_lowered;
	[smem:$0x3FD2] =	sst s25  }
0xac: {  	s5 =	sshll.u32 s26, $0x1;
	_ =	strace $0x8000004C;
	[dreg:$0x1] =	wrdreg $0xFFFFFFFF  }
0xad: {  	s28 =	simm.s32 $_size_execute0_lowered;
	s3 =	sadd.s32 s3, s5;
	[dreg:$0x0] =	wrdreg $0x0  }
0xae: {  	s5 =	sshll.u32 s28, $0x1;
	[dreg:$0x2] =	wrdreg s3  }
0xaf: {  	[dreg:$0x3] =	wrdreg s5  }
0xb0: {  	[dreg:$0x4] =	wrdreg $0xC0  }
0xb1: {  	_ =	task [dreg:s7], $0x5FFFF  }
0xb2: {  	[dreg:$0x1] =	wrdreg $0xFFFFFFFF  }
0xb3: {  	[dreg:$0x0] =	wrdreg $0x60  }
0xb4: {  	[dreg:$0x2] =	wrdreg s24  }
0xb5: {  	[dreg:$0x3] =	wrdreg s16  }
0xb6: {  	[dreg:$0x4] =	wrdreg $0x84000  }
0xb7: {  	[dreg:$0x5] =	wrdreg $0xD4000  }
0xb8: {  	[dreg:$0x6] =	wrdreg $0x9  }
0xb9: {  	_ =	task.clear_ibuf [dreg:s7], $0x7FFFF;
	_ =	strace $0x9000004C  }
0xba: {  	s29 =	simm.s32 $0x9;
	_ =	strace $0x8000004E  }
0xbb: {  	_ =	swait.ge [sflag:s29], $0x1  }
0xbc: {  	[sflag:s29] =	ssyncadd.s32 $0xFFFFFFFF  }
0xbd: {  	_ =	strace $0x9000004E  }
0xbe: {  	_ =	sfence  }
0xbf: {  	s30 =	sld [smem:$0x0];
	_ =	sdelay $0x2  }
0xc0: {  	s31 =	sshll.u32 s1, $0xD;
	s1 =	sshrl.u32 s1, $0x2  }
0xc1: {  	s3 =	sand.u32 $0x4000, s31;
	s1 =	sadd.s32 s1, s30  }
0xc2: {  	s0 =	sor.u32 s3, s0;
	s1 =	sshll.u32 s1, $0x11  }
0xc3: {  	s0 =	sor.u32 s1, s0  }
0xc4: {  	s0 =	sadd.s32 $0x8F2B, s0  }
0xc5: {  	[sflag:s0] =	ssyncadd.remote.s32 $0x1  }
0xc6: {  	_ =	sfence.sel $0xFFFF  }
0xc7: {  	[dreg:$0x0] =	wrdreg $0xFFFFFFFF;
	(pc) =	sbr.abs _section_cstart, $3  }
0xc8: {  	[dreg:$0x1] =	wrdreg $0xFFFFFFFF  }
0xc9: {  	_ =	task.clear_ibuf [dreg:s7], $0x2FFFF;
	_ =	strace $0x9FFFFFFF  }
0xca: {  	(tm) =	ssettm $0x7FFFFFFF  }
0xcb: {  	_ =	shalt  }
tec
execute0_lowered:
.L_overlay_start_1:
0x0: {  	(tag) =	ssettag $0x1  }
0x1: {  	s5 =	rddreg [dreg:$0x0]  }
0x2: {  	s9 =	rddreg [dreg:$0x1]  }
0x3: {  	s2 =	rddreg [dreg:$0x2]  }
0x4: {  	s3 =	rddreg [dreg:$0x3]  }
0x5: {  	s1 =	stileid.u32;
	s4 =	srdreg.scid;
	s16 =	simm.s32 $0x5  }
0x6: {  	s17 =	simm.s32 $0x7000;
	s18 =	simm.s32 $0x2800;
	s19 =	simm.s32 $0x80  }
0x7: {  	s20 =	simm.s32 $0x5000;
	s21 =	simm.s32 $0x6000;
	s22 =	simm.s32 $0x1  }
0x8: {  	s23 =	simm.s32 $0x2;
	s24 =	simm.s32 $0x3;
	s28 =	simm.s32 $0x4F00  }
0x9: {  	s29 =	simm.s32 $0x4F80;
	s6 =	sand.u32 $0x1, s4;
	s7 =	sshll.u32 s1, $0x1  }
0xa: {  	s4 =	simm.s32 $0x0;
	s10 =	smul.u32 $0x5000, s1;
	s26 =	sshll.u32 s1, $0x6  }
0xb: {  	s14 =	smul.u32 $0x14000, s1;
	s7 =	sor.u32 s6, s7;
	[smem:$0x7FF] =	sst s4  }
0xc: {  	s11 =	ssub.s32 $0x2, s6;
	s13 =	smul.u32 $0x50000, s6;
	s6 =	sor.u32 $0x1C05, s26  }
0xd: {  	s26 =	simm.s32 $0x4;
	s7 =	smul.u32 $0x500, s7;
	_ =	strace $0x8000004D  }
0xe: {  	s8 =	sshrl.u32 s10, $0x3;
	s25 =	sshrl.u32 s11, $0x1;
	s15 =	sadd.s32 s10, s2  }
0xf: {  	s31 =	sshrl.u32 s14, $0x2;
	s8 =	sadd.s32 s8, s5;
	s11 =	ssub.s32 s11, s25  }
0x10: {  	s13 =	sadd.s32 s10, s13;
	s25 =	sadd.s32 s10, s3;
	s10 =	sadd.s32 s31, s3  }
0x11: {  	s15 =	sshrl.u32 s15, $0x3;
	s12 =	sadd.s32 s7, s5;
	s5 =	sadd.s32 $0x66C00, s8  }
0x12: {  	s30 =	sshrl.u32 s13, $0x3;
	s11 =	smax.u32 s11, $0x1;
	s13 =	sadd.s32 $0x2800, s10  }
0x13: {  	s14 =	sadd.s32 $0x3C00, s10;
	s25 =	sshrl.u32 s25, $0x3;
	s7 =	sadd.s32 $0xCC00, s12  }
0x14: {  	v0 =	vimm.f32 $0.0e+00;
	s8 =	sadd.s32 $0x2C00, s12;
	s9 =	sadd.s32 s9, s30;
	s12 =	sadd.s32 $0x1400, s10  }
.LBB2_1:
0x15: {  	[spmem:s15], [sflag:s6] =	dma.local [hbm:s5], $0xA00  }
0x16: {  	_ =	swait.ge [sflag:s16], $0xA00  }
0x17: {  	[sflag:s16] =	ssyncset.done $0x0  }
0x18: {  	s30 =	simm.s32 $0x80;
	s31 =	simm.s32 $0x0;
	[sflag:s16] =	ssyncadd.s32 $0xFFFFF600  }
.LBB2_2:
0x19: {  	p0 =	sne.s32 s30, $0x4F80;
	[tilespmem:s31+$0x7000] =	vst v0;
	s0 =	smov.u32 s30;
	s30 =	sadd.s32 $0x80, s30  }
.Ltmp0:
0x1a: {  	[tilespmem:s31+$0x7010] =	vst v0;
	(pc) =	sbr.rel @p0 .LBB2_2-.Ltmp0, $2  }
0x1b: {  	_ =	sdelay $0x2  }
0x1c: {  	s31 =	sshra.s32 s0, $0x2  }
0x1d: {  	[tilespmem:s31+$0x7000] =	vst v0  }
0x1e: {  	[tilespmem:s31+$0x7010] =	vst v0  }
0x1f: {  	[spmem:s10] =	stream.linear.scatter [tilespmem:s17], [sflag:$0x5], $0x1400, $0x38;
	[tilespmem:$0x12400] =	vst v63  }
0x20: {  	_ =	swait.ge [sflag:s16], $0x1400  }
0x21: {  	[sflag:s16] =	ssyncset.done $0x0  }
0x22: {  	[sflag:s16] =	ssyncadd.s32 $0xFFFFEC00  }
0x23: {  	[spmem:s12] =	stream.linear.scatter [tilespmem:s17], [sflag:$0x5], $0x1400, $0x38;
	[tilespmem:$0x12400] =	vst v63  }
0x24: {  	_ =	swait.ge [sflag:s16], $0x1400  }
0x25: {  	[sflag:s16] =	ssyncset.done $0x0  }
0x26: {  	[sflag:s16] =	ssyncadd.s32 $0xFFFFEC00  }
0x27: {  	[spmem:s13] =	stream.linear.scatter [tilespmem:s17], [sflag:$0x5], $0x1400, $0x38;
	[tilespmem:$0x12400] =	vst v63  }
0x28: {  	_ =	swait.ge [sflag:s16], $0x1400  }
0x29: {  	[sflag:s16] =	ssyncset.done $0x0  }
0x2a: {  	[sflag:s16] =	ssyncadd.s32 $0xFFFFEC00  }
0x2b: {  	[spmem:s14] =	stream.linear.scatter [tilespmem:s17], [sflag:$0x5], $0x1400, $0x38;
	[tilespmem:$0x12400] =	vst v63  }
0x2c: {  	_ =	swait.ge [sflag:s16], $0x1400  }
0x2d: {  	[sflag:s16] =	ssyncset.done $0x0  }
0x2e: {  	s0 =	simm.s32 $0x0;
	[sflag:s16] =	ssyncadd.s32 $0xFFFFEC00  }
0x2f: {  	[tilespmem:s0], [sflag:$0x5] =	stream.linear.gather [hbm4b:s7+s0], $0x2800, $0x38;
	[tilespmem:$0x12400] =	vst v63  }
0x30: {  	_ =	swait.ge [sflag:s16], $0x2800  }
0x31: {  	[sflag:s16] =	ssyncset.done $0x0  }
0x32: {  	[sflag:s16] =	ssyncadd.s32 $0xFFFFD800  }
0x33: {  	[tilespmem:s18], [sflag:$0x5] =	stream.linear.gather [hbm4b:s8+s0], $0x2800, $0x38;
	[tilespmem:$0x12400] =	vst v63  }
0x34: {  	_ =	swait.ge [sflag:s16], $0x2800  }
0x35: {  	[sflag:s16] =	ssyncset.done $0x0  }
0x36: {  	[sflag:s16] =	ssyncadd.s32 $0xFFFFD800  }
0x37: {  	[bflag:$0x0] =	sbarrier.arrive $0xFFFF  }
0x38: {  	[tilespmem:s20], [sflag:$0x1] =	stream.indirect.gather [spmem:s2], $0x20, s0, s19, $0xb8;
	[tilespmem:$0x12400] =	vst v63  }
0x39: {  	_ = 	snop  }
0x3a: {  	[tilespmem:s21], [sflag:$0x2] =	stream.indirect.gather [spmem:s2], $0x20, s19, s19, $0xb8;
	[tilespmem:$0x12400] =	vst v63  }
0x3b: {  	_ =	swait.ge [sflag:s22], $0x1000  }
0x3c: {  	[sflag:s22] =	ssyncset.done $0x0  }
0x3d: {  	s0 =	simm.s32 $0x2800;
	[sflag:s22] =	ssyncadd.s32 $0xFFFFF000  }
0x3e: {  	[spmem:s3] =	stream.indirect.scatter.add.f32 [tilespmem:s20], [sflag:$0x3], $0x20, s0, s19, $0xb8;
	[tilespmem:$0x12400] =	vst v63  }
0x3f: {  	_ =	swait.ge [sflag:s23], $0x1000  }
0x40: {  	[sflag:s23] =	ssyncset.done $0x0  }
0x41: {  	s0 =	simm.s32 $0x2880;
	[sflag:s23] =	ssyncadd.s32 $0xFFFFF000  }
0x42: {  	[spmem:s3] =	stream.indirect.scatter.add.f32 [tilespmem:s21], [sflag:$0x4], $0x20, s0, s19, $0xb8;
	[tilespmem:$0x12400] =	vst v63  }
0x43: {  	_ =	swait.ge [sflag:s24], $0x1000  }
0x44: {  	[sflag:s24] =	ssyncset.done $0x0  }
0x45: {  	s0 =	simm.s32 $0x100;
	[sflag:s24] =	ssyncadd.s32 $0xFFFFF000  }
0x46: {  	[tilespmem:s20], [sflag:$0x1] =	stream.indirect.gather [spmem:s2], $0x20, s0, s19, $0xb8;
	[tilespmem:$0x12400] =	vst v63  }
0x47: {  	_ =	swait.ge [sflag:s26], $0x1000  }
0x48: {  	[sflag:s26] =	ssyncset.done $0x0  }
0x49: {  	s30 =	simm.s32 $0x400;
	s31 =	simm.s32 $0x180;
	[sflag:s26] =	ssyncadd.s32 $0xFFFFF000  }
.LBB2_4:
0x4a: {  	[tilespmem:s21], [sflag:$0x2] =	stream.indirect.gather [spmem:s2], $0x20, s31, s19, $0xb8;
	[tilespmem:$0x12400] =	vst v63  }
0x4b: {  	s0 =	smov.u32 s30  }
0x4c: {  	p0 =	sne.s32 s30, $0x9800;
	s30 =	sadd.s32 $0x400, s30;
	_ =	swait.ge [sflag:s22], $0x1000  }
0x4d: {  	s0 =	sshra.s32 s0, $0x2;
	[sflag:s22] =	ssyncset.done $0x0  }
0x4e: {  	s31 =	sadd.s32 $0x2800, s0;
	[sflag:s22] =	ssyncadd.s32 $0xFFFFF000  }
0x4f: {  	[spmem:s3] =	stream.indirect.scatter.add.f32 [tilespmem:s20], [sflag:$0x3], $0x20, s31, s19, $0xb8;
	[tilespmem:$0x12400] =	vst v63  }
0x50: {  	_ =	swait.ge [sflag:s23], $0x1000  }
0x51: {  	[sflag:s23] =	ssyncset.done $0x0  }
0x52: {  	s31 =	sadd.s32 $0x2880, s0;
	[sflag:s23] =	ssyncadd.s32 $0xFFFFF000  }
0x53: {  	[spmem:s3] =	stream.indirect.scatter.add.f32 [tilespmem:s21], [sflag:$0x4], $0x20, s31, s19, $0xb8;
	[tilespmem:$0x12400] =	vst v63  }
0x54: {  	_ =	swait.ge [sflag:s24], $0x1000  }
0x55: {  	[sflag:s24] =	ssyncset.done $0x0  }
.Ltmp1:
0x56: {  	s31 =	sadd.s32 $0x100, s0;
	[sflag:s24] =	ssyncadd.s32 $0xFFFFF000;
	(pc) =	sbr.rel @p0 .LBB2_4-.Ltmp1, $4  }
0x57: {  	[tilespmem:s20], [sflag:$0x1] =	stream.indirect.gather [spmem:s2], $0x20, s31, s19, $0xb8;
	[tilespmem:$0x12400] =	vst v63  }
0x58: {  	_ =	swait.ge [sflag:s26], $0x1000  }
0x59: {  	[sflag:s26] =	ssyncset.done $0x0  }
0x5a: {  	s31 =	sadd.s32 $0x180, s0;
	[sflag:s26] =	ssyncadd.s32 $0xFFFFF000  }
0x5b: {  	[tilespmem:s21], [sflag:$0x2] =	stream.indirect.gather [spmem:s2], $0x20, s31, s19, $0xb8;
	[tilespmem:$0x12400] =	vst v63  }
0x5c: {  	_ =	swait.ge [sflag:s22], $0x1000  }
0x5d: {  	[sflag:s22] =	ssyncset.done $0x0  }
0x5e: {  	[sflag:s22] =	ssyncadd.s32 $0xFFFFF000  }
0x5f: {  	[spmem:s3] =	stream.indirect.scatter.add.f32 [tilespmem:s20], [sflag:$0x3], $0x20, s28, s19, $0xb8;
	[tilespmem:$0x12400] =	vst v63  }
0x60: {  	_ =	swait.ge [sflag:s23], $0x1000  }
0x61: {  	[sflag:s23] =	ssyncset.done $0x0  }
0x62: {  	[sflag:s23] =	ssyncadd.s32 $0xFFFFF000  }
0x63: {  	[spmem:s3] =	stream.indirect.scatter.add.f32 [tilespmem:s21], [sflag:$0x4], $0x20, s29, s19, $0xb8;
	[tilespmem:$0x12400] =	vst v63  }
0x64: {  	_ =	swait.ge [sflag:s24], $0x1000  }
0x65: {  	[sflag:s24] =	ssyncset.done $0x0  }
0x66: {  	[sflag:s24] =	ssyncadd.s32 $0xFFFFF000  }
0x67: {  	_ =	swait.ge [sflag:s26], $0x1000  }
0x68: {  	s4 =	sadd.s32 $0x1, s4;
	[sflag:s26] =	ssyncset.done $0x0  }
0x69: {  	p0 =	sne.s32 s4, s11;
	[sflag:s26] =	ssyncadd.s32 $0xFFFFF000  }
.Ltmp2:
0x6a: {  	[bflag:$0x0] =	sbarrier.arrive $0xFFFF;
	(pc) =	sbr.rel @p0 .LBB2_1-.Ltmp2, $4  }
0x6b: {  	[hbm:s9], [sflag:s6] =	dma.local [spmem:s25], $0xA00  }
0x6c: {  	_ =	swait.ge [sflag:s16], $0xA00  }
0x6d: {  	[sflag:s16] =	ssyncset.done $0x0  }
0x6e: {  	[sflag:s16] =	ssyncadd.s32 $0xFFFFF600  }
0x6f: {  	_ =	sfence.sel $0x180000  }
0x70: {  	[bflag:$0x0] =	sbarrier.arrive $0xFFFF  }
0x71: {  	_ =	strace $0x9000004D  }
0x72: {  	[bflag:$0x2] =	sbarrier.arrive $0xFFFF  }
0x73: {  	p0 =	sne.s32 s1, $0x0;
	s0 =	rddreg [dreg:$0x4]  }
0x74: {  	s0 =	sadd.s32 @!p0 $0x100000, s0  }
0x75: {  	[sflag:s0] =	ssyncadd.tile.s32 @!p0 $0x1;
	_ =	shalt  }
.Lfunc_end2:
_tile_overlayer_lowered:
.L_overlay_start_2:
0x76: {  	(tag) =	ssettag $0x2  }
0x77: {  	s0 =	rddreg [dreg:$0x0];
	s2 =	stileid.u32  }
0x78: {  	s1 =	rddreg [dreg:$0x1];
	p0 =	sne.s32 s2, $0x0  }
0x79: {  	s3 =	rddreg [dreg:$0x2];
	[bflag:$0x3] =	sbarrier.arrive $0xFFFF;
	s2 =	simm.s32 @!p0 $0x1C05  }
0x7a: {  	[timem:s3], [sflag:s2] =	dma.local @!p0 [hbm:s0], s1  }
0x7b: {  	s0 =	simm.s32 @!p0 $0x5  }
0x7c: {  	_ =	swait.ge @!p0 [sflag:s0], s1  }
0x7d: {  	s1 =	ssub.s32 @!p0 $0x0, s1;
	[sflag:s0] =	ssyncset.done @!p0 $0x0  }
0x7e: {  	[sflag:s0] =	ssyncadd.s32 @!p0 s1  }
0x7f: {  	[bflag:$0x3] =	sbarrier.arrive $0xFFFF  }
0x80: {  	_ =	shalt  }

// kernel: kernel.22.cloned.1.call-start
scs
__scs_entry_jumppad:
0x0: {  	(pc) =	sbr.rel $0x88, $3  }
0x1: {  	(tag) =	ssettag $0x0;
	lr =	simm.s32 $0x1  }
0x2: {  	[smem:$0x3F97] =	sst lr;
	_ =	strace $0xD0000000  }
0x3: {  	_ = 	snop  }
0x4: {  	_ = 	snop  }
0x5: {  	_ = 	snop  }
0x6: {  	_ = 	snop  }
0x7: {  	_ = 	snop  }
__scs_overlays_trampoline_lowered:
0x8: {  	[smem:$0x3FA6] =	sst s0  }
0x9: {  	[smem:$0x3FA7] =	sst s1  }
0xa: {  	[smem:$0x3FA8] =	sst s2  }
0xb: {  	[smem:$0x3FA9] =	sst s3  }
0xc: {  	[smem:$0x3FAA] =	sst s4  }
0xd: {  	[smem:$0x3FAB] =	sst s5  }
0xe: {  	[smem:$0x3FAC] =	sst s6  }
0xf: {  	[smem:$0x3FAD] =	sst s7  }
0x10: {  	[smem:$0x3FAE] =	sst s8  }
0x11: {  	[smem:$0x3FAF] =	sst s9;
	s0 =	simm.s32 @!p0 $0x0  }
0x12: {  	s1 =	sld [smem:$0x3F95];
	s0 =	simm.s32 @p0 $0x1  }
0x13: {  	[smem:$0x3FB0] =	sst s0;
	s0 =	simm.s32 @!p1 $0x0  }
0x14: {  	s2 =	sld [smem:$0x3F94];
	s0 =	simm.s32 @p1 $0x1  }
0x15: {  	[smem:$0x3FB1] =	sst s0;
	s0 =	simm.s32 @!p2 $0x0  }
0x16: {  	s3 =	sld [smem:$0x3FDB];
	s0 =	simm.s32 @p2 $0x1  }
0x17: {  	s4 =	simm.s32 $0x1BF5;
	[smem:$0x3FB3] =	sst s0  }
0x18: {  	s0 =	sld [smem:$0x3F96];
	_ =	swait.ge [sflag:s4], $0x0  }
0x19: {  	s7 =	sld [smem:$0x3F97]  }
0x1a: {  	s8 =	sadd.s32 $0xFFFFE003, lr  }
0x1b: {  	s9 =	sadd.s32 $0xFFFFFEF7, lr;
	s5 =	simm.s32 $0xFFFFFFFF;
	p2 =	slt.u32 s8, $0xFFFFF086  }
0x1c: {  	p1 =	slt.u32 s9, $0xF7A;
	s5 =	simm.s32 @!p2 $0x0  }
0x1d: {  	s5 =	simm.s32 @p1 $0x1;
	p0 =	seq.s32 s7, s2  }
0x1e: {  	s7 =	smul.u32 @!p0 $0xF7A, s2;
	p2 =	seq.s32 @!p0 s5, $0x0  }
0x1f: {  	s9 =	smul.u32 $0xF7A, s1;
	s8 =	simm.s32 @!p0 $0x1BF5;
	p2 =	por !p2, p0  }
0x20: {  	[sflag:s8] =	ssyncset.s32 @!p0 $0xFFFFF086;
	s6 =	sadd.s32 @!p0 s3, s7;
	s7 =	simm.s32 @!p0 $0x108  }
0x21: {  	s3 =	sadd.s32 s3, s9;
	s6 =	sadd.s32 @!p0 $0x88, s6;
	s7 =	simm.s32 @p2 $0x1082  }
0x22: {  	[simem:s7], [sflag:s8] =	dma.local @!p0 [hbm:s6], $0xF7A  }
0x23: {  	s9 =	sor.u32 $0xD0000000, s2;
	s6 =	simm.s32 $0x108;
	_ =	swait.ge @!p0 [sflag:s8], $0x0  }
0x24: {  	s3 =	sadd.s32 $0x88, s3;
	s6 =	simm.s32 @!p1 $0x1082;
	[sflag:s4] =	ssyncset.s32 $0xFFFFF086  }
0x25: {  	[simem:s6], [sflag:s4] =	dma.local [hbm:s3], $0xF7A  }
0x26: {  	[smem:$0x3F97] =	sst s1;
	(tag) =	ssettag s2;
	_ =	strace s9  }
0x27: {  	s1 =	sld [smem:$0x3FA7]  }
0x28: {  	s2 =	sld [smem:$0x3FA8]  }
0x29: {  	s4 =	sld [smem:$0x3FAA]  }
0x2a: {  	p0 =	seq.s32 s5, $0x0;
	s5 =	sld [smem:$0x3FAB]  }
0x2b: {  	s6 =	sld [smem:$0x3FAC]  }
0x2c: {  	s7 =	sld [smem:$0x3FAD]  }
0x2d: {  	s3 =	simm.s32 $0x108;
	s8 =	sld [smem:$0x3FAE]  }
0x2e: {  	s3 =	simm.s32 @!p0 $0x1082;
	s9 =	sld [smem:$0x3FAF]  }
0x2f: {  	lr =	sadd.s32 s0, s3;
	s0 =	sld [smem:$0x3FA6]  }
0x30: {  	s3 =	sld [smem:$0x3FA9]  }
0x31: {  	[smem:$0x3FB2] =	sst s10  }
0x32: {  	s10 =	sld [smem:$0x3FB0];
	_ =	sdelay $0x3  }
0x33: {  	p0 =	seq.s32 s10, $0x1;
	s10 =	sld [smem:$0x3FB2];
	_ =	sdelay $0x3  }
0x34: {  	[smem:$0x3FB2] =	sst s10  }
0x35: {  	s10 =	sld [smem:$0x3FB1];
	_ =	sdelay $0x3  }
0x36: {  	p1 =	seq.s32 s10, $0x1;
	s10 =	sld [smem:$0x3FB2];
	_ =	sdelay $0x3  }
0x37: {  	[smem:$0x3FB2] =	sst s10  }
0x38: {  	s10 =	sld [smem:$0x3FB3]  }
0x39: {  	_ = 	snop;
	(pc) =	sbr.ind lr, $3  }
0x3a: {  	_ = 	snop  }
0x3b: {  	_ = 	snop  }
0x3c: {  	p2 =	seq.s32 s10, $0x1;
	s10 =	sld [smem:$0x3FB2]  }
0x3d: {  	_ =	shalt  }
0x3e: {  	_ =	shalt  }
0x3f: {  	_ =	shalt  }
0x40: {  	_ =	shalt  }
0x41: {  	_ =	shalt  }
0x42: {  	_ =	shalt  }
0x43: {  	_ =	shalt  }
0x44: {  	_ =	shalt  }
0x45: {  	_ =	shalt  }
0x46: {  	_ =	shalt  }
0x47: {  	_ =	shalt  }
0x48: {  	_ =	shalt  }
0x49: {  	_ =	shalt  }
0x4a: {  	_ =	shalt  }
0x4b: {  	_ =	shalt  }
0x4c: {  	_ =	shalt  }
0x4d: {  	_ =	shalt  }
0x4e: {  	_ =	shalt  }
0x4f: {  	_ =	shalt  }
0x50: {  	_ =	shalt  }
0x51: {  	_ =	shalt  }
0x52: {  	_ =	shalt  }
0x53: {  	_ =	shalt  }
0x54: {  	_ =	shalt  }
0x55: {  	_ =	shalt  }
0x56: {  	_ =	shalt  }
0x57: {  	_ =	shalt  }
0x58: {  	_ =	shalt  }
0x59: {  	_ =	shalt  }
0x5a: {  	_ =	shalt  }
0x5b: {  	_ =	shalt  }
0x5c: {  	_ =	shalt  }
0x5d: {  	_ =	shalt  }
0x5e: {  	_ =	shalt  }
0x5f: {  	_ =	shalt  }
0x60: {  	_ =	shalt  }
0x61: {  	_ =	shalt  }
0x62: {  	_ =	shalt  }
0x63: {  	_ =	shalt  }
0x64: {  	_ =	shalt  }
0x65: {  	_ =	shalt  }
0x66: {  	_ =	shalt  }
0x67: {  	_ =	shalt  }
0x68: {  	_ =	shalt  }
0x69: {  	_ =	shalt  }
0x6a: {  	_ =	shalt  }
0x6b: {  	_ =	shalt  }
0x6c: {  	_ =	shalt  }
0x6d: {  	_ =	shalt  }
0x6e: {  	_ =	shalt  }
0x6f: {  	_ =	shalt  }
0x70: {  	_ =	shalt  }
0x71: {  	_ =	shalt  }
0x72: {  	_ =	shalt  }
0x73: {  	_ =	shalt  }
0x74: {  	_ =	shalt  }
0x75: {  	_ =	shalt  }
0x76: {  	_ =	shalt  }
0x77: {  	_ =	shalt  }
0x78: {  	_ =	shalt  }
0x79: {  	_ =	shalt  }
0x7a: {  	_ =	shalt  }
0x7b: {  	_ =	shalt  }
0x7c: {  	_ =	shalt  }
0x7d: {  	_ =	shalt  }
0x7e: {  	_ =	shalt  }
0x7f: {  	_ =	shalt  }
0x80: {  	_ =	shalt  }
0x81: {  	_ =	shalt  }
0x82: {  	_ =	shalt  }
0x83: {  	_ =	shalt  }
0x84: {  	_ =	shalt  }
0x85: {  	_ =	shalt  }
0x86: {  	_ =	shalt  }
0x87: {  	_ =	shalt  }
.Lfunc_end0:
.L_simem_size_0:
called_computation.3_lowered:
.L_overlay_start_0:
0x88: {  	s2 =	sld [smem:$0x3FD9]  }
0x89: {  	s3 =	sld [smem:$0x3FFE];
	_ =	sdelay $0x1  }
0x8a: {  	s1 =	srdreg.scid  }
0x8b: {  	s0 =	sand.u32 $0x1, s1  }
0x8c: {  	s14 =	sshll.u32 s0, $0xA;
	s2 =	sadd.s32 s3, s2  }
0x8d: {  	s2 =	sadd.s32 s2, s14  }
0x8e: {  	[smem:$0x3FBE] =	sst s2  }
0x8f: {  	_ = 	snop  }
0x90: {  	s2 =	sld [smem:$0x3FD0];
	_ =	sdelay $0x2  }
0x91: {  	s15 =	simm.s32 $0xA;
	s4 =	simm.s32 $0x10  }
0x92: {  	[smem:s4], [sflag:s15] =	dma.local [hbm:s2], $0x1  }
0x93: {  	_ =	swait.eq [sflag:s15], $0x1  }
0x94: {  	[sflag:s15] =	ssyncset.done $0x0  }
0x95: {  	[sflag:s15] =	ssyncadd.s32 $0xFFFFFFFF  }
0x96: {  	s16 =	sld [smem:$0x10];
	(tm) =	ssettm $0x1  }
0x97: {  	s17 =	sld [smem:$0x3FFB];
	_ =	sdelay $0x3  }
0x98: {  	_ =	strace s17  }
0x99: {  	s3 =	sld [smem:$0x3FFC];
	_ =	sdelay $0x3  }
0x9a: {  	_ =	strace s3  }
0x9b: {  	s3 =	sld [smem:$0x3FFD];
	_ =	sdelay $0x3  }
0x9c: {  	_ =	strace s3  }
0x9d: {  	_ =	strace $0x8FFFFFFF  }
0x9e: {  	s18 =	sld [smem:$0x3FDB];
	_ =	sdelay $0x1  }
0x9f: {  	s19 =	simm.s32 $_scs_section_size  }
0xa0: {  	s5 =	simm.s32 $_size__tile_overlayer_lowered;
	s6 =	simm.s32 $_tile_overlayer_lowered  }
0xa1: {  	s22 =	simm.s32 $0x1BFF;
	s21 =	sshll.u32 s6, $0x1;
	s3 =	sadd.s32 s19, s18  }
0xa2: {  	s7 =	simm.s32 $0x0;
	s20 =	sshll.u32 s5, $0x1;
	s5 =	sadd.s32 s21, s3  }
0xa3: {  	[timem:s7], [sflag:s22] =	dma.local [hbm:s5], s20  }
0xa4: {  	_ =	swait.ge [sflag:s22], s20  }
0xa5: {  	s4 =	ssub.s32 $0x0, s20;
	[sflag:s22] =	ssyncset.done $0x0  }
0xa6: {  	[sflag:s22] =	ssyncadd.s32 s4;
	_ =	sdelay $0x1  }
0xa7: {  	s23 =	simm.s32 $0x1B8B  }
0xa8: {  	_ =	swait.ge [sflag:s23], $0x1  }
0xa9: {  	[sflag:s23] =	ssyncset.done $0x0  }
0xaa: {  	s25 =	simm.s32 $0x1B8E;
	s24 =	sld [smem:$0x3FFE];
	[sflag:s23] =	ssyncadd.s32 $0xFFFFFFFF  }
0xab: {  	s26 =	simm.s32 $execute0_lowered;
	[smem:$0x3FD2] =	sst s25  }
0xac: {  	s5 =	sshll.u32 s26, $0x1;
	_ =	strace $0x8000004F;
	[dreg:$0x1] =	wrdreg $0xFFFFFFFF  }
0xad: {  	s28 =	simm.s32 $_size_execute0_lowered;
	s3 =	sadd.s32 s3, s5;
	[dreg:$0x0] =	wrdreg $0x0  }
0xae: {  	s5 =	sshll.u32 s28, $0x1;
	[dreg:$0x2] =	wrdreg s3  }
0xaf: {  	[dreg:$0x3] =	wrdreg s5  }
0xb0: {  	[dreg:$0x4] =	wrdreg $0xC0  }
0xb1: {  	_ =	task [dreg:s7], $0x5FFFF  }
0xb2: {  	[dreg:$0x1] =	wrdreg $0xFFFFFFFF  }
0xb3: {  	[dreg:$0x0] =	wrdreg $0x60  }
0xb4: {  	[dreg:$0x2] =	wrdreg s24  }
0xb5: {  	[dreg:$0x3] =	wrdreg s16  }
0xb6: {  	[dreg:$0x4] =	wrdreg $0x84000  }
0xb7: {  	[dreg:$0x5] =	wrdreg $0xD4000  }
0xb8: {  	[dreg:$0x6] =	wrdreg $0x9  }
0xb9: {  	_ =	task.clear_ibuf [dreg:s7], $0x7FFFF;
	_ =	strace $0x9000004F  }
0xba: {  	s29 =	simm.s32 $0x9;
	_ =	strace $0x80000051  }
0xbb: {  	_ =	swait.ge [sflag:s29], $0x1  }
0xbc: {  	[sflag:s29] =	ssyncadd.s32 $0xFFFFFFFF  }
0xbd: {  	_ =	strace $0x90000051  }
0xbe: {  	_ =	sfence  }
0xbf: {  	s30 =	sld [smem:$0x0];
	_ =	sdelay $0x2  }
0xc0: {  	s31 =	sshll.u32 s1, $0xD;
	s1 =	sshrl.u32 s1, $0x2  }
0xc1: {  	s3 =	sand.u32 $0x4000, s31;
	s1 =	sadd.s32 s1, s30  }
0xc2: {  	s0 =	sor.u32 s3, s0;
	s1 =	sshll.u32 s1, $0x11  }
0xc3: {  	s0 =	sor.u32 s1, s0  }
0xc4: {  	s0 =	sadd.s32 $0x8F2B, s0  }
0xc5: {  	[sflag:s0] =	ssyncadd.remote.s32 $0x1  }
0xc6: {  	_ =	sfence.sel $0xFFFF  }
0xc7: {  	[dreg:$0x0] =	wrdreg $0xFFFFFFFF;
	(pc) =	sbr.abs _section_cstart, $3  }
0xc8: {  	[dreg:$0x1] =	wrdreg $0xFFFFFFFF  }
0xc9: {  	_ =	task.clear_ibuf [dreg:s7], $0x2FFFF;
	_ =	strace $0x9FFFFFFF  }
0xca: {  	(tm) =	ssettm $0x7FFFFFFF  }
0xcb: {  	_ =	shalt  }
tec
execute0_lowered:
.L_overlay_start_1:
0x0: {  	(tag) =	ssettag $0x1  }
0x1: {  	s5 =	rddreg [dreg:$0x0]  }
0x2: {  	s9 =	rddreg [dreg:$0x1]  }
0x3: {  	s2 =	rddreg [dreg:$0x2]  }
0x4: {  	s3 =	rddreg [dreg:$0x3]  }
0x5: {  	s1 =	stileid.u32;
	s4 =	srdreg.scid;
	s16 =	simm.s32 $0x5  }
0x6: {  	s17 =	simm.s32 $0x7000;
	s18 =	simm.s32 $0x2800;
	s19 =	simm.s32 $0x80  }
0x7: {  	s20 =	simm.s32 $0x5000;
	s21 =	simm.s32 $0x6000;
	s22 =	simm.s32 $0x1  }
0x8: {  	s23 =	simm.s32 $0x2;
	s24 =	simm.s32 $0x3;
	s28 =	simm.s32 $0x4F00  }
0x9: {  	s29 =	simm.s32 $0x4F80;
	s6 =	sand.u32 $0x1, s4;
	s7 =	sshll.u32 s1, $0x1  }
0xa: {  	s4 =	simm.s32 $0x0;
	s10 =	smul.u32 $0x5000, s1;
	s26 =	sshll.u32 s1, $0x6  }
0xb: {  	s14 =	smul.u32 $0x14000, s1;
	s7 =	sor.u32 s6, s7;
	[smem:$0x7FF] =	sst s4  }
0xc: {  	s11 =	ssub.s32 $0x2, s6;
	s13 =	smul.u32 $0x50000, s6;
	s6 =	sor.u32 $0x1C05, s26  }
0xd: {  	s26 =	simm.s32 $0x4;
	s7 =	smul.u32 $0x500, s7;
	_ =	strace $0x80000050  }
0xe: {  	s8 =	sshrl.u32 s10, $0x3;
	s25 =	sshrl.u32 s11, $0x1;
	s15 =	sadd.s32 s10, s2  }
0xf: {  	s31 =	sshrl.u32 s14, $0x2;
	s8 =	sadd.s32 s8, s5;
	s11 =	ssub.s32 s11, s25  }
0x10: {  	s13 =	sadd.s32 s10, s13;
	s25 =	sadd.s32 s10, s3;
	s10 =	sadd.s32 s31, s3  }
0x11: {  	s15 =	sshrl.u32 s15, $0x3;
	s12 =	sadd.s32 s7, s5;
	s5 =	sadd.s32 $0x66C00, s8  }
0x12: {  	s30 =	sshrl.u32 s13, $0x3;
	s11 =	smax.u32 s11, $0x1;
	s13 =	sadd.s32 $0x2800, s10  }
0x13: {  	s14 =	sadd.s32 $0x3C00, s10;
	s25 =	sshrl.u32 s25, $0x3;
	s7 =	sadd.s32 $0xCC00, s12  }
0x14: {  	v0 =	vimm.f32 $0.0e+00;
	s8 =	sadd.s32 $0x2C00, s12;
	s9 =	sadd.s32 s9, s30;
	s12 =	sadd.s32 $0x1400, s10  }
.LBB2_1:
0x15: {  	[spmem:s15], [sflag:s6] =	dma.local [hbm:s5], $0xA00  }
0x16: {  	_ =	swait.ge [sflag:s16], $0xA00  }
0x17: {  	[sflag:s16] =	ssyncset.done $0x0  }
0x18: {  	s30 =	simm.s32 $0x80;
	s31 =	simm.s32 $0x0;
	[sflag:s16] =	ssyncadd.s32 $0xFFFFF600  }
.LBB2_2:
0x19: {  	p0 =	sne.s32 s30, $0x4F80;
	[tilespmem:s31+$0x7000] =	vst v0;
	s0 =	smov.u32 s30;
	s30 =	sadd.s32 $0x80, s30  }
.Ltmp0:
0x1a: {  	[tilespmem:s31+$0x7010] =	vst v0;
	(pc) =	sbr.rel @p0 .LBB2_2-.Ltmp0, $2  }
0x1b: {  	_ =	sdelay $0x2  }
0x1c: {  	s31 =	sshra.s32 s0, $0x2  }
0x1d: {  	[tilespmem:s31+$0x7000] =	vst v0  }
0x1e: {  	[tilespmem:s31+$0x7010] =	vst v0  }
0x1f: {  	[spmem:s10] =	stream.linear.scatter [tilespmem:s17], [sflag:$0x5], $0x1400, $0x38;
	[tilespmem:$0x12400] =	vst v63  }
0x20: {  	_ =	swait.ge [sflag:s16], $0x1400  }
0x21: {  	[sflag:s16] =	ssyncset.done $0x0  }
0x22: {  	[sflag:s16] =	ssyncadd.s32 $0xFFFFEC00  }
0x23: {  	[spmem:s12] =	stream.linear.scatter [tilespmem:s17], [sflag:$0x5], $0x1400, $0x38;
	[tilespmem:$0x12400] =	vst v63  }
0x24: {  	_ =	swait.ge [sflag:s16], $0x1400  }
0x25: {  	[sflag:s16] =	ssyncset.done $0x0  }
0x26: {  	[sflag:s16] =	ssyncadd.s32 $0xFFFFEC00  }
0x27: {  	[spmem:s13] =	stream.linear.scatter [tilespmem:s17], [sflag:$0x5], $0x1400, $0x38;
	[tilespmem:$0x12400] =	vst v63  }
0x28: {  	_ =	swait.ge [sflag:s16], $0x1400  }
0x29: {  	[sflag:s16] =	ssyncset.done $0x0  }
0x2a: {  	[sflag:s16] =	ssyncadd.s32 $0xFFFFEC00  }
0x2b: {  	[spmem:s14] =	stream.linear.scatter [tilespmem:s17], [sflag:$0x5], $0x1400, $0x38;
	[tilespmem:$0x12400] =	vst v63  }
0x2c: {  	_ =	swait.ge [sflag:s16], $0x1400  }
0x2d: {  	[sflag:s16] =	ssyncset.done $0x0  }
0x2e: {  	s0 =	simm.s32 $0x0;
	[sflag:s16] =	ssyncadd.s32 $0xFFFFEC00  }
0x2f: {  	[tilespmem:s0], [sflag:$0x5] =	stream.linear.gather [hbm4b:s7+s0], $0x2800, $0x38;
	[tilespmem:$0x12400] =	vst v63  }
0x30: {  	_ =	swait.ge [sflag:s16], $0x2800  }
0x31: {  	[sflag:s16] =	ssyncset.done $0x0  }
0x32: {  	[sflag:s16] =	ssyncadd.s32 $0xFFFFD800  }
0x33: {  	[tilespmem:s18], [sflag:$0x5] =	stream.linear.gather [hbm4b:s8+s0], $0x2800, $0x38;
	[tilespmem:$0x12400] =	vst v63  }
0x34: {  	_ =	swait.ge [sflag:s16], $0x2800  }
0x35: {  	[sflag:s16] =	ssyncset.done $0x0  }
0x36: {  	[sflag:s16] =	ssyncadd.s32 $0xFFFFD800  }
0x37: {  	[bflag:$0x0] =	sbarrier.arrive $0xFFFF  }
0x38: {  	[tilespmem:s20], [sflag:$0x1] =	stream.indirect.gather [spmem:s2], $0x20, s0, s19, $0xb8;
	[tilespmem:$0x12400] =	vst v63  }
0x39: {  	_ = 	snop  }
0x3a: {  	[tilespmem:s21], [sflag:$0x2] =	stream.indirect.gather [spmem:s2], $0x20, s19, s19, $0xb8;
	[tilespmem:$0x12400] =	vst v63  }
0x3b: {  	_ =	swait.ge [sflag:s22], $0x1000  }
0x3c: {  	[sflag:s22] =	ssyncset.done $0x0  }
0x3d: {  	s0 =	simm.s32 $0x2800;
	[sflag:s22] =	ssyncadd.s32 $0xFFFFF000  }
0x3e: {  	[spmem:s3] =	stream.indirect.scatter.add.f32 [tilespmem:s20], [sflag:$0x3], $0x20, s0, s19, $0xb8;
	[tilespmem:$0x12400] =	vst v63  }
0x3f: {  	_ =	swait.ge [sflag:s23], $0x1000  }
0x40: {  	[sflag:s23] =	ssyncset.done $0x0  }
0x41: {  	s0 =	simm.s32 $0x2880;
	[sflag:s23] =	ssyncadd.s32 $0xFFFFF000  }
0x42: {  	[spmem:s3] =	stream.indirect.scatter.add.f32 [tilespmem:s21], [sflag:$0x4], $0x20, s0, s19, $0xb8;
	[tilespmem:$0x12400] =	vst v63  }
0x43: {  	_ =	swait.ge [sflag:s24], $0x1000  }
0x44: {  	[sflag:s24] =	ssyncset.done $0x0  }
0x45: {  	s0 =	simm.s32 $0x100;
	[sflag:s24] =	ssyncadd.s32 $0xFFFFF000  }
0x46: {  	[tilespmem:s20], [sflag:$0x1] =	stream.indirect.gather [spmem:s2], $0x20, s0, s19, $0xb8;
	[tilespmem:$0x12400] =	vst v63  }
0x47: {  	_ =	swait.ge [sflag:s26], $0x1000  }
0x48: {  	[sflag:s26] =	ssyncset.done $0x0  }
0x49: {  	s30 =	simm.s32 $0x400;
	s31 =	simm.s32 $0x180;
	[sflag:s26] =	ssyncadd.s32 $0xFFFFF000  }
.LBB2_4:
0x4a: {  	[tilespmem:s21], [sflag:$0x2] =	stream.indirect.gather [spmem:s2], $0x20, s31, s19, $0xb8;
	[tilespmem:$0x12400] =	vst v63  }
0x4b: {  	s0 =	smov.u32 s30  }
0x4c: {  	p0 =	sne.s32 s30, $0x9800;
	s30 =	sadd.s32 $0x400, s30;
	_ =	swait.ge [sflag:s22], $0x1000  }
0x4d: {  	s0 =	sshra.s32 s0, $0x2;
	[sflag:s22] =	ssyncset.done $0x0  }
0x4e: {  	s31 =	sadd.s32 $0x2800, s0;
	[sflag:s22] =	ssyncadd.s32 $0xFFFFF000  }
0x4f: {  	[spmem:s3] =	stream.indirect.scatter.add.f32 [tilespmem:s20], [sflag:$0x3], $0x20, s31, s19, $0xb8;
	[tilespmem:$0x12400] =	vst v63  }
0x50: {  	_ =	swait.ge [sflag:s23], $0x1000  }
0x51: {  	[sflag:s23] =	ssyncset.done $0x0  }
0x52: {  	s31 =	sadd.s32 $0x2880, s0;
	[sflag:s23] =	ssyncadd.s32 $0xFFFFF000  }
0x53: {  	[spmem:s3] =	stream.indirect.scatter.add.f32 [tilespmem:s21], [sflag:$0x4], $0x20, s31, s19, $0xb8;
	[tilespmem:$0x12400] =	vst v63  }
0x54: {  	_ =	swait.ge [sflag:s24], $0x1000  }
0x55: {  	[sflag:s24] =	ssyncset.done $0x0  }
.Ltmp1:
0x56: {  	s31 =	sadd.s32 $0x100, s0;
	[sflag:s24] =	ssyncadd.s32 $0xFFFFF000;
	(pc) =	sbr.rel @p0 .LBB2_4-.Ltmp1, $4  }
0x57: {  	[tilespmem:s20], [sflag:$0x1] =	stream.indirect.gather [spmem:s2], $0x20, s31, s19, $0xb8;
	[tilespmem:$0x12400] =	vst v63  }
0x58: {  	_ =	swait.ge [sflag:s26], $0x1000  }
0x59: {  	[sflag:s26] =	ssyncset.done $0x0  }
0x5a: {  	s31 =	sadd.s32 $0x180, s0;
	[sflag:s26] =	ssyncadd.s32 $0xFFFFF000  }
0x5b: {  	[tilespmem:s21], [sflag:$0x2] =	stream.indirect.gather [spmem:s2], $0x20, s31, s19, $0xb8;
	[tilespmem:$0x12400] =	vst v63  }
0x5c: {  	_ =	swait.ge [sflag:s22], $0x1000  }
0x5d: {  	[sflag:s22] =	ssyncset.done $0x0  }
0x5e: {  	[sflag:s22] =	ssyncadd.s32 $0xFFFFF000  }
0x5f: {  	[spmem:s3] =	stream.indirect.scatter.add.f32 [tilespmem:s20], [sflag:$0x3], $0x20, s28, s19, $0xb8;
	[tilespmem:$0x12400] =	vst v63  }
0x60: {  	_ =	swait.ge [sflag:s23], $0x1000  }
0x61: {  	[sflag:s23] =	ssyncset.done $0x0  }
0x62: {  	[sflag:s23] =	ssyncadd.s32 $0xFFFFF000  }
0x63: {  	[spmem:s3] =	stream.indirect.scatter.add.f32 [tilespmem:s21], [sflag:$0x4], $0x20, s29, s19, $0xb8;
	[tilespmem:$0x12400] =	vst v63  }
0x64: {  	_ =	swait.ge [sflag:s24], $0x1000  }
0x65: {  	[sflag:s24] =	ssyncset.done $0x0  }
0x66: {  	[sflag:s24] =	ssyncadd.s32 $0xFFFFF000  }
0x67: {  	_ =	swait.ge [sflag:s26], $0x1000  }
0x68: {  	s4 =	sadd.s32 $0x1, s4;
	[sflag:s26] =	ssyncset.done $0x0  }
0x69: {  	p0 =	sne.s32 s4, s11;
	[sflag:s26] =	ssyncadd.s32 $0xFFFFF000  }
.Ltmp2:
0x6a: {  	[bflag:$0x0] =	sbarrier.arrive $0xFFFF;
	(pc) =	sbr.rel @p0 .LBB2_1-.Ltmp2, $4  }
0x6b: {  	[hbm:s9], [sflag:s6] =	dma.local [spmem:s25], $0xA00  }
0x6c: {  	_ =	swait.ge [sflag:s16], $0xA00  }
0x6d: {  	[sflag:s16] =	ssyncset.done $0x0  }
0x6e: {  	[sflag:s16] =	ssyncadd.s32 $0xFFFFF600  }
0x6f: {  	_ =	sfence.sel $0x180000  }
0x70: {  	[bflag:$0x0] =	sbarrier.arrive $0xFFFF  }
0x71: {  	_ =	strace $0x90000050  }
0x72: {  	[bflag:$0x2] =	sbarrier.arrive $0xFFFF  }
0x73: {  	p0 =	sne.s32 s1, $0x0;
	s0 =	rddreg [dreg:$0x4]  }
0x74: {  	s0 =	sadd.s32 @!p0 $0x100000, s0  }
0x75: {  	[sflag:s0] =	ssyncadd.tile.s32 @!p0 $0x1;
	_ =	shalt  }
.Lfunc_end2:
_tile_overlayer_lowered:
.L_overlay_start_2:
0x76: {  	(tag) =	ssettag $0x2  }
0x77: {  	s0 =	rddreg [dreg:$0x0];
	s2 =	stileid.u32  }
0x78: {  	s1 =	rddreg [dreg:$0x1];
	p0 =	sne.s32 s2, $0x0  }
0x79: {  	s3 =	rddreg [dreg:$0x2];
	[bflag:$0x3] =	sbarrier.arrive $0xFFFF;
	s2 =	simm.s32 @!p0 $0x1C05  }
0x7a: {  	[timem:s3], [sflag:s2] =	dma.local @!p0 [hbm:s0], s1  }
0x7b: {  	s0 =	simm.s32 @!p0 $0x5  }
0x7c: {  	_ =	swait.ge @!p0 [sflag:s0], s1  }
0x7d: {  	s1 =	ssub.s32 @!p0 $0x0, s1;
	[sflag:s0] =	ssyncset.done @!p0 $0x0  }
0x7e: {  	[sflag:s0] =	ssyncadd.s32 @!p0 s1  }
0x7f: {  	[bflag:$0x3] =	sbarrier.arrive $0xFFFF  }
0x80: {  	_ =	shalt  }

// kernel: kernel.25.cloned.1.call-start
scs
__scs_entry_jumppad:
0x0: {  	(pc) =	sbr.rel $0x88, $3  }
0x1: {  	(tag) =	ssettag $0x0;
	lr =	simm.s32 $0x1  }
0x2: {  	[smem:$0x3F97] =	sst lr;
	_ =	strace $0xD0000000  }
0x3: {  	_ = 	snop  }
0x4: {  	_ = 	snop  }
0x5: {  	_ = 	snop  }
0x6: {  	_ = 	snop  }
0x7: {  	_ = 	snop  }
__scs_overlays_trampoline_lowered:
0x8: {  	[smem:$0x3FA6] =	sst s0  }
0x9: {  	[smem:$0x3FA7] =	sst s1  }
0xa: {  	[smem:$0x3FA8] =	sst s2  }
0xb: {  	[smem:$0x3FA9] =	sst s3  }
0xc: {  	[smem:$0x3FAA] =	sst s4  }
0xd: {  	[smem:$0x3FAB] =	sst s5  }
0xe: {  	[smem:$0x3FAC] =	sst s6  }
0xf: {  	[smem:$0x3FAD] =	sst s7  }
0x10: {  	[smem:$0x3FAE] =	sst s8  }
0x11: {  	[smem:$0x3FAF] =	sst s9;
	s0 =	simm.s32 @!p0 $0x0  }
0x12: {  	s1 =	sld [smem:$0x3F95];
	s0 =	simm.s32 @p0 $0x1  }
0x13: {  	[smem:$0x3FB0] =	sst s0;
	s0 =	simm.s32 @!p1 $0x0  }
0x14: {  	s2 =	sld [smem:$0x3F94];
	s0 =	simm.s32 @p1 $0x1  }
0x15: {  	[smem:$0x3FB1] =	sst s0;
	s0 =	simm.s32 @!p2 $0x0  }
0x16: {  	s3 =	sld [smem:$0x3FDB];
	s0 =	simm.s32 @p2 $0x1  }
0x17: {  	s4 =	simm.s32 $0x1BF5;
	[smem:$0x3FB3] =	sst s0  }
0x18: {  	s0 =	sld [smem:$0x3F96];
	_ =	swait.ge [sflag:s4], $0x0  }
0x19: {  	s7 =	sld [smem:$0x3F97]  }
0x1a: {  	s8 =	sadd.s32 $0xFFFFE003, lr  }
0x1b: {  	s9 =	sadd.s32 $0xFFFFFEF7, lr;
	s5 =	simm.s32 $0xFFFFFFFF;
	p2 =	slt.u32 s8, $0xFFFFF086  }
0x1c: {  	p1 =	slt.u32 s9, $0xF7A;
	s5 =	simm.s32 @!p2 $0x0  }
0x1d: {  	s5 =	simm.s32 @p1 $0x1;
	p0 =	seq.s32 s7, s2  }
0x1e: {  	s7 =	smul.u32 @!p0 $0xF7A, s2;
	p2 =	seq.s32 @!p0 s5, $0x0  }
0x1f: {  	s9 =	smul.u32 $0xF7A, s1;
	s8 =	simm.s32 @!p0 $0x1BF5;
	p2 =	por !p2, p0  }
0x20: {  	[sflag:s8] =	ssyncset.s32 @!p0 $0xFFFFF086;
	s6 =	sadd.s32 @!p0 s3, s7;
	s7 =	simm.s32 @!p0 $0x108  }
0x21: {  	s3 =	sadd.s32 s3, s9;
	s6 =	sadd.s32 @!p0 $0x88, s6;
	s7 =	simm.s32 @p2 $0x1082  }
0x22: {  	[simem:s7], [sflag:s8] =	dma.local @!p0 [hbm:s6], $0xF7A  }
0x23: {  	s9 =	sor.u32 $0xD0000000, s2;
	s6 =	simm.s32 $0x108;
	_ =	swait.ge @!p0 [sflag:s8], $0x0  }
0x24: {  	s3 =	sadd.s32 $0x88, s3;
	s6 =	simm.s32 @!p1 $0x1082;
	[sflag:s4] =	ssyncset.s32 $0xFFFFF086  }
0x25: {  	[simem:s6], [sflag:s4] =	dma.local [hbm:s3], $0xF7A  }
0x26: {  	[smem:$0x3F97] =	sst s1;
	(tag) =	ssettag s2;
	_ =	strace s9  }
0x27: {  	s1 =	sld [smem:$0x3FA7]  }
0x28: {  	s2 =	sld [smem:$0x3FA8]  }
0x29: {  	s4 =	sld [smem:$0x3FAA]  }
0x2a: {  	p0 =	seq.s32 s5, $0x0;
	s5 =	sld [smem:$0x3FAB]  }
0x2b: {  	s6 =	sld [smem:$0x3FAC]  }
0x2c: {  	s7 =	sld [smem:$0x3FAD]  }
0x2d: {  	s3 =	simm.s32 $0x108;
	s8 =	sld [smem:$0x3FAE]  }
0x2e: {  	s3 =	simm.s32 @!p0 $0x1082;
	s9 =	sld [smem:$0x3FAF]  }
0x2f: {  	lr =	sadd.s32 s0, s3;
	s0 =	sld [smem:$0x3FA6]  }
0x30: {  	s3 =	sld [smem:$0x3FA9]  }
0x31: {  	[smem:$0x3FB2] =	sst s10  }
0x32: {  	s10 =	sld [smem:$0x3FB0];
	_ =	sdelay $0x3  }
0x33: {  	p0 =	seq.s32 s10, $0x1;
	s10 =	sld [smem:$0x3FB2];
	_ =	sdelay $0x3  }
0x34: {  	[smem:$0x3FB2] =	sst s10  }
0x35: {  	s10 =	sld [smem:$0x3FB1];
	_ =	sdelay $0x3  }
0x36: {  	p1 =	seq.s32 s10, $0x1;
	s10 =	sld [smem:$0x3FB2];
	_ =	sdelay $0x3  }
0x37: {  	[smem:$0x3FB2] =	sst s10  }
0x38: {  	s10 =	sld [smem:$0x3FB3]  }
0x39: {  	_ = 	snop;
	(pc) =	sbr.ind lr, $3  }
0x3a: {  	_ = 	snop  }
0x3b: {  	_ = 	snop  }
0x3c: {  	p2 =	seq.s32 s10, $0x1;
	s10 =	sld [smem:$0x3FB2]  }
0x3d: {  	_ =	shalt  }
0x3e: {  	_ =	shalt  }
0x3f: {  	_ =	shalt  }
0x40: {  	_ =	shalt  }
0x41: {  	_ =	shalt  }
0x42: {  	_ =	shalt  }
0x43: {  	_ =	shalt  }
0x44: {  	_ =	shalt  }
0x45: {  	_ =	shalt  }
0x46: {  	_ =	shalt  }
0x47: {  	_ =	shalt  }
0x48: {  	_ =	shalt  }
0x49: {  	_ =	shalt  }
0x4a: {  	_ =	shalt  }
0x4b: {  	_ =	shalt  }
0x4c: {  	_ =	shalt  }
0x4d: {  	_ =	shalt  }
0x4e: {  	_ =	shalt  }
0x4f: {  	_ =	shalt  }
0x50: {  	_ =	shalt  }
0x51: {  	_ =	shalt  }
0x52: {  	_ =	shalt  }
0x53: {  	_ =	shalt  }
0x54: {  	_ =	shalt  }
0x55: {  	_ =	shalt  }
0x56: {  	_ =	shalt  }
0x57: {  	_ =	shalt  }
0x58: {  	_ =	shalt  }
0x59: {  	_ =	shalt  }
0x5a: {  	_ =	shalt  }
0x5b: {  	_ =	shalt  }
0x5c: {  	_ =	shalt  }
0x5d: {  	_ =	shalt  }
0x5e: {  	_ =	shalt  }
0x5f: {  	_ =	shalt  }
0x60: {  	_ =	shalt  }
0x61: {  	_ =	shalt  }
0x62: {  	_ =	shalt  }
0x63: {  	_ =	shalt  }
0x64: {  	_ =	shalt  }
0x65: {  	_ =	shalt  }
0x66: {  	_ =	shalt  }
0x67: {  	_ =	shalt  }
0x68: {  	_ =	shalt  }
0x69: {  	_ =	shalt  }
0x6a: {  	_ =	shalt  }
0x6b: {  	_ =	shalt  }
0x6c: {  	_ =	shalt  }
0x6d: {  	_ =	shalt  }
0x6e: {  	_ =	shalt  }
0x6f: {  	_ =	shalt  }
0x70: {  	_ =	shalt  }
0x71: {  	_ =	shalt  }
0x72: {  	_ =	shalt  }
0x73: {  	_ =	shalt  }
0x74: {  	_ =	shalt  }
0x75: {  	_ =	shalt  }
0x76: {  	_ =	shalt  }
0x77: {  	_ =	shalt  }
0x78: {  	_ =	shalt  }
0x79: {  	_ =	shalt  }
0x7a: {  	_ =	shalt  }
0x7b: {  	_ =	shalt  }
0x7c: {  	_ =	shalt  }
0x7d: {  	_ =	shalt  }
0x7e: {  	_ =	shalt  }
0x7f: {  	_ =	shalt  }
0x80: {  	_ =	shalt  }
0x81: {  	_ =	shalt  }
0x82: {  	_ =	shalt  }
0x83: {  	_ =	shalt  }
0x84: {  	_ =	shalt  }
0x85: {  	_ =	shalt  }
0x86: {  	_ =	shalt  }
0x87: {  	_ =	shalt  }
.Lfunc_end0:
.L_simem_size_0:
called_computation.4_lowered:
.L_overlay_start_0:
0x88: {  	s2 =	sld [smem:$0x3FD9]  }
0x89: {  	s3 =	sld [smem:$0x3FFE];
	_ =	sdelay $0x1  }
0x8a: {  	s1 =	srdreg.scid  }
0x8b: {  	s0 =	sand.u32 $0x1, s1  }
0x8c: {  	s14 =	sshll.u32 s0, $0xA;
	s2 =	sadd.s32 s3, s2  }
0x8d: {  	s2 =	sadd.s32 s2, s14  }
0x8e: {  	[smem:$0x3FBE] =	sst s2  }
0x8f: {  	_ = 	snop  }
0x90: {  	s2 =	sld [smem:$0x3FD0];
	_ =	sdelay $0x2  }
0x91: {  	s15 =	simm.s32 $0xA;
	s4 =	simm.s32 $0x10  }
0x92: {  	[smem:s4], [sflag:s15] =	dma.local [hbm:s2], $0x1  }
0x93: {  	_ =	swait.eq [sflag:s15], $0x1  }
0x94: {  	[sflag:s15] =	ssyncset.done $0x0  }
0x95: {  	[sflag:s15] =	ssyncadd.s32 $0xFFFFFFFF  }
0x96: {  	s16 =	sld [smem:$0x10];
	(tm) =	ssettm $0x1  }
0x97: {  	s17 =	sld [smem:$0x3FFB];
	_ =	sdelay $0x3  }
0x98: {  	_ =	strace s17  }
0x99: {  	s3 =	sld [smem:$0x3FFC];
	_ =	sdelay $0x3  }
0x9a: {  	_ =	strace s3  }
0x9b: {  	s3 =	sld [smem:$0x3FFD];
	_ =	sdelay $0x3  }
0x9c: {  	_ =	strace s3  }
0x9d: {  	_ =	strace $0x8FFFFFFF  }
0x9e: {  	s18 =	sld [smem:$0x3FDB];
	_ =	sdelay $0x1  }
0x9f: {  	s19 =	simm.s32 $_scs_section_size  }
0xa0: {  	s5 =	simm.s32 $_size__tile_overlayer_lowered;
	s6 =	simm.s32 $_tile_overlayer_lowered  }
0xa1: {  	s22 =	simm.s32 $0x1BFF;
	s21 =	sshll.u32 s6, $0x1;
	s3 =	sadd.s32 s19, s18  }
0xa2: {  	s7 =	simm.s32 $0x0;
	s20 =	sshll.u32 s5, $0x1;
	s5 =	sadd.s32 s21, s3  }
0xa3: {  	[timem:s7], [sflag:s22] =	dma.local [hbm:s5], s20  }
0xa4: {  	_ =	swait.ge [sflag:s22], s20  }
0xa5: {  	s4 =	ssub.s32 $0x0, s20;
	[sflag:s22] =	ssyncset.done $0x0  }
0xa6: {  	[sflag:s22] =	ssyncadd.s32 s4;
	_ =	sdelay $0x1  }
0xa7: {  	s23 =	simm.s32 $0x1B8B  }
0xa8: {  	_ =	swait.ge [sflag:s23], $0x1  }
0xa9: {  	[sflag:s23] =	ssyncset.done $0x0  }
0xaa: {  	s25 =	simm.s32 $0x1B8E;
	s24 =	sld [smem:$0x3FFE];
	[sflag:s23] =	ssyncadd.s32 $0xFFFFFFFF  }
0xab: {  	s26 =	simm.s32 $execute0_lowered;
	[smem:$0x3FD2] =	sst s25  }
0xac: {  	s5 =	sshll.u32 s26, $0x1;
	_ =	strace $0x80000052;
	[dreg:$0x1] =	wrdreg $0xFFFFFFFF  }
0xad: {  	s28 =	simm.s32 $_size_execute0_lowered;
	s3 =	sadd.s32 s3, s5;
	[dreg:$0x0] =	wrdreg $0x0  }
0xae: {  	s5 =	sshll.u32 s28, $0x1;
	[dreg:$0x2] =	wrdreg s3  }
0xaf: {  	[dreg:$0x3] =	wrdreg s5  }
0xb0: {  	[dreg:$0x4] =	wrdreg $0xC0  }
0xb1: {  	_ =	task [dreg:s7], $0x5FFFF  }
0xb2: {  	[dreg:$0x1] =	wrdreg $0xFFFFFFFF  }
0xb3: {  	[dreg:$0x0] =	wrdreg $0x60  }
0xb4: {  	[dreg:$0x2] =	wrdreg s16  }
0xb5: {  	[dreg:$0x3] =	wrdreg s24  }
0xb6: {  	[dreg:$0x4] =	wrdreg $0xB8000  }
0xb7: {  	[dreg:$0x5] =	wrdreg $0x158000  }
0xb8: {  	[dreg:$0x6] =	wrdreg $0x9  }
0xb9: {  	_ =	task.clear_ibuf [dreg:s7], $0x7FFFF;
	_ =	strace $0x90000052  }
0xba: {  	s29 =	simm.s32 $0x9;
	_ =	strace $0x80000054  }
0xbb: {  	_ =	swait.ge [sflag:s29], $0x1  }
0xbc: {  	[sflag:s29] =	ssyncadd.s32 $0xFFFFFFFF  }
0xbd: {  	_ =	strace $0x90000054  }
0xbe: {  	_ =	sfence  }
0xbf: {  	s30 =	sld [smem:$0x0];
	_ =	sdelay $0x2  }
0xc0: {  	s31 =	sshll.u32 s1, $0xD;
	s1 =	sshrl.u32 s1, $0x2  }
0xc1: {  	s3 =	sand.u32 $0x4000, s31;
	s1 =	sadd.s32 s1, s30  }
0xc2: {  	s0 =	sor.u32 s3, s0;
	s1 =	sshll.u32 s1, $0x11  }
0xc3: {  	s0 =	sor.u32 s1, s0  }
0xc4: {  	s0 =	sadd.s32 $0x8F2B, s0  }
0xc5: {  	[sflag:s0] =	ssyncadd.remote.s32 $0x1  }
0xc6: {  	_ =	sfence.sel $0xFFFF  }
0xc7: {  	[dreg:$0x0] =	wrdreg $0xFFFFFFFF;
	(pc) =	sbr.abs _section_cstart, $3  }
0xc8: {  	[dreg:$0x1] =	wrdreg $0xFFFFFFFF  }
0xc9: {  	_ =	task.clear_ibuf [dreg:s7], $0x2FFFF;
	_ =	strace $0x9FFFFFFF  }
0xca: {  	(tm) =	ssettm $0x7FFFFFFF  }
0xcb: {  	_ =	shalt  }
tec
execute0_lowered:
.L_overlay_start_1:
0x0: {  	(tag) =	ssettag $0x1  }
0x1: {  	s5 =	rddreg [dreg:$0x0]  }
0x2: {  	s6 =	rddreg [dreg:$0x1]  }
0x3: {  	s2 =	rddreg [dreg:$0x2]  }
0x4: {  	s3 =	rddreg [dreg:$0x3]  }
0x5: {  	s4 =	srdreg.scid;
	s1 =	stileid.u32;
	s16 =	simm.s32 $0x5  }
0x6: {  	s17 =	simm.s32 $0x9000;
	s18 =	simm.s32 $0x2800;
	s19 =	simm.s32 $0x80  }
0x7: {  	s20 =	simm.s32 $0x5000;
	s21 =	simm.s32 $0x7000;
	s22 =	simm.s32 $0x1  }
0x8: {  	s23 =	simm.s32 $0x2;
	s24 =	simm.s32 $0x3;
	s26 =	simm.s32 $0x4  }
0x9: {  	s28 =	simm.s32 $0x4F00;
	s29 =	simm.s32 $0x4F80;
	s10 =	smul.u32 $0xA000, s1  }
0xa: {  	s7 =	sand.u32 $0x1, s4;
	s4 =	simm.s32 $0x0;
	s12 =	smul.u32 $0x28000, s1  }
0xb: {  	s8 =	sshll.u32 s1, $0x1;
	s31 =	sshll.u32 s1, $0x6;
	s9 =	smul.u32 $0xA0000, s7  }
0xc: {  	[smem:$0x7FF] =	sst s4;
	s8 =	sor.u32 s7, s8;
	s7 =	ssub.s32 $0x2, s7  }
0xd: {  	s8 =	smul.u32 $0x500, s8;
	_ =	strace $0x80000053;
	s11 =	sshrl.u32 s7, $0x1  }
0xe: {  	s30 =	sshrl.u32 s10, $0x3;
	s15 =	sadd.s32 s10, s2;
	s12 =	sshrl.u32 s12, $0x2  }
0xf: {  	s25 =	sadd.s32 s10, s3;
	s9 =	sadd.s32 s10, s9;
	s11 =	ssub.s32 s7, s11  }
0x10: {  	s5 =	sadd.s32 s5, s30;
	s10 =	sadd.s32 s12, s3;
	s15 =	sshrl.u32 s15, $0x3  }
0x11: {  	s25 =	sshrl.u32 s25, $0x3;
	s9 =	sshrl.u32 s9, $0x3;
	s8 =	sadd.s32 s8, s6  }
0x12: {  	s11 =	smax.u32 s11, $0x1;
	s12 =	sadd.s32 $0x2800, s10;
	s13 =	sadd.s32 $0x5000, s10  }
0x13: {  	s14 =	sadd.s32 $0x7800, s10;
	s9 =	sadd.s32 s9, s6;
	s6 =	sor.u32 $0x1C05, s31  }
0x14: {  	v0 =	vimm.f32 $0.0e+00;
	s7 =	sadd.s32 $0xCC00, s8;
	s8 =	sadd.s32 $0x2C00, s8;
	s9 =	sadd.s32 $0x66C00, s9  }
.LBB2_1:
0x15: {  	[spmem:s15], [sflag:s6] =	dma.local [hbm:s5], $0x1400  }
0x16: {  	_ =	swait.ge [sflag:s16], $0x1400  }
0x17: {  	[sflag:s16] =	ssyncset.done $0x0  }
0x18: {  	s31 =	simm.s32 $0x100;
	s30 =	simm.s32 $0x0;
	[sflag:s16] =	ssyncadd.s32 $0xFFFFEC00  }
.LBB2_2:
0x19: {  	p0 =	sne.s32 s31, $0x9F00;
	[tilespmem:s30+$0x9030] =	vst v0;
	s0 =	smov.u32 s31;
	s31 =	sadd.s32 $0x100, s31  }
.Ltmp0:
0x1a: {  	[tilespmem:s30+$0x9020] =	vst v0;
	(pc) =	sbr.rel @p0 .LBB2_2-.Ltmp0, $3  }
0x1b: {  	[tilespmem:s30+$0x9000] =	vst v0  }
0x1c: {  	[tilespmem:s30+$0x9010] =	vst v0;
	_ =	sdelay $0x1  }
0x1d: {  	s30 =	sshra.s32 s0, $0x2  }
0x1e: {  	[tilespmem:s30+$0x9030] =	vst v0  }
0x1f: {  	[tilespmem:s30+$0x9020] =	vst v0  }
0x20: {  	[tilespmem:s30+$0x9000] =	vst v0  }
0x21: {  	[tilespmem:s30+$0x9010] =	vst v0  }
0x22: {  	[spmem:s10] =	stream.linear.scatter [tilespmem:s17], [sflag:$0x5], $0x2800, $0x38;
	[tilespmem:$0x1F800] =	vst v63  }
0x23: {  	_ =	swait.ge [sflag:s16], $0x2800  }
0x24: {  	[sflag:s16] =	ssyncset.done $0x0  }
0x25: {  	[sflag:s16] =	ssyncadd.s32 $0xFFFFD800  }
0x26: {  	[spmem:s12] =	stream.linear.scatter [tilespmem:s17], [sflag:$0x5], $0x2800, $0x38;
	[tilespmem:$0x1F800] =	vst v63  }
0x27: {  	_ =	swait.ge [sflag:s16], $0x2800  }
0x28: {  	[sflag:s16] =	ssyncset.done $0x0  }
0x29: {  	[sflag:s16] =	ssyncadd.s32 $0xFFFFD800  }
0x2a: {  	[spmem:s13] =	stream.linear.scatter [tilespmem:s17], [sflag:$0x5], $0x2800, $0x38;
	[tilespmem:$0x1F800] =	vst v63  }
0x2b: {  	_ =	swait.ge [sflag:s16], $0x2800  }
0x2c: {  	[sflag:s16] =	ssyncset.done $0x0  }
0x2d: {  	[sflag:s16] =	ssyncadd.s32 $0xFFFFD800  }
0x2e: {  	[spmem:s14] =	stream.linear.scatter [tilespmem:s17], [sflag:$0x5], $0x2800, $0x38;
	[tilespmem:$0x1F800] =	vst v63  }
0x2f: {  	_ =	swait.ge [sflag:s16], $0x2800  }
0x30: {  	[sflag:s16] =	ssyncset.done $0x0  }
0x31: {  	s0 =	simm.s32 $0x0;
	[sflag:s16] =	ssyncadd.s32 $0xFFFFD800  }
0x32: {  	[tilespmem:s0], [sflag:$0x5] =	stream.linear.gather [hbm4b:s7+s0], $0x2800, $0x38;
	[tilespmem:$0x1F800] =	vst v63  }
0x33: {  	_ =	swait.ge [sflag:s16], $0x2800  }
0x34: {  	[sflag:s16] =	ssyncset.done $0x0  }
0x35: {  	[sflag:s16] =	ssyncadd.s32 $0xFFFFD800  }
0x36: {  	[tilespmem:s18], [sflag:$0x5] =	stream.linear.gather [hbm4b:s8+s0], $0x2800, $0x38;
	[tilespmem:$0x1F800] =	vst v63  }
0x37: {  	_ =	swait.ge [sflag:s16], $0x2800  }
0x38: {  	[sflag:s16] =	ssyncset.done $0x0  }
0x39: {  	[sflag:s16] =	ssyncadd.s32 $0xFFFFD800  }
0x3a: {  	[bflag:$0x0] =	sbarrier.arrive $0xFFFF  }
0x3b: {  	[tilespmem:s20], [sflag:$0x1] =	stream.indirect.gather [spmem:s2], $0x40, s0, s19, $0xb8;
	[tilespmem:$0x1F800] =	vst v63  }
0x3c: {  	_ = 	snop  }
0x3d: {  	[tilespmem:s21], [sflag:$0x2] =	stream.indirect.gather [spmem:s2], $0x40, s19, s19, $0xb8;
	[tilespmem:$0x1F800] =	vst v63  }
0x3e: {  	_ =	swait.ge [sflag:s22], $0x2000  }
0x3f: {  	[sflag:s22] =	ssyncset.done $0x0  }
0x40: {  	s0 =	simm.s32 $0x2800;
	[sflag:s22] =	ssyncadd.s32 $0xFFFFE000  }
0x41: {  	[spmem:s3] =	stream.indirect.scatter.add.f32 [tilespmem:s20], [sflag:$0x3], $0x40, s0, s19, $0xb8;
	[tilespmem:$0x1F800] =	vst v63  }
0x42: {  	_ =	swait.ge [sflag:s23], $0x2000  }
0x43: {  	[sflag:s23] =	ssyncset.done $0x0  }
0x44: {  	s0 =	simm.s32 $0x2880;
	[sflag:s23] =	ssyncadd.s32 $0xFFFFE000  }
0x45: {  	[spmem:s3] =	stream.indirect.scatter.add.f32 [tilespmem:s21], [sflag:$0x4], $0x40, s0, s19, $0xb8;
	[tilespmem:$0x1F800] =	vst v63  }
0x46: {  	_ =	swait.ge [sflag:s24], $0x2000  }
0x47: {  	[sflag:s24] =	ssyncset.done $0x0  }
0x48: {  	s0 =	simm.s32 $0x100;
	[sflag:s24] =	ssyncadd.s32 $0xFFFFE000  }
0x49: {  	[tilespmem:s20], [sflag:$0x1] =	stream.indirect.gather [spmem:s2], $0x40, s0, s19, $0xb8;
	[tilespmem:$0x1F800] =	vst v63  }
0x4a: {  	_ =	swait.ge [sflag:s26], $0x2000  }
0x4b: {  	[sflag:s26] =	ssyncset.done $0x0  }
0x4c: {  	s30 =	simm.s32 $0x400;
	s31 =	simm.s32 $0x180;
	[sflag:s26] =	ssyncadd.s32 $0xFFFFE000  }
.LBB2_4:
0x4d: {  	[tilespmem:s21], [sflag:$0x2] =	stream.indirect.gather [spmem:s2], $0x40, s31, s19, $0xb8;
	[tilespmem:$0x1F800] =	vst v63  }
0x4e: {  	s0 =	smov.u32 s30  }
0x4f: {  	p0 =	sne.s32 s30, $0x9800;
	s30 =	sadd.s32 $0x400, s30;
	_ =	swait.ge [sflag:s22], $0x2000  }
0x50: {  	s0 =	sshra.s32 s0, $0x2;
	[sflag:s22] =	ssyncset.done $0x0  }
0x51: {  	s31 =	sadd.s32 $0x2800, s0;
	[sflag:s22] =	ssyncadd.s32 $0xFFFFE000  }
0x52: {  	[spmem:s3] =	stream.indirect.scatter.add.f32 [tilespmem:s20], [sflag:$0x3], $0x40, s31, s19, $0xb8;
	[tilespmem:$0x1F800] =	vst v63  }
0x53: {  	_ =	swait.ge [sflag:s23], $0x2000  }
0x54: {  	[sflag:s23] =	ssyncset.done $0x0  }
0x55: {  	s31 =	sadd.s32 $0x2880, s0;
	[sflag:s23] =	ssyncadd.s32 $0xFFFFE000  }
0x56: {  	[spmem:s3] =	stream.indirect.scatter.add.f32 [tilespmem:s21], [sflag:$0x4], $0x40, s31, s19, $0xb8;
	[tilespmem:$0x1F800] =	vst v63  }
0x57: {  	_ =	swait.ge [sflag:s24], $0x2000  }
0x58: {  	[sflag:s24] =	ssyncset.done $0x0  }
.Ltmp1:
0x59: {  	s31 =	sadd.s32 $0x100, s0;
	[sflag:s24] =	ssyncadd.s32 $0xFFFFE000;
	(pc) =	sbr.rel @p0 .LBB2_4-.Ltmp1, $4  }
0x5a: {  	[tilespmem:s20], [sflag:$0x1] =	stream.indirect.gather [spmem:s2], $0x40, s31, s19, $0xb8;
	[tilespmem:$0x1F800] =	vst v63  }
0x5b: {  	_ =	swait.ge [sflag:s26], $0x2000  }
0x5c: {  	[sflag:s26] =	ssyncset.done $0x0  }
0x5d: {  	s31 =	sadd.s32 $0x180, s0;
	[sflag:s26] =	ssyncadd.s32 $0xFFFFE000  }
0x5e: {  	[tilespmem:s21], [sflag:$0x2] =	stream.indirect.gather [spmem:s2], $0x40, s31, s19, $0xb8;
	[tilespmem:$0x1F800] =	vst v63  }
0x5f: {  	_ =	swait.ge [sflag:s22], $0x2000  }
0x60: {  	[sflag:s22] =	ssyncset.done $0x0  }
0x61: {  	[sflag:s22] =	ssyncadd.s32 $0xFFFFE000  }
0x62: {  	[spmem:s3] =	stream.indirect.scatter.add.f32 [tilespmem:s20], [sflag:$0x3], $0x40, s28, s19, $0xb8;
	[tilespmem:$0x1F800] =	vst v63  }
0x63: {  	_ =	swait.ge [sflag:s23], $0x2000  }
0x64: {  	[sflag:s23] =	ssyncset.done $0x0  }
0x65: {  	[sflag:s23] =	ssyncadd.s32 $0xFFFFE000  }
0x66: {  	[spmem:s3] =	stream.indirect.scatter.add.f32 [tilespmem:s21], [sflag:$0x4], $0x40, s29, s19, $0xb8;
	[tilespmem:$0x1F800] =	vst v63  }
0x67: {  	_ =	swait.ge [sflag:s24], $0x2000  }
0x68: {  	[sflag:s24] =	ssyncset.done $0x0  }
0x69: {  	[sflag:s24] =	ssyncadd.s32 $0xFFFFE000  }
0x6a: {  	_ =	swait.ge [sflag:s26], $0x2000  }
0x6b: {  	s4 =	sadd.s32 $0x1, s4;
	[sflag:s26] =	ssyncset.done $0x0  }
0x6c: {  	p0 =	sne.s32 s4, s11;
	[sflag:s26] =	ssyncadd.s32 $0xFFFFE000  }
.Ltmp2:
0x6d: {  	[bflag:$0x0] =	sbarrier.arrive $0xFFFF;
	(pc) =	sbr.rel @p0 .LBB2_1-.Ltmp2, $4  }
0x6e: {  	[hbm:s9], [sflag:s6] =	dma.local [spmem:s25], $0x1400  }
0x6f: {  	_ =	swait.ge [sflag:s16], $0x1400  }
0x70: {  	[sflag:s16] =	ssyncset.done $0x0  }
0x71: {  	[sflag:s16] =	ssyncadd.s32 $0xFFFFEC00  }
0x72: {  	_ =	sfence.sel $0x180000  }
0x73: {  	[bflag:$0x0] =	sbarrier.arrive $0xFFFF  }
0x74: {  	_ =	strace $0x90000053  }
0x75: {  	[bflag:$0x2] =	sbarrier.arrive $0xFFFF  }
0x76: {  	p0 =	sne.s32 s1, $0x0;
	s0 =	rddreg [dreg:$0x4]  }
0x77: {  	s0 =	sadd.s32 @!p0 $0x100000, s0  }
0x78: {  	[sflag:s0] =	ssyncadd.tile.s32 @!p0 $0x1;
	_ =	shalt  }
.Lfunc_end2:
_tile_overlayer_lowered:
.L_overlay_start_2:
0x79: {  	(tag) =	ssettag $0x2  }
0x7a: {  	s0 =	rddreg [dreg:$0x0];
	s2 =	stileid.u32  }
0x7b: {  	s1 =	rddreg [dreg:$0x1];
	p0 =	sne.s32 s2, $0x0  }
0x7c: {  	s3 =	rddreg [dreg:$0x2];
	[bflag:$0x3] =	sbarrier.arrive $0xFFFF;
	s2 =	simm.s32 @!p0 $0x1C05  }
0x7d: {  	[timem:s3], [sflag:s2] =	dma.local @!p0 [hbm:s0], s1  }
0x7e: {  	s0 =	simm.s32 @!p0 $0x5  }
0x7f: {  	_ =	swait.ge @!p0 [sflag:s0], s1  }
0x80: {  	s1 =	ssub.s32 @!p0 $0x0, s1;
	[sflag:s0] =	ssyncset.done @!p0 $0x0  }
0x81: {  	[sflag:s0] =	ssyncadd.s32 @!p0 s1  }
0x82: {  	[bflag:$0x3] =	sbarrier.arrive $0xFFFF  }
0x83: {  	_ =	shalt  }

</sc_bundles>
